<compile_context>
chip_gen: v7x
topology: tpu7x:2x2x1
jax: 0.10.2.dev20260603
libtpu: 0.0.44.dev20260713+nightly
codegen_flags: <defaults>
</compile_context>

<pallas_src>
import functools

import jax
import jax.numpy as jnp
from jax import lax
from jax.experimental import pallas as pl
from jax.experimental.pallas import tpu as pltpu
from jax.experimental.pallas import tpu_sc as plsc

NC = 2
NS = 16
NW = NC * NS
D = 128
BLK = 512
CHUNK = 128


def _sc_mesh():
    return plsc.VectorSubcoreMesh(core_axis_name="c", subcore_axis_name="s")


def _make_deg_kernel(n_pad, jpt):
    rpt = n_pad // NS

    @functools.partial(
        pl.kernel,
        out_type=jax.ShapeDtypeStruct((NC, n_pad), jnp.float32),
        mesh=_sc_mesh(),
        scratch_types=[
            pltpu.VMEM((jpt, CHUNK), jnp.int32),
            pltpu.VMEM((CHUNK,), jnp.float32),
            pltpu.VMEM((rpt,), jnp.float32),
            pltpu.VMEM_SHARED((n_pad,), jnp.float32),
        ],
    )
    def deg_kernel(dst2d, out, idx_v, ones_v, zeros_v, shared):
        c = lax.axis_index("c")
        s = lax.axis_index("s")
        wid = c * NS + s
        pltpu.sync_copy(dst2d.at[pl.ds(wid * jpt, jpt)], idx_v)

        def fill_ones(i, _):
            ones_v[pl.ds(i * 16, 16)] = jnp.full((16,), 1.0, jnp.float32)
            return 0

        lax.fori_loop(0, CHUNK // 16, fill_ones, 0)

        def fill_zeros(i, _):
            zeros_v[pl.ds(i * 16, 16)] = jnp.zeros((16,), jnp.float32)
            return 0

        lax.fori_loop(0, rpt // 16, fill_zeros, 0)
        pltpu.sync_copy(zeros_v, shared.at[pl.ds(s * rpt, rpt)])
        plsc.subcore_barrier()

        def body(j, _):
            pltpu.sync_copy(ones_v, shared.at[idx_v.at[j]], add=True)
            return 0

        lax.fori_loop(0, jpt, body, 0)
        plsc.subcore_barrier()
        pltpu.sync_copy(shared.at[pl.ds(s * rpt, rpt)],
                        out.at[c, pl.ds(s * rpt, rpt)])

    return deg_kernel


def _make_agg_kernel(n_pad, jpt, nw0, nw1):
    rpt = n_pad // NS

    H = jpt * 2 // (nw0 + nw1)
    assert H % 8 == 0 and H >= 4

    @functools.partial(
        pl.kernel,
        out_type=jax.ShapeDtypeStruct((NC, n_pad, D), jnp.float32),
        mesh=_sc_mesh(),
        scratch_types=[
            pltpu.VMEM((H, CHUNK), jnp.int32),
            pltpu.VMEM((H, CHUNK), jnp.int32),
            pltpu.VMEM((CHUNK, D), jnp.float32),
            pltpu.VMEM((CHUNK, D), jnp.float32),
            pltpu.VMEM_SHARED((n_pad, D), jnp.float32),
            pltpu.SemaphoreType.DMA,
            pltpu.SemaphoreType.DMA,
            pltpu.SemaphoreType.DMA,
        ],
    )
    def agg_kernel(m_hbm, src2d, dst2d, out, sidx, didx, buf0, buf1,
                   shared, sem, gsem, ssem):
        bufs = (buf0, buf1)
        c = lax.axis_index("c")
        s = lax.axis_index("s")
        nw = jnp.where(c == 0, nw0, nw1)
        wbase = jnp.where(c == 0, s * nw0, NS * nw0 + s * nw1)

        def load_idx(w):
            base = (wbase + w) * H
            pltpu.async_copy(src2d.at[pl.ds(base, H)], sidx, sem)
            pltpu.async_copy(dst2d.at[pl.ds(base, H)], didx, sem)
            pltpu.make_async_copy(src2d.at[pl.ds(base, H)], sidx, sem).wait()
            pltpu.make_async_copy(dst2d.at[pl.ds(base, H)], didx, sem).wait()

        def start_g(j, r):
            pltpu.async_copy(m_hbm.at[sidx.at[j]], bufs[r], gsem)

        def start_s(j, r):
            pltpu.async_copy(bufs[r], shared.at[didx.at[j]], ssem, add=True)

        def wait_g(j, r):
            pltpu.make_async_copy(m_hbm.at[sidx.at[j]], bufs[r], gsem).wait()

        def wait_s(j, r):
            pltpu.make_async_copy(bufs[r], shared.at[didx.at[j]],
                                  ssem).wait()

        cp_i = pltpu.async_copy(m_hbm.at[pl.ds(s * rpt, rpt)],
                                shared.at[pl.ds(s * rpt, rpt)], gsem)
        load_idx(0)
        cp_i.wait()
        plsc.subcore_barrier()
        if True:

            def body(g, _):
                for r in (0, 1):
                    j = 2 * g + r
                    wait_g(j, r)
                    start_s(j, r)
                    wait_s(j - 1, 1 - r)

                    @pl.when(j + 1 < H)
                    def _():
                        start_g(j + 1, 1 - r)

                return 0

            def run_window(w, _):
                @pl.when(w > 0)
                def _():
                    load_idx(w)

                start_g(0, 0)
                wait_g(0, 0)
                start_s(0, 0)
                start_g(1, 1)
                wait_g(1, 1)
                start_s(1, 1)
                wait_s(0, 0)
                start_g(2, 0)
                lax.fori_loop(1, H // 2, body, 0)
                wait_s(H - 1, 1)
                return 0

            lax.fori_loop(0, nw, run_window, 0)
            plsc.subcore_barrier()
            pltpu.sync_copy(shared.at[pl.ds(s * rpt, rpt)],
                            out.at[c, pl.ds(s * rpt, rpt)])

    return agg_kernel


def _bdot(a, b):
    return jnp.dot(a.astype(jnp.bfloat16), b.astype(jnp.bfloat16),
                   preferred_element_type=jnp.float32)


def _dinv_from(degp_ref):
    deg = degp_ref[0, :] + degp_ref[1, :] + 1.0
    return lax.rsqrt(deg)


def _tc_first(degp, xp, W0, b0, W1):
    n_pad = xp.shape[0]

    def body(degp_ref, x_ref, w0_ref, b0_ref, w1_ref, m_ref):
        dinv = _dinv_from(degp_ref)
        h0 = _bdot(x_ref[...], w0_ref[...]) + b0_ref[...][None, :]
        m_ref[...] = dinv[:, None] * _bdot(h0, w1_ref[...])

    return pl.pallas_call(
        body,
        grid=(n_pad // BLK,),
        in_specs=[
            pl.BlockSpec((2, BLK), lambda i: (0, i)),
            pl.BlockSpec((BLK, D), lambda i: (i, 0)),
            pl.BlockSpec((D, D), lambda i: (0, 0)),
            pl.BlockSpec((D,), lambda i: (0,)),
            pl.BlockSpec((D, D), lambda i: (0, 0)),
        ],
        out_specs=pl.BlockSpec((BLK, D), lambda i: (i, 0)),
        out_shape=jax.ShapeDtypeStruct((n_pad, D), jnp.float32),
    )(degp, xp, W0, b0, W1)


def _tc_mid(degp, part, m_prev, b_prev, W_next):
    n_pad = part.shape[1]

    def body(degp_ref, p_ref, m_ref, b_ref, w_ref, o_ref):
        dinv = _dinv_from(degp_ref)
        agg = p_ref[0] + p_ref[1] - m_ref[...]
        h = jax.nn.relu(dinv[:, None] * agg + b_ref[...][None, :])
        o_ref[...] = dinv[:, None] * _bdot(h, w_ref[...])

    return pl.pallas_call(
        body,
        grid=(n_pad // BLK,),
        in_specs=[
            pl.BlockSpec((2, BLK), lambda i: (0, i)),
            pl.BlockSpec((2, BLK, D), lambda i: (0, i, 0)),
            pl.BlockSpec((BLK, D), lambda i: (i, 0)),
            pl.BlockSpec((D,), lambda i: (0,)),
            pl.BlockSpec((D, D), lambda i: (0, 0)),
        ],
        out_specs=pl.BlockSpec((BLK, D), lambda i: (i, 0)),
        out_shape=jax.ShapeDtypeStruct((n_pad, D), jnp.float32),
    )(degp, part, m_prev, b_prev, W_next)


def _tc_final(degp, part, m3, b3, wf_row, bf2):
    n_pad = part.shape[1]

    def body(degp_ref, p_ref, m_ref, b_ref, wf_ref, bf_ref, o_ref):
        dinv = _dinv_from(degp_ref)
        h3 = (dinv[:, None] * (p_ref[0] + p_ref[1] - m_ref[...])
              + b_ref[...][None, :])
        h3r = h3.astype(jnp.bfloat16).astype(jnp.float32)
        wfr = wf_ref[...].astype(jnp.bfloat16).astype(jnp.float32)
        o_ref[...] = jnp.sum(h3r * wfr, axis=1) + bf_ref[0]

    return pl.pallas_call(
        body,
        grid=(n_pad // BLK,),
        in_specs=[
            pl.BlockSpec((2, BLK), lambda i: (0, i)),
            pl.BlockSpec((2, BLK, D), lambda i: (0, i, 0)),
            pl.BlockSpec((BLK, D), lambda i: (i, 0)),
            pl.BlockSpec((D,), lambda i: (0,)),
            pl.BlockSpec((1, D), lambda i: (0, 0)),
            pl.BlockSpec(memory_space=pltpu.MemorySpace.SMEM),
        ],
        out_specs=pl.BlockSpec((BLK,), lambda i: (i,)),
        out_shape=jax.ShapeDtypeStruct((n_pad,), jnp.float32),
    )(degp, part, m3, b3, wf_row, bf2)


def kernel(x, edge_index, W0, b0, W1, b1, W2, b2, W3, b3, Wf, bf):
    n = x.shape[0]
    e = edge_index.shape[1]
    n_pad = ((n + BLK - 1) // BLK) * BLK
    gran = NW * CHUNK * 8
    e_pad = ((e + gran - 1) // gran) * gran
    jpt = e_pad // (NW * CHUNK)

    npad_ids = jnp.arange(e_pad - e, dtype=jnp.int32)
    pad_src = jnp.full((e_pad - e,), n, jnp.int32)
    pad_dst = n + (npad_ids % (n_pad - n))
    src2d = jnp.concatenate([edge_index[0], pad_src]).reshape(
        e_pad // CHUNK, CHUNK)
    dst2d = jnp.concatenate([edge_index[1], pad_dst]).reshape(
        e_pad // CHUNK, CHUNK)
    xp = jnp.pad(x, ((0, n_pad - n), (0, 0)))
    wf_row = Wf.reshape(1, D)
    bf2 = bf.reshape(1)

    deg_k = _make_deg_kernel(n_pad, jpt)
    agg_k = _make_agg_kernel(n_pad, jpt, 3, 1)

    degp = deg_k(dst2d)
    m1 = _tc_first(degp, xp, W0, b0, W1)
    p1 = agg_k(m1, src2d, dst2d)
    m2 = _tc_mid(degp, p1, m1, b1, W2)
    p2 = agg_k(m2, src2d, dst2d)
    m3 = _tc_mid(degp, p2, m2, b2, W3)
    p3 = agg_k(m3, src2d, dst2d)
    outp = _tc_final(degp, p3, m3, b3, wf_row, bf2)
    return outp[:n]

# --- scband reference (transcript-rebuilt; emitter-appended) ---
"""Pipeline reference for scband-my-gcn-23192823399147 (READ-ONLY COPY).

The authoritative reference and input builder live on the scoring server;
editing this copy changes nothing except your own understanding.
"""

import jax, jax.numpy as jnp
import numpy as np

N = 10000
E = 320000
D_IN = 128
D_H = 128
D_OUT = 1


def _glorot(key, shape):
    fan_in, fan_out = shape[0], shape[1]
    scale = jnp.sqrt(2.0 / (fan_in + fan_out))
    return jax.random.normal(key, shape, dtype=jnp.float32) * scale


def setup_inputs(seed: int = 0) -> dict:
    key = jax.random.key(seed)
    ks = jax.random.split(key, 16)
    x = jax.random.normal(ks[0], (N, D_IN), dtype=jnp.float32)
    edge_index = jax.random.randint(ks[1], (2, E), 0, N, dtype=jnp.int32)
    # initial Linear: in -> hidden
    W0 = _glorot(ks[2], (D_IN, D_H))
    b0 = jnp.zeros((D_H,), jnp.float32)
    # 3 GCNConv layers: hidden -> hidden
    W1 = _glorot(ks[3], (D_H, D_H)); b1 = jnp.zeros((D_H,), jnp.float32)
    W2 = _glorot(ks[4], (D_H, D_H)); b2 = jnp.zeros((D_H,), jnp.float32)
    W3 = _glorot(ks[5], (D_H, D_H)); b3 = jnp.zeros((D_H,), jnp.float32)
    # final Linear: hidden -> out
    Wf = _glorot(ks[6], (D_H, D_OUT))
    bf = jnp.zeros((D_OUT,), jnp.float32)
    return {"x": x, "edge_index": edge_index, "W0": W0, "b0": b0,
            "W1": W1, "b1": b1, "W2": W2, "b2": b2, "W3": W3, "b3": b3,
            "Wf": Wf, "bf": bf}


def _gcn_conv(h, W, b, src, dst, norm):
    m = h @ W
    out = jnp.zeros_like(m).at[dst].add(m[src] * norm[:, None])
    return out + b


def reference(x, edge_index, W0, b0, W1, b1, W2, b2, W3, b3, Wf, bf):
    src = edge_index[0]
    dst = edge_index[1]
    loop = jnp.arange(N, dtype=src.dtype)
    src_f = jnp.concatenate([src, loop])
    dst_f = jnp.concatenate([dst, loop])
    # symmetric GCN normalization with self-loops (PyG gcn_norm)
    deg = jnp.zeros((N,), jnp.float32).at[dst_f].add(1.0)
    dinv = jnp.where(deg > 0, jax.lax.rsqrt(deg), 0.0)
    norm = dinv[src_f] * dinv[dst_f]
    # initial linear
    h = x @ W0 + b0
    # GCN stack (dropout=0.0 -> identity; ReLU between layers, not after last)
    h = _gcn_conv(h, W1, b1, src_f, dst_f, norm)
    h = jax.nn.relu(h)
    h = _gcn_conv(h, W2, b2, src_f, dst_f, norm)
    h = jax.nn.relu(h)
    h = _gcn_conv(h, W3, b3, src_f, dst_f, norm)
    # final linear + squeeze
    out = h @ Wf + bf
    return out.squeeze()

if __name__ == "__main__":
    import jax
    _d = setup_inputs()
    print(jax.jit(kernel)(*tuple(_d.values())))

</pallas_src>

<mosaic_0001>
#map = affine_map<(d0, d1) -> (0, 0)>
module attributes {stable_mosaic.version = 14 : i64} {
  func.func @deg_kernel(%arg0: i32, %arg1: i32, %arg2: memref<2560x128xi32, #tpu.memory_space<hbm>>, %arg3: memref<2x10240xf32, #tpu.memory_space<hbm>>, %arg4: memref<80x128xi32, #tpu.memory_space<vmem>>, %arg5: memref<128xf32, #tpu.memory_space<vmem>>, %arg6: memref<640xf32, #tpu.memory_space<vmem>>, %arg7: memref<10240xf32, #tpu.memory_space<vmem_shared>>) attributes {dimension_semantics = [#tpu.dimension_semantics<core_parallel>, #tpu.dimension_semantics<subcore_parallel>], iteration_bounds = array<i64: 2, 16>, scalar_prefetch = 0 : i64, scratch_operands = 4 : i64, tpu.core_type = #tpu.core_type<sc_vector_subcore>, window_params = [{transform_indices = #map}, {transform_indices = #map}]} {
    %mul3A = arith.constant 16 : i32
    %mul3A_0 = arith.muli %arg0, %mul3A : i32
    %add3A = arith.addi %mul3A_0, %arg1 : i32
    %mul3A_1 = arith.constant 80 : i32
    %mul3A_2 = arith.muli %add3A, %mul3A_1 : i32
    "tpu.region"() ({
      %run_scoped3A = tpu.sem_alloc : memref<!tpu.dma_semaphore, #tpu.memory_space<semaphore_mem>>
      %dma_start3A = arith.constant 0 : i32
      %dma_start3A_30 = tpu.memref_slice %arg2[%mul3A_2, %dma_start3A] : memref<2560x128xi32, #tpu.memory_space<hbm>> -> memref<80x128xi32, #tpu.memory_space<hbm>>
      %dma_start3A_31 = arith.constant 0 : i32
      %dma_start3A_32 = tpu.memref_slice %arg2[%mul3A_2, %dma_start3A_31] : memref<2560x128xi32, #tpu.memory_space<hbm>> -> memref<80x128xi32, #tpu.memory_space<hbm>>
      tpu.enqueue_dma source(%dma_start3A_32 : memref<80x128xi32, #tpu.memory_space<hbm>>) target(%arg4 : memref<80x128xi32, #tpu.memory_space<vmem>>) target_semaphore(%run_scoped3A : memref<!tpu.dma_semaphore, #tpu.memory_space<semaphore_mem>>)
      %dma_wait3A = arith.constant 0 : i32
      %dma_wait3A_33 = tpu.memref_slice %arg2[%mul3A_2, %dma_wait3A] : memref<2560x128xi32, #tpu.memory_space<hbm>> -> memref<80x128xi32, #tpu.memory_space<hbm>>
      %dma_wait3A_34 = arith.constant 0 : i32
      %dma_wait3A_35 = tpu.memref_slice %arg2[%mul3A_2, %dma_wait3A_34] : memref<2560x128xi32, #tpu.memory_space<hbm>> -> memref<80x128xi32, #tpu.memory_space<hbm>>
      tpu.wait_dma2 semaphore(%run_scoped3A : memref<!tpu.dma_semaphore, #tpu.memory_space<semaphore_mem>>) src(%dma_wait3A_35 : memref<80x128xi32, #tpu.memory_space<hbm>>) dst(%arg4 : memref<80x128xi32, #tpu.memory_space<vmem>>)
      tpu.yield
    }) : () -> ()
    %scan3A = arith.constant 0 : i32
    %scan3A_3 = arith.constant 0 : i32
    %scan3A_4 = arith.constant 8 : i32
    %scan3A_5 = arith.addi %scan3A_3, %scan3A_4 : i32
    %scan3A_6 = arith.constant 1 : i32
    %scan3A_7 = scf.for %scan3A_30 = %scan3A_3 to %scan3A_5 step %scan3A_6 iter_args(%scan3A_31 = %scan3A) -> (i32)  : i32 {
      %broadcast_in_dim3A = arith.constant 1.000000e+00 : f32
      %broadcast_in_dim3A_32 = vector.broadcast %broadcast_in_dim3A : f32 to vector<16xf32>
      %mul3A_33 = arith.constant 16 : i32
      %mul3A_34 = arith.muli %scan3A_30, %mul3A_33 : i32
      %swap3A = arith.index_cast %mul3A_34 : i32 to index
      %swap3A_35 = tpu.vector_load %arg5[%swap3A] {strides = array<i32>} : memref<128xf32, #tpu.memory_space<vmem>>, vector<16xf32>,
      %swap3A_36 = vector.shape_cast %swap3A_35 : vector<16xf32> to vector<16xf32>
      %swap3A_37 = vector.shape_cast %broadcast_in_dim3A_32 : vector<16xf32> to vector<16xf32>
      tpu.vector_store %arg5[%swap3A], %swap3A_37 {strides = array<i32>} : memref<128xf32, #tpu.memory_space<vmem>>, vector<16xf32>,
      %scan3A_38 = arith.constant 0 : i32
      scf.yield %scan3A_38 : i32
    }
    %scan3A_8 = arith.constant 8 : i32
    %scan3A_9 = arith.constant 0 : i32
    %scan3A_10 = arith.constant 0 : i32
    %scan3A_11 = arith.constant 40 : i32
    %scan3A_12 = arith.addi %scan3A_10, %scan3A_11 : i32
    %scan3A_13 = arith.constant 1 : i32
    %scan3A_14 = scf.for %scan3A_30 = %scan3A_10 to %scan3A_12 step %scan3A_13 iter_args(%scan3A_31 = %scan3A_9) -> (i32)  : i32 {
      %broadcast_in_dim3A = arith.constant 0.000000e+00 : f32
      %broadcast_in_dim3A_32 = vector.broadcast %broadcast_in_dim3A : f32 to vector<16xf32>
      %mul3A_33 = arith.constant 16 : i32
      %mul3A_34 = arith.muli %scan3A_30, %mul3A_33 : i32
      %swap3A = arith.index_cast %mul3A_34 : i32 to index
      %swap3A_35 = tpu.vector_load %arg6[%swap3A] {strides = array<i32>} : memref<640xf32, #tpu.memory_space<vmem>>, vector<16xf32>,
      %swap3A_36 = vector.shape_cast %swap3A_35 : vector<16xf32> to vector<16xf32>
      %swap3A_37 = vector.shape_cast %broadcast_in_dim3A_32 : vector<16xf32> to vector<16xf32>
      tpu.vector_store %arg6[%swap3A], %swap3A_37 {strides = array<i32>} : memref<640xf32, #tpu.memory_space<vmem>>, vector<16xf32>,
      %scan3A_38 = arith.constant 0 : i32
      scf.yield %scan3A_38 : i32
    }
    %scan3A_15 = arith.constant 40 : i32
    %mul3A_16 = arith.constant 640 : i32
    %mul3A_17 = arith.muli %arg1, %mul3A_16 : i32
    "tpu.region"() ({
      %run_scoped3A = tpu.sem_alloc : memref<!tpu.dma_semaphore, #tpu.memory_space<semaphore_mem>>
      %dma_start3A = tpu.memref_slice %arg7[%mul3A_17] : memref<10240xf32, #tpu.memory_space<vmem_shared>> -> memref<640xf32, #tpu.memory_space<vmem_shared>>
      %dma_start3A_30 = tpu.memref_slice %arg7[%mul3A_17] : memref<10240xf32, #tpu.memory_space<vmem_shared>> -> memref<640xf32, #tpu.memory_space<vmem_shared>>
      tpu.enqueue_dma source(%arg6 : memref<640xf32, #tpu.memory_space<vmem>>) target(%dma_start3A_30 : memref<640xf32, #tpu.memory_space<vmem_shared>>) target_semaphore(%run_scoped3A : memref<!tpu.dma_semaphore, #tpu.memory_space<semaphore_mem>>)
      %dma_wait3A = tpu.memref_slice %arg7[%mul3A_17] : memref<10240xf32, #tpu.memory_space<vmem_shared>> -> memref<640xf32, #tpu.memory_space<vmem_shared>>
      %dma_wait3A_31 = tpu.memref_slice %arg7[%mul3A_17] : memref<10240xf32, #tpu.memory_space<vmem_shared>> -> memref<640xf32, #tpu.memory_space<vmem_shared>>
      tpu.wait_dma2 semaphore(%run_scoped3A : memref<!tpu.dma_semaphore, #tpu.memory_space<semaphore_mem>>) src(%arg6 : memref<640xf32, #tpu.memory_space<vmem>>) dst(%dma_wait3A_31 : memref<640xf32, #tpu.memory_space<vmem_shared>>)
      tpu.yield
    }) : () -> ()
    %barrier3A = arith.constant 0 : index
    tpu.barrier barrier_id(%barrier3A)
    %scan3A_18 = arith.constant 0 : i32
    %scan3A_19 = arith.constant 0 : i32
    %scan3A_20 = arith.constant 80 : i32
    %scan3A_21 = arith.addi %scan3A_19, %scan3A_20 : i32
    %scan3A_22 = arith.constant 1 : i32
    %scan3A_23 = scf.for %scan3A_30 = %scan3A_19 to %scan3A_21 step %scan3A_22 iter_args(%scan3A_31 = %scan3A_18) -> (i32)  : i32 {
      "tpu.region"() ({
        %run_scoped3A = tpu.sem_alloc : memref<!tpu.dma_semaphore, #tpu.memory_space<semaphore_mem>>
        %dma_start3A = arith.constant 0 : i32
        %dma_start3A_33 = tpu.memref_slice %arg4[%scan3A_30, %dma_start3A] : memref<80x128xi32, #tpu.memory_space<vmem>> -> memref<1x128xi32, #tpu.memory_space<vmem>>
        %dma_start3A_34 = tpu.memref_squeeze %dma_start3A_33 : memref<1x128xi32, #tpu.memory_space<vmem>> -> memref<128xi32, #tpu.memory_space<vmem>>
        %dma_start3A_35 = arith.constant 0 : i32
        %dma_start3A_36 = tpu.memref_slice %arg7[%dma_start3A_35] : memref<10240xf32, #tpu.memory_space<vmem_shared>> -> memref<10240xf32, #tpu.memory_space<vmem_shared>>
        tpu.enqueue_indirect_dma source(%arg5 : memref<128xf32, #tpu.memory_space<vmem>>) target(%dma_start3A_36 : memref<10240xf32, #tpu.memory_space<vmem_shared>>) offsets(%dma_start3A_34 : memref<128xi32, #tpu.memory_space<vmem>>) semaphore(%run_scoped3A : memref<!tpu.dma_semaphore, #tpu.memory_space<semaphore_mem>>) {add = true}
        %dma_wait3A = arith.constant 0 : i32
        %dma_wait3A_37 = tpu.memref_slice %arg4[%scan3A_30, %dma_wait3A] : memref<80x128xi32, #tpu.memory_space<vmem>> -> memref<1x128xi32, #tpu.memory_space<vmem>>
        %dma_wait3A_38 = tpu.memref_squeeze %dma_wait3A_37 : memref<1x128xi32, #tpu.memory_space<vmem>> -> memref<128xi32, #tpu.memory_space<vmem>>
        %dma_wait3A_39 = arith.constant 0 : i32
        %dma_wait3A_40 = tpu.memref_slice %arg7[%dma_wait3A_39] : memref<10240xf32, #tpu.memory_space<vmem_shared>> -> memref<10240xf32, #tpu.memory_space<vmem_shared>>
        tpu.wait_indirect_dma semaphore(%run_scoped3A : memref<!tpu.dma_semaphore, #tpu.memory_space<semaphore_mem>>) src(%arg5 : memref<128xf32, #tpu.memory_space<vmem>>) dst(%dma_wait3A_40 : memref<10240xf32, #tpu.memory_space<vmem_shared>>)
        tpu.yield
      }) : () -> ()
      %scan3A_32 = arith.constant 0 : i32
      scf.yield %scan3A_32 : i32
    }
    %scan3A_24 = arith.constant 80 : i32
    %barrier3A_25 = arith.constant 0 : index
    tpu.barrier barrier_id(%barrier3A_25)
    %mul3A_26 = arith.constant 640 : i32
    %mul3A_27 = arith.muli %arg1, %mul3A_26 : i32
    %mul3A_28 = arith.constant 640 : i32
    %mul3A_29 = arith.muli %arg1, %mul3A_28 : i32
    "tpu.region"() ({
      %run_scoped3A = tpu.sem_alloc : memref<!tpu.dma_semaphore, #tpu.memory_space<semaphore_mem>>
      %dma_start3A = tpu.memref_slice %arg3[%arg0, %mul3A_29] : memref<2x10240xf32, #tpu.memory_space<hbm>> -> memref<1x640xf32, #tpu.memory_space<hbm>>
      %dma_start3A_30 = tpu.memref_squeeze %dma_start3A : memref<1x640xf32, #tpu.memory_space<hbm>> -> memref<640xf32, #tpu.memory_space<hbm>>
      %dma_start3A_31 = tpu.memref_slice %arg7[%mul3A_27] : memref<10240xf32, #tpu.memory_space<vmem_shared>> -> memref<640xf32, #tpu.memory_space<vmem_shared>>
      tpu.enqueue_dma source(%dma_start3A_31 : memref<640xf32, #tpu.memory_space<vmem_shared>>) target(%dma_start3A_30 : memref<640xf32, #tpu.memory_space<hbm>>) target_semaphore(%run_scoped3A : memref<!tpu.dma_semaphore, #tpu.memory_space<semaphore_mem>>)
      %dma_wait3A = tpu.memref_slice %arg3[%arg0, %mul3A_29] : memref<2x10240xf32, #tpu.memory_space<hbm>> -> memref<1x640xf32, #tpu.memory_space<hbm>>
      %dma_wait3A_32 = tpu.memref_squeeze %dma_wait3A : memref<1x640xf32, #tpu.memory_space<hbm>> -> memref<640xf32, #tpu.memory_space<hbm>>
      %dma_wait3A_33 = tpu.memref_slice %arg7[%mul3A_27] : memref<10240xf32, #tpu.memory_space<vmem_shared>> -> memref<640xf32, #tpu.memory_space<vmem_shared>>
      tpu.wait_dma2 semaphore(%run_scoped3A : memref<!tpu.dma_semaphore, #tpu.memory_space<semaphore_mem>>) src(%dma_wait3A_33 : memref<640xf32, #tpu.memory_space<vmem_shared>>) dst(%dma_wait3A_32 : memref<640xf32, #tpu.memory_space<hbm>>)
      tpu.yield
    }) : () -> ()
    return
  }
}

#map = affine_map<(d0, d1) -> (0, 0)>
#map1 = affine_map<(d0, d1) -> (0, 0, 0)>
module attributes {stable_mosaic.version = 14 : i64} {
  func.func @agg_kernel(%arg0: i32, %arg1: i32, %arg2: memref<10240x128xf32, #tpu.memory_space<hbm>>, %arg3: memref<2560x128xi32, #tpu.memory_space<hbm>>, %arg4: memref<2560x128xi32, #tpu.memory_space<hbm>>, %arg5: memref<2x10240x128xf32, #tpu.memory_space<hbm>>, %arg6: memref<40x128xi32, #tpu.memory_space<vmem>>, %arg7: memref<40x128xi32, #tpu.memory_space<vmem>>, %arg8: memref<128x128xf32, #tpu.memory_space<vmem>>, %arg9: memref<128x128xf32, #tpu.memory_space<vmem>>, %arg10: memref<10240x128xf32, #tpu.memory_space<vmem_shared>>, %arg11: memref<!tpu.dma_semaphore, #tpu.memory_space<semaphore_mem>>, %arg12: memref<!tpu.dma_semaphore, #tpu.memory_space<semaphore_mem>>, %arg13: memref<!tpu.dma_semaphore, #tpu.memory_space<semaphore_mem>>) attributes {dimension_semantics = [#tpu.dimension_semantics<core_parallel>, #tpu.dimension_semantics<subcore_parallel>], iteration_bounds = array<i64: 2, 16>, scalar_prefetch = 0 : i64, scratch_operands = 8 : i64, tpu.core_type = #tpu.core_type<sc_vector_subcore>, window_params = [{transform_indices = #map}, {transform_indices = #map}, {transform_indices = #map}, {transform_indices = #map1}]} {
    %eq3A = arith.constant 0 : i32
    %eq3A_0 = arith.cmpi eq, %arg0, %eq3A : i32
    %jit3A = arith.constant 3 : i32
    %jit3A_1 = arith.constant 1 : i32
    %select_n3A = arith.select %eq3A_0, %jit3A, %jit3A_1 : i32
    %eq3A_2 = arith.constant 0 : i32
    %eq3A_3 = arith.cmpi eq, %arg0, %eq3A_2 : i32
    %mul3A = arith.constant 3 : i32
    %mul3A_4 = arith.muli %arg1, %mul3A : i32
    %mul3A_5 = arith.constant 1 : i32
    %mul3A_6 = arith.muli %arg1, %mul3A_5 : i32
    %add3A = arith.constant 48 : i32
    %add3A_7 = arith.addi %add3A, %mul3A_6 : i32
    %select_n3A_8 = arith.select %eq3A_3, %mul3A_4, %add3A_7 : i32
    %mul3A_9 = arith.constant 640 : i32
    %mul3A_10 = arith.muli %arg1, %mul3A_9 : i32
    %mul3A_11 = arith.constant 640 : i32
    %mul3A_12 = arith.muli %arg1, %mul3A_11 : i32
    %dma_start3A = arith.constant 0 : i32
    %dma_start3A_13 = tpu.memref_slice %arg10[%mul3A_12, %dma_start3A] : memref<10240x128xf32, #tpu.memory_space<vmem_shared>> -> memref<640x128xf32, #tpu.memory_space<vmem_shared>>
    %dma_start3A_14 = arith.constant 0 : i32
    %dma_start3A_15 = tpu.memref_slice %arg2[%mul3A_10, %dma_start3A_14] : memref<10240x128xf32, #tpu.memory_space<hbm>> -> memref<640x128xf32, #tpu.memory_space<hbm>>
    tpu.enqueue_dma source(%dma_start3A_15 : memref<640x128xf32, #tpu.memory_space<hbm>>) target(%dma_start3A_13 : memref<640x128xf32, #tpu.memory_space<vmem_shared>>) target_semaphore(%arg12 : memref<!tpu.dma_semaphore, #tpu.memory_space<semaphore_mem>>)
    %add3A_16 = arith.constant 0 : i32
    %add3A_17 = arith.addi %select_n3A_8, %add3A_16 : i32
    %mul3A_18 = arith.constant 40 : i32
    %mul3A_19 = arith.muli %add3A_17, %mul3A_18 : i32
    %dma_start3A_20 = arith.constant 0 : i32
    %dma_start3A_21 = tpu.memref_slice %arg3[%mul3A_19, %dma_start3A_20] : memref<2560x128xi32, #tpu.memory_space<hbm>> -> memref<40x128xi32, #tpu.memory_space<hbm>>
    %dma_start3A_22 = arith.constant 0 : i32
    %dma_start3A_23 = tpu.memref_slice %arg3[%mul3A_19, %dma_start3A_22] : memref<2560x128xi32, #tpu.memory_space<hbm>> -> memref<40x128xi32, #tpu.memory_space<hbm>>
    tpu.enqueue_dma source(%dma_start3A_23 : memref<40x128xi32, #tpu.memory_space<hbm>>) target(%arg6 : memref<40x128xi32, #tpu.memory_space<vmem>>) target_semaphore(%arg11 : memref<!tpu.dma_semaphore, #tpu.memory_space<semaphore_mem>>)
    %dma_start3A_24 = arith.constant 0 : i32
    %dma_start3A_25 = tpu.memref_slice %arg4[%mul3A_19, %dma_start3A_24] : memref<2560x128xi32, #tpu.memory_space<hbm>> -> memref<40x128xi32, #tpu.memory_space<hbm>>
    %dma_start3A_26 = arith.constant 0 : i32
    %dma_start3A_27 = tpu.memref_slice %arg4[%mul3A_19, %dma_start3A_26] : memref<2560x128xi32, #tpu.memory_space<hbm>> -> memref<40x128xi32, #tpu.memory_space<hbm>>
    tpu.enqueue_dma source(%dma_start3A_27 : memref<40x128xi32, #tpu.memory_space<hbm>>) target(%arg7 : memref<40x128xi32, #tpu.memory_space<vmem>>) target_semaphore(%arg11 : memref<!tpu.dma_semaphore, #tpu.memory_space<semaphore_mem>>)
    %dma_wait3A = arith.constant 0 : i32
    %dma_wait3A_28 = tpu.memref_slice %arg3[%mul3A_19, %dma_wait3A] : memref<2560x128xi32, #tpu.memory_space<hbm>> -> memref<40x128xi32, #tpu.memory_space<hbm>>
    %dma_wait3A_29 = arith.constant 0 : i32
    %dma_wait3A_30 = tpu.memref_slice %arg3[%mul3A_19, %dma_wait3A_29] : memref<2560x128xi32, #tpu.memory_space<hbm>> -> memref<40x128xi32, #tpu.memory_space<hbm>>
    tpu.wait_dma2 semaphore(%arg11 : memref<!tpu.dma_semaphore, #tpu.memory_space<semaphore_mem>>) src(%dma_wait3A_30 : memref<40x128xi32, #tpu.memory_space<hbm>>) dst(%arg6 : memref<40x128xi32, #tpu.memory_space<vmem>>)
    %dma_wait3A_31 = arith.constant 0 : i32
    %dma_wait3A_32 = tpu.memref_slice %arg4[%mul3A_19, %dma_wait3A_31] : memref<2560x128xi32, #tpu.memory_space<hbm>> -> memref<40x128xi32, #tpu.memory_space<hbm>>
    %dma_wait3A_33 = arith.constant 0 : i32
    %dma_wait3A_34 = tpu.memref_slice %arg4[%mul3A_19, %dma_wait3A_33] : memref<2560x128xi32, #tpu.memory_space<hbm>> -> memref<40x128xi32, #tpu.memory_space<hbm>>
    tpu.wait_dma2 semaphore(%arg11 : memref<!tpu.dma_semaphore, #tpu.memory_space<semaphore_mem>>) src(%dma_wait3A_34 : memref<40x128xi32, #tpu.memory_space<hbm>>) dst(%arg7 : memref<40x128xi32, #tpu.memory_space<vmem>>)
    %dma_wait3A_35 = arith.constant 0 : i32
    %dma_wait3A_36 = tpu.memref_slice %arg10[%mul3A_12, %dma_wait3A_35] : memref<10240x128xf32, #tpu.memory_space<vmem_shared>> -> memref<640x128xf32, #tpu.memory_space<vmem_shared>>
    %dma_wait3A_37 = arith.constant 0 : i32
    %dma_wait3A_38 = tpu.memref_slice %arg2[%mul3A_10, %dma_wait3A_37] : memref<10240x128xf32, #tpu.memory_space<hbm>> -> memref<640x128xf32, #tpu.memory_space<hbm>>
    tpu.wait_dma2 semaphore(%arg12 : memref<!tpu.dma_semaphore, #tpu.memory_space<semaphore_mem>>) src(%dma_wait3A_38 : memref<640x128xf32, #tpu.memory_space<hbm>>) dst(%dma_wait3A_36 : memref<640x128xf32, #tpu.memory_space<vmem_shared>>)
    %barrier3A = arith.constant 0 : index
    tpu.barrier barrier_id(%barrier3A)
    %while3A = arith.constant 0 : i32
    %while3A_39 = arith.constant 0 : i32
    %while3A_40 = arith.subi %select_n3A, %while3A : i32
    %while3A_41 = arith.addi %while3A, %while3A_40 : i32
    %while3A_42 = arith.constant 1 : i32
    %while3A_43 = arith.divsi %while3A_40, %while3A_42 : i32
    %while3A_44 = arith.muli %while3A_43, %while3A_42 : i32
    %while3A_45 = arith.addi %while3A, %while3A_44 : i32
    %while3A_46 = arith.constant 1 : i32
    %while3A_47 = scf.for %while3A_55 = %while3A to %while3A_45 step %while3A_46 iter_args(%while3A_56 = %while3A_39) -> (i32)  : i32 {
      %gt3A = arith.constant 0 : i32
      %gt3A_57 = arith.cmpi sgt, %while3A_55, %gt3A : i32
      %convert_element_type3A = arith.extui %gt3A_57 : i1 to i32
      %cond3A = arith.constant 0 : i32
      %cond3A_58 = arith.cmpi ne, %convert_element_type3A, %cond3A : i32
      scf.if %cond3A_58 {
        %add3A_129 = arith.addi %select_n3A_8, %while3A_55 : i32
        %mul3A_130 = arith.constant 40 : i32
        %mul3A_131 = arith.muli %add3A_129, %mul3A_130 : i32
        %dma_start3A_132 = arith.constant 0 : i32
        %dma_start3A_133 = tpu.memref_slice %arg3[%mul3A_131, %dma_start3A_132] : memref<2560x128xi32, #tpu.memory_space<hbm>> -> memref<40x128xi32, #tpu.memory_space<hbm>>
        %dma_start3A_134 = arith.constant 0 : i32
        %dma_start3A_135 = tpu.memref_slice %arg3[%mul3A_131, %dma_start3A_134] : memref<2560x128xi32, #tpu.memory_space<hbm>> -> memref<40x128xi32, #tpu.memory_space<hbm>>
        tpu.enqueue_dma source(%dma_start3A_135 : memref<40x128xi32, #tpu.memory_space<hbm>>) target(%arg6 : memref<40x128xi32, #tpu.memory_space<vmem>>) target_semaphore(%arg11 : memref<!tpu.dma_semaphore, #tpu.memory_space<semaphore_mem>>)
        %dma_start3A_136 = arith.constant 0 : i32
        %dma_start3A_137 = tpu.memref_slice %arg4[%mul3A_131, %dma_start3A_136] : memref<2560x128xi32, #tpu.memory_space<hbm>> -> memref<40x128xi32, #tpu.memory_space<hbm>>
        %dma_start3A_138 = arith.constant 0 : i32
        %dma_start3A_139 = tpu.memref_slice %arg4[%mul3A_131, %dma_start3A_138] : memref<2560x128xi32, #tpu.memory_space<hbm>> -> memref<40x128xi32, #tpu.memory_space<hbm>>
        tpu.enqueue_dma source(%dma_start3A_139 : memref<40x128xi32, #tpu.memory_space<hbm>>) target(%arg7 : memref<40x128xi32, #tpu.memory_space<vmem>>) target_semaphore(%arg11 : memref<!tpu.dma_semaphore, #tpu.memory_space<semaphore_mem>>)
        %dma_wait3A_140 = arith.constant 0 : i32
        %dma_wait3A_141 = tpu.memref_slice %arg3[%mul3A_131, %dma_wait3A_140] : memref<2560x128xi32, #tpu.memory_space<hbm>> -> memref<40x128xi32, #tpu.memory_space<hbm>>
        %dma_wait3A_142 = arith.constant 0 : i32
        %dma_wait3A_143 = tpu.memref_slice %arg3[%mul3A_131, %dma_wait3A_142] : memref<2560x128xi32, #tpu.memory_space<hbm>> -> memref<40x128xi32, #tpu.memory_space<hbm>>
        tpu.wait_dma2 semaphore(%arg11 : memref<!tpu.dma_semaphore, #tpu.memory_space<semaphore_mem>>) src(%dma_wait3A_143 : memref<40x128xi32, #tpu.memory_space<hbm>>) dst(%arg6 : memref<40x128xi32, #tpu.memory_space<vmem>>)
        %dma_wait3A_144 = arith.constant 0 : i32
        %dma_wait3A_145 = tpu.memref_slice %arg4[%mul3A_131, %dma_wait3A_144] : memref<2560x128xi32, #tpu.memory_space<hbm>> -> memref<40x128xi32, #tpu.memory_space<hbm>>
        %dma_wait3A_146 = arith.constant 0 : i32
        %dma_wait3A_147 = tpu.memref_slice %arg4[%mul3A_131, %dma_wait3A_146] : memref<2560x128xi32, #tpu.memory_space<hbm>> -> memref<40x128xi32, #tpu.memory_space<hbm>>
        tpu.wait_dma2 semaphore(%arg11 : memref<!tpu.dma_semaphore, #tpu.memory_space<semaphore_mem>>) src(%dma_wait3A_147 : memref<40x128xi32, #tpu.memory_space<hbm>>) dst(%arg7 : memref<40x128xi32, #tpu.memory_space<vmem>>)
      } else {
      }
      %dma_start3A_59 = arith.constant 0 : i32
      %dma_start3A_60 = arith.constant 0 : i32
      %dma_start3A_61 = tpu.memref_slice %arg6[%dma_start3A_59, %dma_start3A_60] : memref<40x128xi32, #tpu.memory_space<vmem>> -> memref<1x128xi32, #tpu.memory_space<vmem>>
      %dma_start3A_62 = tpu.memref_squeeze %dma_start3A_61 : memref<1x128xi32, #tpu.memory_space<vmem>> -> memref<128xi32, #tpu.memory_space<vmem>>
      %dma_start3A_63 = arith.constant 0 : i32
      %dma_start3A_64 = arith.constant 0 : i32
      %dma_start3A_65 = tpu.memref_slice %arg2[%dma_start3A_63, %dma_start3A_64] : memref<10240x128xf32, #tpu.memory_space<hbm>> -> memref<10240x128xf32, #tpu.memory_space<hbm>>
      tpu.enqueue_indirect_dma source(%dma_start3A_65 : memref<10240x128xf32, #tpu.memory_space<hbm>>) target(%arg8 : memref<128x128xf32, #tpu.memory_space<vmem>>) offsets(%dma_start3A_62 : memref<128xi32, #tpu.memory_space<vmem>>) semaphore(%arg12 : memref<!tpu.dma_semaphore, #tpu.memory_space<semaphore_mem>>)
      %dma_wait3A_66 = arith.constant 0 : i32
      %dma_wait3A_67 = arith.constant 0 : i32
      %dma_wait3A_68 = tpu.memref_slice %arg6[%dma_wait3A_66, %dma_wait3A_67] : memref<40x128xi32, #tpu.memory_space<vmem>> -> memref<1x128xi32, #tpu.memory_space<vmem>>
      %dma_wait3A_69 = tpu.memref_squeeze %dma_wait3A_68 : memref<1x128xi32, #tpu.memory_space<vmem>> -> memref<128xi32, #tpu.memory_space<vmem>>
      %dma_wait3A_70 = arith.constant 0 : i32
      %dma_wait3A_71 = arith.constant 0 : i32
      %dma_wait3A_72 = tpu.memref_slice %arg2[%dma_wait3A_70, %dma_wait3A_71] : memref<10240x128xf32, #tpu.memory_space<hbm>> -> memref<10240x128xf32, #tpu.memory_space<hbm>>
      tpu.wait_indirect_dma semaphore(%arg12 : memref<!tpu.dma_semaphore, #tpu.memory_space<semaphore_mem>>) src(%dma_wait3A_72 : memref<10240x128xf32, #tpu.memory_space<hbm>>) dst(%arg8 : memref<128x128xf32, #tpu.memory_space<vmem>>)
      %dma_start3A_73 = arith.constant 0 : i32
      %dma_start3A_74 = arith.constant 0 : i32
      %dma_start3A_75 = tpu.memref_slice %arg7[%dma_start3A_73, %dma_start3A_74] : memref<40x128xi32, #tpu.memory_space<vmem>> -> memref<1x128xi32, #tpu.memory_space<vmem>>
      %dma_start3A_76 = tpu.memref_squeeze %dma_start3A_75 : memref<1x128xi32, #tpu.memory_space<vmem>> -> memref<128xi32, #tpu.memory_space<vmem>>
      %dma_start3A_77 = arith.constant 0 : i32
      %dma_start3A_78 = arith.constant 0 : i32
      %dma_start3A_79 = tpu.memref_slice %arg10[%dma_start3A_77, %dma_start3A_78] : memref<10240x128xf32, #tpu.memory_space<vmem_shared>> -> memref<10240x128xf32, #tpu.memory_space<vmem_shared>>
      tpu.enqueue_indirect_dma source(%arg8 : memref<128x128xf32, #tpu.memory_space<vmem>>) target(%dma_start3A_79 : memref<10240x128xf32, #tpu.memory_space<vmem_shared>>) offsets(%dma_start3A_76 : memref<128xi32, #tpu.memory_space<vmem>>) semaphore(%arg13 : memref<!tpu.dma_semaphore, #tpu.memory_space<semaphore_mem>>) {add = true}
      %dma_start3A_80 = arith.constant 1 : i32
      %dma_start3A_81 = arith.constant 0 : i32
      %dma_start3A_82 = tpu.memref_slice %arg6[%dma_start3A_80, %dma_start3A_81] : memref<40x128xi32, #tpu.memory_space<vmem>> -> memref<1x128xi32, #tpu.memory_space<vmem>>
      %dma_start3A_83 = tpu.memref_squeeze %dma_start3A_82 : memref<1x128xi32, #tpu.memory_space<vmem>> -> memref<128xi32, #tpu.memory_space<vmem>>
      %dma_start3A_84 = arith.constant 0 : i32
      %dma_start3A_85 = arith.constant 0 : i32
      %dma_start3A_86 = tpu.memref_slice %arg2[%dma_start3A_84, %dma_start3A_85] : memref<10240x128xf32, #tpu.memory_space<hbm>> -> memref<10240x128xf32, #tpu.memory_space<hbm>>
      tpu.enqueue_indirect_dma source(%dma_start3A_86 : memref<10240x128xf32, #tpu.memory_space<hbm>>) target(%arg9 : memref<128x128xf32, #tpu.memory_space<vmem>>) offsets(%dma_start3A_83 : memref<128xi32, #tpu.memory_space<vmem>>) semaphore(%arg12 : memref<!tpu.dma_semaphore, #tpu.memory_space<semaphore_mem>>)
      %dma_wait3A_87 = arith.constant 1 : i32
      %dma_wait3A_88 = arith.constant 0 : i32
      %dma_wait3A_89 = tpu.memref_slice %arg6[%dma_wait3A_87, %dma_wait3A_88] : memref<40x128xi32, #tpu.memory_space<vmem>> -> memref<1x128xi32, #tpu.memory_space<vmem>>
      %dma_wait3A_90 = tpu.memref_squeeze %dma_wait3A_89 : memref<1x128xi32, #tpu.memory_space<vmem>> -> memref<128xi32, #tpu.memory_space<vmem>>
      %dma_wait3A_91 = arith.constant 0 : i32
      %dma_wait3A_92 = arith.constant 0 : i32
      %dma_wait3A_93 = tpu.memref_slice %arg2[%dma_wait3A_91, %dma_wait3A_92] : memref<10240x128xf32, #tpu.memory_space<hbm>> -> memref<10240x128xf32, #tpu.memory_space<hbm>>
      tpu.wait_indirect_dma semaphore(%arg12 : memref<!tpu.dma_semaphore, #tpu.memory_space<semaphore_mem>>) src(%dma_wait3A_93 : memref<10240x128xf32, #tpu.memory_space<hbm>>) dst(%arg9 : memref<128x128xf32, #tpu.memory_space<vmem>>)
      %dma_start3A_94 = arith.constant 1 : i32
      %dma_start3A_95 = arith.constant 0 : i32
      %dma_start3A_96 = tpu.memref_slice %arg7[%dma_start3A_94, %dma_start3A_95] : memref<40x128xi32, #tpu.memory_space<vmem>> -> memref<1x128xi32, #tpu.memory_space<vmem>>
      %dma_start3A_97 = tpu.memref_squeeze %dma_start3A_96 : memref<1x128xi32, #tpu.memory_space<vmem>> -> memref<128xi32, #tpu.memory_space<vmem>>
      %dma_start3A_98 = arith.constant 0 : i32
      %dma_start3A_99 = arith.constant 0 : i32
      %dma_start3A_100 = tpu.memref_slice %arg10[%dma_start3A_98, %dma_start3A_99] : memref<10240x128xf32, #tpu.memory_space<vmem_shared>> -> memref<10240x128xf32, #tpu.memory_space<vmem_shared>>
      tpu.enqueue_indirect_dma source(%arg9 : memref<128x128xf32, #tpu.memory_space<vmem>>) target(%dma_start3A_100 : memref<10240x128xf32, #tpu.memory_space<vmem_shared>>) offsets(%dma_start3A_97 : memref<128xi32, #tpu.memory_space<vmem>>) semaphore(%arg13 : memref<!tpu.dma_semaphore, #tpu.memory_space<semaphore_mem>>) {add = true}
      %dma_wait3A_101 = arith.constant 0 : i32
      %dma_wait3A_102 = arith.constant 0 : i32
      %dma_wait3A_103 = tpu.memref_slice %arg7[%dma_wait3A_101, %dma_wait3A_102] : memref<40x128xi32, #tpu.memory_space<vmem>> -> memref<1x128xi32, #tpu.memory_space<vmem>>
      %dma_wait3A_104 = tpu.memref_squeeze %dma_wait3A_103 : memref<1x128xi32, #tpu.memory_space<vmem>> -> memref<128xi32, #tpu.memory_space<vmem>>
      %dma_wait3A_105 = arith.constant 0 : i32
      %dma_wait3A_106 = arith.constant 0 : i32
      %dma_wait3A_107 = tpu.memref_slice %arg10[%dma_wait3A_105, %dma_wait3A_106] : memref<10240x128xf32, #tpu.memory_space<vmem_shared>> -> memref<10240x128xf32, #tpu.memory_space<vmem_shared>>
      tpu.wait_indirect_dma semaphore(%arg13 : memref<!tpu.dma_semaphore, #tpu.memory_space<semaphore_mem>>) src(%arg8 : memref<128x128xf32, #tpu.memory_space<vmem>>) dst(%dma_wait3A_107 : memref<10240x128xf32, #tpu.memory_space<vmem_shared>>)
      %dma_start3A_108 = arith.constant 2 : i32
      %dma_start3A_109 = arith.constant 0 : i32
      %dma_start3A_110 = tpu.memref_slice %arg6[%dma_start3A_108, %dma_start3A_109] : memref<40x128xi32, #tpu.memory_space<vmem>> -> memref<1x128xi32, #tpu.memory_space<vmem>>
      %dma_start3A_111 = tpu.memref_squeeze %dma_start3A_110 : memref<1x128xi32, #tpu.memory_space<vmem>> -> memref<128xi32, #tpu.memory_space<vmem>>
      %dma_start3A_112 = arith.constant 0 : i32
      %dma_start3A_113 = arith.constant 0 : i32
      %dma_start3A_114 = tpu.memref_slice %arg2[%dma_start3A_112, %dma_start3A_113] : memref<10240x128xf32, #tpu.memory_space<hbm>> -> memref<10240x128xf32, #tpu.memory_space<hbm>>
      tpu.enqueue_indirect_dma source(%dma_start3A_114 : memref<10240x128xf32, #tpu.memory_space<hbm>>) target(%arg8 : memref<128x128xf32, #tpu.memory_space<vmem>>) offsets(%dma_start3A_111 : memref<128xi32, #tpu.memory_space<vmem>>) semaphore(%arg12 : memref<!tpu.dma_semaphore, #tpu.memory_space<semaphore_mem>>)
      %scan3A = arith.constant 0 : i32
      %scan3A_115 = arith.constant 1 : i32
      %scan3A_116 = arith.constant 19 : i32
      %scan3A_117 = arith.addi %scan3A_115, %scan3A_116 : i32
      %scan3A_118 = arith.constant 1 : i32
      %scan3A_119 = scf.for %scan3A_129 = %scan3A_115 to %scan3A_117 step %scan3A_118 iter_args(%scan3A_130 = %scan3A) -> (i32)  : i32 {
        %mul3A_131 = arith.constant 2 : i32
        %mul3A_132 = arith.muli %mul3A_131, %scan3A_129 : i32
        %add3A_133 = arith.constant 0 : i32
        %add3A_134 = arith.addi %mul3A_132, %add3A_133 : i32
        %dma_wait3A_135 = arith.constant 0 : i32
        %dma_wait3A_136 = tpu.memref_slice %arg6[%add3A_134, %dma_wait3A_135] : memref<40x128xi32, #tpu.memory_space<vmem>> -> memref<1x128xi32, #tpu.memory_space<vmem>>
        %dma_wait3A_137 = tpu.memref_squeeze %dma_wait3A_136 : memref<1x128xi32, #tpu.memory_space<vmem>> -> memref<128xi32, #tpu.memory_space<vmem>>
        %dma_wait3A_138 = arith.constant 0 : i32
        %dma_wait3A_139 = arith.constant 0 : i32
        %dma_wait3A_140 = tpu.memref_slice %arg2[%dma_wait3A_138, %dma_wait3A_139] : memref<10240x128xf32, #tpu.memory_space<hbm>> -> memref<10240x128xf32, #tpu.memory_space<hbm>>
        tpu.wait_indirect_dma semaphore(%arg12 : memref<!tpu.dma_semaphore, #tpu.memory_space<semaphore_mem>>) src(%dma_wait3A_140 : memref<10240x128xf32, #tpu.memory_space<hbm>>) dst(%arg8 : memref<128x128xf32, #tpu.memory_space<vmem>>)
        %dma_start3A_141 = arith.constant 0 : i32
        %dma_start3A_142 = tpu.memref_slice %arg7[%add3A_134, %dma_start3A_141] : memref<40x128xi32, #tpu.memory_space<vmem>> -> memref<1x128xi32, #tpu.memory_space<vmem>>
        %dma_start3A_143 = tpu.memref_squeeze %dma_start3A_142 : memref<1x128xi32, #tpu.memory_space<vmem>> -> memref<128xi32, #tpu.memory_space<vmem>>
        %dma_start3A_144 = arith.constant 0 : i32
        %dma_start3A_145 = arith.constant 0 : i32
        %dma_start3A_146 = tpu.memref_slice %arg10[%dma_start3A_144, %dma_start3A_145] : memref<10240x128xf32, #tpu.memory_space<vmem_shared>> -> memref<10240x128xf32, #tpu.memory_space<vmem_shared>>
        tpu.enqueue_indirect_dma source(%arg8 : memref<128x128xf32, #tpu.memory_space<vmem>>) target(%dma_start3A_146 : memref<10240x128xf32, #tpu.memory_space<vmem_shared>>) offsets(%dma_start3A_143 : memref<128xi32, #tpu.memory_space<vmem>>) semaphore(%arg13 : memref<!tpu.dma_semaphore, #tpu.memory_space<semaphore_mem>>) {add = true}
        %sub3A = arith.constant 1 : i32
        %sub3A_147 = arith.subi %add3A_134, %sub3A : i32
        %dma_wait3A_148 = arith.constant 0 : i32
        %dma_wait3A_149 = tpu.memref_slice %arg7[%sub3A_147, %dma_wait3A_148] : memref<40x128xi32, #tpu.memory_space<vmem>> -> memref<1x128xi32, #tpu.memory_space<vmem>>
        %dma_wait3A_150 = tpu.memref_squeeze %dma_wait3A_149 : memref<1x128xi32, #tpu.memory_space<vmem>> -> memref<128xi32, #tpu.memory_space<vmem>>
        %dma_wait3A_151 = arith.constant 0 : i32
        %dma_wait3A_152 = arith.constant 0 : i32
        %dma_wait3A_153 = tpu.memref_slice %arg10[%dma_wait3A_151, %dma_wait3A_152] : memref<10240x128xf32, #tpu.memory_space<vmem_shared>> -> memref<10240x128xf32, #tpu.memory_space<vmem_shared>>
        tpu.wait_indirect_dma semaphore(%arg13 : memref<!tpu.dma_semaphore, #tpu.memory_space<semaphore_mem>>) src(%arg9 : memref<128x128xf32, #tpu.memory_space<vmem>>) dst(%dma_wait3A_153 : memref<10240x128xf32, #tpu.memory_space<vmem_shared>>)
        %add3A_154 = arith.constant 1 : i32
        %add3A_155 = arith.addi %add3A_134, %add3A_154 : i32
        %lt3A = arith.constant 40 : i32
        %lt3A_156 = arith.cmpi slt, %add3A_155, %lt3A : i32
        %convert_element_type3A_157 = arith.extui %lt3A_156 : i1 to i32
        %cond3A_158 = arith.constant 0 : i32
        %cond3A_159 = arith.cmpi ne, %convert_element_type3A_157, %cond3A_158 : i32
        scf.if %cond3A_159 {
          %add3A_192 = arith.constant 1 : i32
          %add3A_193 = arith.addi %add3A_134, %add3A_192 : i32
          %dma_start3A_194 = arith.constant 0 : i32
          %dma_start3A_195 = tpu.memref_slice %arg6[%add3A_193, %dma_start3A_194] : memref<40x128xi32, #tpu.memory_space<vmem>> -> memref<1x128xi32, #tpu.memory_space<vmem>>
          %dma_start3A_196 = tpu.memref_squeeze %dma_start3A_195 : memref<1x128xi32, #tpu.memory_space<vmem>> -> memref<128xi32, #tpu.memory_space<vmem>>
          %dma_start3A_197 = arith.constant 0 : i32
          %dma_start3A_198 = arith.constant 0 : i32
          %dma_start3A_199 = tpu.memref_slice %arg2[%dma_start3A_197, %dma_start3A_198] : memref<10240x128xf32, #tpu.memory_space<hbm>> -> memref<10240x128xf32, #tpu.memory_space<hbm>>
          tpu.enqueue_indirect_dma source(%dma_start3A_199 : memref<10240x128xf32, #tpu.memory_space<hbm>>) target(%arg9 : memref<128x128xf32, #tpu.memory_space<vmem>>) offsets(%dma_start3A_196 : memref<128xi32, #tpu.memory_space<vmem>>) semaphore(%arg12 : memref<!tpu.dma_semaphore, #tpu.memory_space<semaphore_mem>>)
        } else {
        }
        %mul3A_160 = arith.constant 2 : i32
        %mul3A_161 = arith.muli %mul3A_160, %scan3A_129 : i32
        %add3A_162 = arith.constant 1 : i32
        %add3A_163 = arith.addi %mul3A_161, %add3A_162 : i32
        %dma_wait3A_164 = arith.constant 0 : i32
        %dma_wait3A_165 = tpu.memref_slice %arg6[%add3A_163, %dma_wait3A_164] : memref<40x128xi32, #tpu.memory_space<vmem>> -> memref<1x128xi32, #tpu.memory_space<vmem>>
        %dma_wait3A_166 = tpu.memref_squeeze %dma_wait3A_165 : memref<1x128xi32, #tpu.memory_space<vmem>> -> memref<128xi32, #tpu.memory_space<vmem>>
        %dma_wait3A_167 = arith.constant 0 : i32
        %dma_wait3A_168 = arith.constant 0 : i32
        %dma_wait3A_169 = tpu.memref_slice %arg2[%dma_wait3A_167, %dma_wait3A_168] : memref<10240x128xf32, #tpu.memory_space<hbm>> -> memref<10240x128xf32, #tpu.memory_space<hbm>>
        tpu.wait_indirect_dma semaphore(%arg12 : memref<!tpu.dma_semaphore, #tpu.memory_space<semaphore_mem>>) src(%dma_wait3A_169 : memref<10240x128xf32, #tpu.memory_space<hbm>>) dst(%arg9 : memref<128x128xf32, #tpu.memory_space<vmem>>)
        %dma_start3A_170 = arith.constant 0 : i32
        %dma_start3A_171 = tpu.memref_slice %arg7[%add3A_163, %dma_start3A_170] : memref<40x128xi32, #tpu.memory_space<vmem>> -> memref<1x128xi32, #tpu.memory_space<vmem>>
        %dma_start3A_172 = tpu.memref_squeeze %dma_start3A_171 : memref<1x128xi32, #tpu.memory_space<vmem>> -> memref<128xi32, #tpu.memory_space<vmem>>
        %dma_start3A_173 = arith.constant 0 : i32
        %dma_start3A_174 = arith.constant 0 : i32
        %dma_start3A_175 = tpu.memref_slice %arg10[%dma_start3A_173, %dma_start3A_174] : memref<10240x128xf32, #tpu.memory_space<vmem_shared>> -> memref<10240x128xf32, #tpu.memory_space<vmem_shared>>
        tpu.enqueue_indirect_dma source(%arg9 : memref<128x128xf32, #tpu.memory_space<vmem>>) target(%dma_start3A_175 : memref<10240x128xf32, #tpu.memory_space<vmem_shared>>) offsets(%dma_start3A_172 : memref<128xi32, #tpu.memory_space<vmem>>) semaphore(%arg13 : memref<!tpu.dma_semaphore, #tpu.memory_space<semaphore_mem>>) {add = true}
        %sub3A_176 = arith.constant 1 : i32
        %sub3A_177 = arith.subi %add3A_163, %sub3A_176 : i32
        %dma_wait3A_178 = arith.constant 0 : i32
        %dma_wait3A_179 = tpu.memref_slice %arg7[%sub3A_177, %dma_wait3A_178] : memref<40x128xi32, #tpu.memory_space<vmem>> -> memref<1x128xi32, #tpu.memory_space<vmem>>
        %dma_wait3A_180 = tpu.memref_squeeze %dma_wait3A_179 : memref<1x128xi32, #tpu.memory_space<vmem>> -> memref<128xi32, #tpu.memory_space<vmem>>
        %dma_wait3A_181 = arith.constant 0 : i32
        %dma_wait3A_182 = arith.constant 0 : i32
        %dma_wait3A_183 = tpu.memref_slice %arg10[%dma_wait3A_181, %dma_wait3A_182] : memref<10240x128xf32, #tpu.memory_space<vmem_shared>> -> memref<10240x128xf32, #tpu.memory_space<vmem_shared>>
        tpu.wait_indirect_dma semaphore(%arg13 : memref<!tpu.dma_semaphore, #tpu.memory_space<semaphore_mem>>) src(%arg8 : memref<128x128xf32, #tpu.memory_space<vmem>>) dst(%dma_wait3A_183 : memref<10240x128xf32, #tpu.memory_space<vmem_shared>>)
        %add3A_184 = arith.constant 1 : i32
        %add3A_185 = arith.addi %add3A_163, %add3A_184 : i32
        %lt3A_186 = arith.constant 40 : i32
        %lt3A_187 = arith.cmpi slt, %add3A_185, %lt3A_186 : i32
        %convert_element_type3A_188 = arith.extui %lt3A_187 : i1 to i32
        %cond3A_189 = arith.constant 0 : i32
        %cond3A_190 = arith.cmpi ne, %convert_element_type3A_188, %cond3A_189 : i32
        scf.if %cond3A_190 {
          %add3A_192 = arith.constant 1 : i32
          %add3A_193 = arith.addi %add3A_163, %add3A_192 : i32
          %dma_start3A_194 = arith.constant 0 : i32
          %dma_start3A_195 = tpu.memref_slice %arg6[%add3A_193, %dma_start3A_194] : memref<40x128xi32, #tpu.memory_space<vmem>> -> memref<1x128xi32, #tpu.memory_space<vmem>>
          %dma_start3A_196 = tpu.memref_squeeze %dma_start3A_195 : memref<1x128xi32, #tpu.memory_space<vmem>> -> memref<128xi32, #tpu.memory_space<vmem>>
          %dma_start3A_197 = arith.constant 0 : i32
          %dma_start3A_198 = arith.constant 0 : i32
          %dma_start3A_199 = tpu.memref_slice %arg2[%dma_start3A_197, %dma_start3A_198] : memref<10240x128xf32, #tpu.memory_space<hbm>> -> memref<10240x128xf32, #tpu.memory_space<hbm>>
          tpu.enqueue_indirect_dma source(%dma_start3A_199 : memref<10240x128xf32, #tpu.memory_space<hbm>>) target(%arg8 : memref<128x128xf32, #tpu.memory_space<vmem>>) offsets(%dma_start3A_196 : memref<128xi32, #tpu.memory_space<vmem>>) semaphore(%arg12 : memref<!tpu.dma_semaphore, #tpu.memory_space<semaphore_mem>>)
        } else {
        }
        %scan3A_191 = arith.constant 0 : i32
        scf.yield %scan3A_191 : i32
      }
      %scan3A_120 = arith.constant 19 : i32
      %dma_wait3A_121 = arith.constant 39 : i32
      %dma_wait3A_122 = arith.constant 0 : i32
      %dma_wait3A_123 = tpu.memref_slice %arg7[%dma_wait3A_121, %dma_wait3A_122] : memref<40x128xi32, #tpu.memory_space<vmem>> -> memref<1x128xi32, #tpu.memory_space<vmem>>
      %dma_wait3A_124 = tpu.memref_squeeze %dma_wait3A_123 : memref<1x128xi32, #tpu.memory_space<vmem>> -> memref<128xi32, #tpu.memory_space<vmem>>
      %dma_wait3A_125 = arith.constant 0 : i32
      %dma_wait3A_126 = arith.constant 0 : i32
      %dma_wait3A_127 = tpu.memref_slice %arg10[%dma_wait3A_125, %dma_wait3A_126] : memref<10240x128xf32, #tpu.memory_space<vmem_shared>> -> memref<10240x128xf32, #tpu.memory_space<vmem_shared>>
      tpu.wait_indirect_dma semaphore(%arg13 : memref<!tpu.dma_semaphore, #tpu.memory_space<semaphore_mem>>) src(%arg9 : memref<128x128xf32, #tpu.memory_space<vmem>>) dst(%dma_wait3A_127 : memref<10240x128xf32, #tpu.memory_space<vmem_shared>>)
      %while3A_128 = arith.constant 0 : i32
      scf.yield %while3A_128 : i32
    }
    %while3A_48 = arith.constant 1 : i32
    %while3A_49 = scf.for %while3A_55 = %while3A_45 to %while3A_41 step %while3A_48 iter_args(%while3A_56 = %while3A_47) -> (i32)  : i32 {
      %gt3A = arith.constant 0 : i32
      %gt3A_57 = arith.cmpi sgt, %while3A_55, %gt3A : i32
      %convert_element_type3A = arith.extui %gt3A_57 : i1 to i32
      %cond3A = arith.constant 0 : i32
      %cond3A_58 = arith.cmpi ne, %convert_element_type3A, %cond3A : i32
      scf.if %cond3A_58 {
        %add3A_129 = arith.addi %select_n3A_8, %while3A_55 : i32
        %mul3A_130 = arith.constant 40 : i32
        %mul3A_131 = arith.muli %add3A_129, %mul3A_130 : i32
        %dma_start3A_132 = arith.constant 0 : i32
        %dma_start3A_133 = tpu.memref_slice %arg3[%mul3A_131, %dma_start3A_132] : memref<2560x128xi32, #tpu.memory_space<hbm>> -> memref<40x128xi32, #tpu.memory_space<hbm>>
        %dma_start3A_134 = arith.constant 0 : i32
        %dma_start3A_135 = tpu.memref_slice %arg3[%mul3A_131, %dma_start3A_134] : memref<2560x128xi32, #tpu.memory_space<hbm>> -> memref<40x128xi32, #tpu.memory_space<hbm>>
        tpu.enqueue_dma source(%dma_start3A_135 : memref<40x128xi32, #tpu.memory_space<hbm>>) target(%arg6 : memref<40x128xi32, #tpu.memory_space<vmem>>) target_semaphore(%arg11 : memref<!tpu.dma_semaphore, #tpu.memory_space<semaphore_mem>>)
        %dma_start3A_136 = arith.constant 0 : i32
        %dma_start3A_137 = tpu.memref_slice %arg4[%mul3A_131, %dma_start3A_136] : memref<2560x128xi32, #tpu.memory_space<hbm>> -> memref<40x128xi32, #tpu.memory_space<hbm>>
        %dma_start3A_138 = arith.constant 0 : i32
        %dma_start3A_139 = tpu.memref_slice %arg4[%mul3A_131, %dma_start3A_138] : memref<2560x128xi32, #tpu.memory_space<hbm>> -> memref<40x128xi32, #tpu.memory_space<hbm>>
        tpu.enqueue_dma source(%dma_start3A_139 : memref<40x128xi32, #tpu.memory_space<hbm>>) target(%arg7 : memref<40x128xi32, #tpu.memory_space<vmem>>) target_semaphore(%arg11 : memref<!tpu.dma_semaphore, #tpu.memory_space<semaphore_mem>>)
        %dma_wait3A_140 = arith.constant 0 : i32
        %dma_wait3A_141 = tpu.memref_slice %arg3[%mul3A_131, %dma_wait3A_140] : memref<2560x128xi32, #tpu.memory_space<hbm>> -> memref<40x128xi32, #tpu.memory_space<hbm>>
        %dma_wait3A_142 = arith.constant 0 : i32
        %dma_wait3A_143 = tpu.memref_slice %arg3[%mul3A_131, %dma_wait3A_142] : memref<2560x128xi32, #tpu.memory_space<hbm>> -> memref<40x128xi32, #tpu.memory_space<hbm>>
        tpu.wait_dma2 semaphore(%arg11 : memref<!tpu.dma_semaphore, #tpu.memory_space<semaphore_mem>>) src(%dma_wait3A_143 : memref<40x128xi32, #tpu.memory_space<hbm>>) dst(%arg6 : memref<40x128xi32, #tpu.memory_space<vmem>>)
        %dma_wait3A_144 = arith.constant 0 : i32
        %dma_wait3A_145 = tpu.memref_slice %arg4[%mul3A_131, %dma_wait3A_144] : memref<2560x128xi32, #tpu.memory_space<hbm>> -> memref<40x128xi32, #tpu.memory_space<hbm>>
        %dma_wait3A_146 = arith.constant 0 : i32
        %dma_wait3A_147 = tpu.memref_slice %arg4[%mul3A_131, %dma_wait3A_146] : memref<2560x128xi32, #tpu.memory_space<hbm>> -> memref<40x128xi32, #tpu.memory_space<hbm>>
        tpu.wait_dma2 semaphore(%arg11 : memref<!tpu.dma_semaphore, #tpu.memory_space<semaphore_mem>>) src(%dma_wait3A_147 : memref<40x128xi32, #tpu.memory_space<hbm>>) dst(%arg7 : memref<40x128xi32, #tpu.memory_space<vmem>>)
      } else {
      }
      %dma_start3A_59 = arith.constant 0 : i32
      %dma_start3A_60 = arith.constant 0 : i32
      %dma_start3A_61 = tpu.memref_slice %arg6[%dma_start3A_59, %dma_start3A_60] : memref<40x128xi32, #tpu.memory_space<vmem>> -> memref<1x128xi32, #tpu.memory_space<vmem>>
      %dma_start3A_62 = tpu.memref_squeeze %dma_start3A_61 : memref<1x128xi32, #tpu.memory_space<vmem>> -> memref<128xi32, #tpu.memory_space<vmem>>
      %dma_start3A_63 = arith.constant 0 : i32
      %dma_start3A_64 = arith.constant 0 : i32
      %dma_start3A_65 = tpu.memref_slice %arg2[%dma_start3A_63, %dma_start3A_64] : memref<10240x128xf32, #tpu.memory_space<hbm>> -> memref<10240x128xf32, #tpu.memory_space<hbm>>
      tpu.enqueue_indirect_dma source(%dma_start3A_65 : memref<10240x128xf32, #tpu.memory_space<hbm>>) target(%arg8 : memref<128x128xf32, #tpu.memory_space<vmem>>) offsets(%dma_start3A_62 : memref<128xi32, #tpu.memory_space<vmem>>) semaphore(%arg12 : memref<!tpu.dma_semaphore, #tpu.memory_space<semaphore_mem>>)
      %dma_wait3A_66 = arith.constant 0 : i32
      %dma_wait3A_67 = arith.constant 0 : i32
      %dma_wait3A_68 = tpu.memref_slice %arg6[%dma_wait3A_66, %dma_wait3A_67] : memref<40x128xi32, #tpu.memory_space<vmem>> -> memref<1x128xi32, #tpu.memory_space<vmem>>
      %dma_wait3A_69 = tpu.memref_squeeze %dma_wait3A_68 : memref<1x128xi32, #tpu.memory_space<vmem>> -> memref<128xi32, #tpu.memory_space<vmem>>
      %dma_wait3A_70 = arith.constant 0 : i32
      %dma_wait3A_71 = arith.constant 0 : i32
      %dma_wait3A_72 = tpu.memref_slice %arg2[%dma_wait3A_70, %dma_wait3A_71] : memref<10240x128xf32, #tpu.memory_space<hbm>> -> memref<10240x128xf32, #tpu.memory_space<hbm>>
      tpu.wait_indirect_dma semaphore(%arg12 : memref<!tpu.dma_semaphore, #tpu.memory_space<semaphore_mem>>) src(%dma_wait3A_72 : memref<10240x128xf32, #tpu.memory_space<hbm>>) dst(%arg8 : memref<128x128xf32, #tpu.memory_space<vmem>>)
      %dma_start3A_73 = arith.constant 0 : i32
      %dma_start3A_74 = arith.constant 0 : i32
      %dma_start3A_75 = tpu.memref_slice %arg7[%dma_start3A_73, %dma_start3A_74] : memref<40x128xi32, #tpu.memory_space<vmem>> -> memref<1x128xi32, #tpu.memory_space<vmem>>
      %dma_start3A_76 = tpu.memref_squeeze %dma_start3A_75 : memref<1x128xi32, #tpu.memory_space<vmem>> -> memref<128xi32, #tpu.memory_space<vmem>>
      %dma_start3A_77 = arith.constant 0 : i32
      %dma_start3A_78 = arith.constant 0 : i32
      %dma_start3A_79 = tpu.memref_slice %arg10[%dma_start3A_77, %dma_start3A_78] : memref<10240x128xf32, #tpu.memory_space<vmem_shared>> -> memref<10240x128xf32, #tpu.memory_space<vmem_shared>>
      tpu.enqueue_indirect_dma source(%arg8 : memref<128x128xf32, #tpu.memory_space<vmem>>) target(%dma_start3A_79 : memref<10240x128xf32, #tpu.memory_space<vmem_shared>>) offsets(%dma_start3A_76 : memref<128xi32, #tpu.memory_space<vmem>>) semaphore(%arg13 : memref<!tpu.dma_semaphore, #tpu.memory_space<semaphore_mem>>) {add = true}
      %dma_start3A_80 = arith.constant 1 : i32
      %dma_start3A_81 = arith.constant 0 : i32
      %dma_start3A_82 = tpu.memref_slice %arg6[%dma_start3A_80, %dma_start3A_81] : memref<40x128xi32, #tpu.memory_space<vmem>> -> memref<1x128xi32, #tpu.memory_space<vmem>>
      %dma_start3A_83 = tpu.memref_squeeze %dma_start3A_82 : memref<1x128xi32, #tpu.memory_space<vmem>> -> memref<128xi32, #tpu.memory_space<vmem>>
      %dma_start3A_84 = arith.constant 0 : i32
      %dma_start3A_85 = arith.constant 0 : i32
      %dma_start3A_86 = tpu.memref_slice %arg2[%dma_start3A_84, %dma_start3A_85] : memref<10240x128xf32, #tpu.memory_space<hbm>> -> memref<10240x128xf32, #tpu.memory_space<hbm>>
      tpu.enqueue_indirect_dma source(%dma_start3A_86 : memref<10240x128xf32, #tpu.memory_space<hbm>>) target(%arg9 : memref<128x128xf32, #tpu.memory_space<vmem>>) offsets(%dma_start3A_83 : memref<128xi32, #tpu.memory_space<vmem>>) semaphore(%arg12 : memref<!tpu.dma_semaphore, #tpu.memory_space<semaphore_mem>>)
      %dma_wait3A_87 = arith.constant 1 : i32
      %dma_wait3A_88 = arith.constant 0 : i32
      %dma_wait3A_89 = tpu.memref_slice %arg6[%dma_wait3A_87, %dma_wait3A_88] : memref<40x128xi32, #tpu.memory_space<vmem>> -> memref<1x128xi32, #tpu.memory_space<vmem>>
      %dma_wait3A_90 = tpu.memref_squeeze %dma_wait3A_89 : memref<1x128xi32, #tpu.memory_space<vmem>> -> memref<128xi32, #tpu.memory_space<vmem>>
      %dma_wait3A_91 = arith.constant 0 : i32
      %dma_wait3A_92 = arith.constant 0 : i32
      %dma_wait3A_93 = tpu.memref_slice %arg2[%dma_wait3A_91, %dma_wait3A_92] : memref<10240x128xf32, #tpu.memory_space<hbm>> -> memref<10240x128xf32, #tpu.memory_space<hbm>>
      tpu.wait_indirect_dma semaphore(%arg12 : memref<!tpu.dma_semaphore, #tpu.memory_space<semaphore_mem>>) src(%dma_wait3A_93 : memref<10240x128xf32, #tpu.memory_space<hbm>>) dst(%arg9 : memref<128x128xf32, #tpu.memory_space<vmem>>)
      %dma_start3A_94 = arith.constant 1 : i32
      %dma_start3A_95 = arith.constant 0 : i32
      %dma_start3A_96 = tpu.memref_slice %arg7[%dma_start3A_94, %dma_start3A_95] : memref<40x128xi32, #tpu.memory_space<vmem>> -> memref<1x128xi32, #tpu.memory_space<vmem>>
      %dma_start3A_97 = tpu.memref_squeeze %dma_start3A_96 : memref<1x128xi32, #tpu.memory_space<vmem>> -> memref<128xi32, #tpu.memory_space<vmem>>
      %dma_start3A_98 = arith.constant 0 : i32
      %dma_start3A_99 = arith.constant 0 : i32
      %dma_start3A_100 = tpu.memref_slice %arg10[%dma_start3A_98, %dma_start3A_99] : memref<10240x128xf32, #tpu.memory_space<vmem_shared>> -> memref<10240x128xf32, #tpu.memory_space<vmem_shared>>
      tpu.enqueue_indirect_dma source(%arg9 : memref<128x128xf32, #tpu.memory_space<vmem>>) target(%dma_start3A_100 : memref<10240x128xf32, #tpu.memory_space<vmem_shared>>) offsets(%dma_start3A_97 : memref<128xi32, #tpu.memory_space<vmem>>) semaphore(%arg13 : memref<!tpu.dma_semaphore, #tpu.memory_space<semaphore_mem>>) {add = true}
      %dma_wait3A_101 = arith.constant 0 : i32
      %dma_wait3A_102 = arith.constant 0 : i32
      %dma_wait3A_103 = tpu.memref_slice %arg7[%dma_wait3A_101, %dma_wait3A_102] : memref<40x128xi32, #tpu.memory_space<vmem>> -> memref<1x128xi32, #tpu.memory_space<vmem>>
      %dma_wait3A_104 = tpu.memref_squeeze %dma_wait3A_103 : memref<1x128xi32, #tpu.memory_space<vmem>> -> memref<128xi32, #tpu.memory_space<vmem>>
      %dma_wait3A_105 = arith.constant 0 : i32
      %dma_wait3A_106 = arith.constant 0 : i32
      %dma_wait3A_107 = tpu.memref_slice %arg10[%dma_wait3A_105, %dma_wait3A_106] : memref<10240x128xf32, #tpu.memory_space<vmem_shared>> -> memref<10240x128xf32, #tpu.memory_space<vmem_shared>>
      tpu.wait_indirect_dma semaphore(%arg13 : memref<!tpu.dma_semaphore, #tpu.memory_space<semaphore_mem>>) src(%arg8 : memref<128x128xf32, #tpu.memory_space<vmem>>) dst(%dma_wait3A_107 : memref<10240x128xf32, #tpu.memory_space<vmem_shared>>)
      %dma_start3A_108 = arith.constant 2 : i32
      %dma_start3A_109 = arith.constant 0 : i32
      %dma_start3A_110 = tpu.memref_slice %arg6[%dma_start3A_108, %dma_start3A_109] : memref<40x128xi32, #tpu.memory_space<vmem>> -> memref<1x128xi32, #tpu.memory_space<vmem>>
      %dma_start3A_111 = tpu.memref_squeeze %dma_start3A_110 : memref<1x128xi32, #tpu.memory_space<vmem>> -> memref<128xi32, #tpu.memory_space<vmem>>
      %dma_start3A_112 = arith.constant 0 : i32
      %dma_start3A_113 = arith.constant 0 : i32
      %dma_start3A_114 = tpu.memref_slice %arg2[%dma_start3A_112, %dma_start3A_113] : memref<10240x128xf32, #tpu.memory_space<hbm>> -> memref<10240x128xf32, #tpu.memory_space<hbm>>
      tpu.enqueue_indirect_dma source(%dma_start3A_114 : memref<10240x128xf32, #tpu.memory_space<hbm>>) target(%arg8 : memref<128x128xf32, #tpu.memory_space<vmem>>) offsets(%dma_start3A_111 : memref<128xi32, #tpu.memory_space<vmem>>) semaphore(%arg12 : memref<!tpu.dma_semaphore, #tpu.memory_space<semaphore_mem>>)
      %scan3A = arith.constant 0 : i32
      %scan3A_115 = arith.constant 1 : i32
      %scan3A_116 = arith.constant 19 : i32
      %scan3A_117 = arith.addi %scan3A_115, %scan3A_116 : i32
      %scan3A_118 = arith.constant 1 : i32
      %scan3A_119 = scf.for %scan3A_129 = %scan3A_115 to %scan3A_117 step %scan3A_118 iter_args(%scan3A_130 = %scan3A) -> (i32)  : i32 {
        %mul3A_131 = arith.constant 2 : i32
        %mul3A_132 = arith.muli %mul3A_131, %scan3A_129 : i32
        %add3A_133 = arith.constant 0 : i32
        %add3A_134 = arith.addi %mul3A_132, %add3A_133 : i32
        %dma_wait3A_135 = arith.constant 0 : i32
        %dma_wait3A_136 = tpu.memref_slice %arg6[%add3A_134, %dma_wait3A_135] : memref<40x128xi32, #tpu.memory_space<vmem>> -> memref<1x128xi32, #tpu.memory_space<vmem>>
        %dma_wait3A_137 = tpu.memref_squeeze %dma_wait3A_136 : memref<1x128xi32, #tpu.memory_space<vmem>> -> memref<128xi32, #tpu.memory_space<vmem>>
        %dma_wait3A_138 = arith.constant 0 : i32
        %dma_wait3A_139 = arith.constant 0 : i32
        %dma_wait3A_140 = tpu.memref_slice %arg2[%dma_wait3A_138, %dma_wait3A_139] : memref<10240x128xf32, #tpu.memory_space<hbm>> -> memref<10240x128xf32, #tpu.memory_space<hbm>>
        tpu.wait_indirect_dma semaphore(%arg12 : memref<!tpu.dma_semaphore, #tpu.memory_space<semaphore_mem>>) src(%dma_wait3A_140 : memref<10240x128xf32, #tpu.memory_space<hbm>>) dst(%arg8 : memref<128x128xf32, #tpu.memory_space<vmem>>)
        %dma_start3A_141 = arith.constant 0 : i32
        %dma_start3A_142 = tpu.memref_slice %arg7[%add3A_134, %dma_start3A_141] : memref<40x128xi32, #tpu.memory_space<vmem>> -> memref<1x128xi32, #tpu.memory_space<vmem>>
        %dma_start3A_143 = tpu.memref_squeeze %dma_start3A_142 : memref<1x128xi32, #tpu.memory_space<vmem>> -> memref<128xi32, #tpu.memory_space<vmem>>
        %dma_start3A_144 = arith.constant 0 : i32
        %dma_start3A_145 = arith.constant 0 : i32
        %dma_start3A_146 = tpu.memref_slice %arg10[%dma_start3A_144, %dma_start3A_145] : memref<10240x128xf32, #tpu.memory_space<vmem_shared>> -> memref<10240x128xf32, #tpu.memory_space<vmem_shared>>
        tpu.enqueue_indirect_dma source(%arg8 : memref<128x128xf32, #tpu.memory_space<vmem>>) target(%dma_start3A_146 : memref<10240x128xf32, #tpu.memory_space<vmem_shared>>) offsets(%dma_start3A_143 : memref<128xi32, #tpu.memory_space<vmem>>) semaphore(%arg13 : memref<!tpu.dma_semaphore, #tpu.memory_space<semaphore_mem>>) {add = true}
        %sub3A = arith.constant 1 : i32
        %sub3A_147 = arith.subi %add3A_134, %sub3A : i32
        %dma_wait3A_148 = arith.constant 0 : i32
        %dma_wait3A_149 = tpu.memref_slice %arg7[%sub3A_147, %dma_wait3A_148] : memref<40x128xi32, #tpu.memory_space<vmem>> -> memref<1x128xi32, #tpu.memory_space<vmem>>
        %dma_wait3A_150 = tpu.memref_squeeze %dma_wait3A_149 : memref<1x128xi32, #tpu.memory_space<vmem>> -> memref<128xi32, #tpu.memory_space<vmem>>
        %dma_wait3A_151 = arith.constant 0 : i32
        %dma_wait3A_152 = arith.constant 0 : i32
        %dma_wait3A_153 = tpu.memref_slice %arg10[%dma_wait3A_151, %dma_wait3A_152] : memref<10240x128xf32, #tpu.memory_space<vmem_shared>> -> memref<10240x128xf32, #tpu.memory_space<vmem_shared>>
        tpu.wait_indirect_dma semaphore(%arg13 : memref<!tpu.dma_semaphore, #tpu.memory_space<semaphore_mem>>) src(%arg9 : memref<128x128xf32, #tpu.memory_space<vmem>>) dst(%dma_wait3A_153 : memref<10240x128xf32, #tpu.memory_space<vmem_shared>>)
        %add3A_154 = arith.constant 1 : i32
        %add3A_155 = arith.addi %add3A_134, %add3A_154 : i32
        %lt3A = arith.constant 40 : i32
        %lt3A_156 = arith.cmpi slt, %add3A_155, %lt3A : i32
        %convert_element_type3A_157 = arith.extui %lt3A_156 : i1 to i32
        %cond3A_158 = arith.constant 0 : i32
        %cond3A_159 = arith.cmpi ne, %convert_element_type3A_157, %cond3A_158 : i32
        scf.if %cond3A_159 {
          %add3A_192 = arith.constant 1 : i32
          %add3A_193 = arith.addi %add3A_134, %add3A_192 : i32
          %dma_start3A_194 = arith.constant 0 : i32
          %dma_start3A_195 = tpu.memref_slice %arg6[%add3A_193, %dma_start3A_194] : memref<40x128xi32, #tpu.memory_space<vmem>> -> memref<1x128xi32, #tpu.memory_space<vmem>>
          %dma_start3A_196 = tpu.memref_squeeze %dma_start3A_195 : memref<1x128xi32, #tpu.memory_space<vmem>> -> memref<128xi32, #tpu.memory_space<vmem>>
          %dma_start3A_197 = arith.constant 0 : i32
          %dma_start3A_198 = arith.constant 0 : i32
          %dma_start3A_199 = tpu.memref_slice %arg2[%dma_start3A_197, %dma_start3A_198] : memref<10240x128xf32, #tpu.memory_space<hbm>> -> memref<10240x128xf32, #tpu.memory_space<hbm>>
          tpu.enqueue_indirect_dma source(%dma_start3A_199 : memref<10240x128xf32, #tpu.memory_space<hbm>>) target(%arg9 : memref<128x128xf32, #tpu.memory_space<vmem>>) offsets(%dma_start3A_196 : memref<128xi32, #tpu.memory_space<vmem>>) semaphore(%arg12 : memref<!tpu.dma_semaphore, #tpu.memory_space<semaphore_mem>>)
        } else {
        }
        %mul3A_160 = arith.constant 2 : i32
        %mul3A_161 = arith.muli %mul3A_160, %scan3A_129 : i32
        %add3A_162 = arith.constant 1 : i32
        %add3A_163 = arith.addi %mul3A_161, %add3A_162 : i32
        %dma_wait3A_164 = arith.constant 0 : i32
        %dma_wait3A_165 = tpu.memref_slice %arg6[%add3A_163, %dma_wait3A_164] : memref<40x128xi32, #tpu.memory_space<vmem>> -> memref<1x128xi32, #tpu.memory_space<vmem>>
        %dma_wait3A_166 = tpu.memref_squeeze %dma_wait3A_165 : memref<1x128xi32, #tpu.memory_space<vmem>> -> memref<128xi32, #tpu.memory_space<vmem>>
        %dma_wait3A_167 = arith.constant 0 : i32
        %dma_wait3A_168 = arith.constant 0 : i32
        %dma_wait3A_169 = tpu.memref_slice %arg2[%dma_wait3A_167, %dma_wait3A_168] : memref<10240x128xf32, #tpu.memory_space<hbm>> -> memref<10240x128xf32, #tpu.memory_space<hbm>>
        tpu.wait_indirect_dma semaphore(%arg12 : memref<!tpu.dma_semaphore, #tpu.memory_space<semaphore_mem>>) src(%dma_wait3A_169 : memref<10240x128xf32, #tpu.memory_space<hbm>>) dst(%arg9 : memref<128x128xf32, #tpu.memory_space<vmem>>)
        %dma_start3A_170 = arith.constant 0 : i32
        %dma_start3A_171 = tpu.memref_slice %arg7[%add3A_163, %dma_start3A_170] : memref<40x128xi32, #tpu.memory_space<vmem>> -> memref<1x128xi32, #tpu.memory_space<vmem>>
        %dma_start3A_172 = tpu.memref_squeeze %dma_start3A_171 : memref<1x128xi32, #tpu.memory_space<vmem>> -> memref<128xi32, #tpu.memory_space<vmem>>
        %dma_start3A_173 = arith.constant 0 : i32
        %dma_start3A_174 = arith.constant 0 : i32
        %dma_start3A_175 = tpu.memref_slice %arg10[%dma_start3A_173, %dma_start3A_174] : memref<10240x128xf32, #tpu.memory_space<vmem_shared>> -> memref<10240x128xf32, #tpu.memory_space<vmem_shared>>
        tpu.enqueue_indirect_dma source(%arg9 : memref<128x128xf32, #tpu.memory_space<vmem>>) target(%dma_start3A_175 : memref<10240x128xf32, #tpu.memory_space<vmem_shared>>) offsets(%dma_start3A_172 : memref<128xi32, #tpu.memory_space<vmem>>) semaphore(%arg13 : memref<!tpu.dma_semaphore, #tpu.memory_space<semaphore_mem>>) {add = true}
        %sub3A_176 = arith.constant 1 : i32
        %sub3A_177 = arith.subi %add3A_163, %sub3A_176 : i32
        %dma_wait3A_178 = arith.constant 0 : i32
        %dma_wait3A_179 = tpu.memref_slice %arg7[%sub3A_177, %dma_wait3A_178] : memref<40x128xi32, #tpu.memory_space<vmem>> -> memref<1x128xi32, #tpu.memory_space<vmem>>
        %dma_wait3A_180 = tpu.memref_squeeze %dma_wait3A_179 : memref<1x128xi32, #tpu.memory_space<vmem>> -> memref<128xi32, #tpu.memory_space<vmem>>
        %dma_wait3A_181 = arith.constant 0 : i32
        %dma_wait3A_182 = arith.constant 0 : i32
        %dma_wait3A_183 = tpu.memref_slice %arg10[%dma_wait3A_181, %dma_wait3A_182] : memref<10240x128xf32, #tpu.memory_space<vmem_shared>> -> memref<10240x128xf32, #tpu.memory_space<vmem_shared>>
        tpu.wait_indirect_dma semaphore(%arg13 : memref<!tpu.dma_semaphore, #tpu.memory_space<semaphore_mem>>) src(%arg8 : memref<128x128xf32, #tpu.memory_space<vmem>>) dst(%dma_wait3A_183 : memref<10240x128xf32, #tpu.memory_space<vmem_shared>>)
        %add3A_184 = arith.constant 1 : i32
        %add3A_185 = arith.addi %add3A_163, %add3A_184 : i32
        %lt3A_186 = arith.constant 40 : i32
        %lt3A_187 = arith.cmpi slt, %add3A_185, %lt3A_186 : i32
        %convert_element_type3A_188 = arith.extui %lt3A_187 : i1 to i32
        %cond3A_189 = arith.constant 0 : i32
        %cond3A_190 = arith.cmpi ne, %convert_element_type3A_188, %cond3A_189 : i32
        scf.if %cond3A_190 {
          %add3A_192 = arith.constant 1 : i32
          %add3A_193 = arith.addi %add3A_163, %add3A_192 : i32
          %dma_start3A_194 = arith.constant 0 : i32
          %dma_start3A_195 = tpu.memref_slice %arg6[%add3A_193, %dma_start3A_194] : memref<40x128xi32, #tpu.memory_space<vmem>> -> memref<1x128xi32, #tpu.memory_space<vmem>>
          %dma_start3A_196 = tpu.memref_squeeze %dma_start3A_195 : memref<1x128xi32, #tpu.memory_space<vmem>> -> memref<128xi32, #tpu.memory_space<vmem>>
          %dma_start3A_197 = arith.constant 0 : i32
          %dma_start3A_198 = arith.constant 0 : i32
          %dma_start3A_199 = tpu.memref_slice %arg2[%dma_start3A_197, %dma_start3A_198] : memref<10240x128xf32, #tpu.memory_space<hbm>> -> memref<10240x128xf32, #tpu.memory_space<hbm>>
          tpu.enqueue_indirect_dma source(%dma_start3A_199 : memref<10240x128xf32, #tpu.memory_space<hbm>>) target(%arg8 : memref<128x128xf32, #tpu.memory_space<vmem>>) offsets(%dma_start3A_196 : memref<128xi32, #tpu.memory_space<vmem>>) semaphore(%arg12 : memref<!tpu.dma_semaphore, #tpu.memory_space<semaphore_mem>>)
        } else {
        }
        %scan3A_191 = arith.constant 0 : i32
        scf.yield %scan3A_191 : i32
      }
      %scan3A_120 = arith.constant 19 : i32
      %dma_wait3A_121 = arith.constant 39 : i32
      %dma_wait3A_122 = arith.constant 0 : i32
      %dma_wait3A_123 = tpu.memref_slice %arg7[%dma_wait3A_121, %dma_wait3A_122] : memref<40x128xi32, #tpu.memory_space<vmem>> -> memref<1x128xi32, #tpu.memory_space<vmem>>
      %dma_wait3A_124 = tpu.memref_squeeze %dma_wait3A_123 : memref<1x128xi32, #tpu.memory_space<vmem>> -> memref<128xi32, #tpu.memory_space<vmem>>
      %dma_wait3A_125 = arith.constant 0 : i32
      %dma_wait3A_126 = arith.constant 0 : i32
      %dma_wait3A_127 = tpu.memref_slice %arg10[%dma_wait3A_125, %dma_wait3A_126] : memref<10240x128xf32, #tpu.memory_space<vmem_shared>> -> memref<10240x128xf32, #tpu.memory_space<vmem_shared>>
      tpu.wait_indirect_dma semaphore(%arg13 : memref<!tpu.dma_semaphore, #tpu.memory_space<semaphore_mem>>) src(%arg9 : memref<128x128xf32, #tpu.memory_space<vmem>>) dst(%dma_wait3A_127 : memref<10240x128xf32, #tpu.memory_space<vmem_shared>>)
      %while3A_128 = arith.constant 0 : i32
      scf.yield %while3A_128 : i32
    }
    %barrier3A_50 = arith.constant 0 : index
    tpu.barrier barrier_id(%barrier3A_50)
    %mul3A_51 = arith.constant 640 : i32
    %mul3A_52 = arith.muli %arg1, %mul3A_51 : i32
    %mul3A_53 = arith.constant 640 : i32
    %mul3A_54 = arith.muli %arg1, %mul3A_53 : i32
    "tpu.region"() ({
      %run_scoped3A = tpu.sem_alloc : memref<!tpu.dma_semaphore, #tpu.memory_space<semaphore_mem>>
      %dma_start3A_55 = arith.constant 0 : i32
      %dma_start3A_56 = tpu.memref_slice %arg5[%arg0, %mul3A_54, %dma_start3A_55] : memref<2x10240x128xf32, #tpu.memory_space<hbm>> -> memref<1x640x128xf32, #tpu.memory_space<hbm>>
      %dma_start3A_57 = tpu.memref_squeeze %dma_start3A_56 : memref<1x640x128xf32, #tpu.memory_space<hbm>> -> memref<640x128xf32, #tpu.memory_space<hbm>>
      %dma_start3A_58 = arith.constant 0 : i32
      %dma_start3A_59 = tpu.memref_slice %arg10[%mul3A_52, %dma_start3A_58] : memref<10240x128xf32, #tpu.memory_space<vmem_shared>> -> memref<640x128xf32, #tpu.memory_space<vmem_shared>>
      tpu.enqueue_dma source(%dma_start3A_59 : memref<640x128xf32, #tpu.memory_space<vmem_shared>>) target(%dma_start3A_57 : memref<640x128xf32, #tpu.memory_space<hbm>>) target_semaphore(%run_scoped3A : memref<!tpu.dma_semaphore, #tpu.memory_space<semaphore_mem>>)
      %dma_wait3A_60 = arith.constant 0 : i32
      %dma_wait3A_61 = tpu.memref_slice %arg5[%arg0, %mul3A_54, %dma_wait3A_60] : memref<2x10240x128xf32, #tpu.memory_space<hbm>> -> memref<1x640x128xf32, #tpu.memory_space<hbm>>
      %dma_wait3A_62 = tpu.memref_squeeze %dma_wait3A_61 : memref<1x640x128xf32, #tpu.memory_space<hbm>> -> memref<640x128xf32, #tpu.memory_space<hbm>>
      %dma_wait3A_63 = arith.constant 0 : i32
      %dma_wait3A_64 = tpu.memref_slice %arg10[%mul3A_52, %dma_wait3A_63] : memref<10240x128xf32, #tpu.memory_space<vmem_shared>> -> memref<640x128xf32, #tpu.memory_space<vmem_shared>>
      tpu.wait_dma2 semaphore(%run_scoped3A : memref<!tpu.dma_semaphore, #tpu.memory_space<semaphore_mem>>) src(%dma_wait3A_64 : memref<640x128xf32, #tpu.memory_space<vmem_shared>>) dst(%dma_wait3A_62 : memref<640x128xf32, #tpu.memory_space<hbm>>)
      tpu.yield
    }) : () -> ()
    return
  }
}

#map = affine_map<(d0, d1) -> (0, 0)>
#map1 = affine_map<(d0, d1) -> (0, 0, 0)>
module attributes {stable_mosaic.version = 14 : i64} {
  func.func @agg_kernel(%arg0: i32, %arg1: i32, %arg2: memref<10240x128xf32, #tpu.memory_space<hbm>>, %arg3: memref<2560x128xi32, #tpu.memory_space<hbm>>, %arg4: memref<2560x128xi32, #tpu.memory_space<hbm>>, %arg5: memref<2x10240x128xf32, #tpu.memory_space<hbm>>, %arg6: memref<40x128xi32, #tpu.memory_space<vmem>>, %arg7: memref<40x128xi32, #tpu.memory_space<vmem>>, %arg8: memref<128x128xf32, #tpu.memory_space<vmem>>, %arg9: memref<128x128xf32, #tpu.memory_space<vmem>>, %arg10: memref<10240x128xf32, #tpu.memory_space<vmem_shared>>, %arg11: memref<!tpu.dma_semaphore, #tpu.memory_space<semaphore_mem>>, %arg12: memref<!tpu.dma_semaphore, #tpu.memory_space<semaphore_mem>>, %arg13: memref<!tpu.dma_semaphore, #tpu.memory_space<semaphore_mem>>) attributes {dimension_semantics = [#tpu.dimension_semantics<core_parallel>, #tpu.dimension_semantics<subcore_parallel>], iteration_bounds = array<i64: 2, 16>, scalar_prefetch = 0 : i64, scratch_operands = 8 : i64, tpu.core_type = #tpu.core_type<sc_vector_subcore>, window_params = [{transform_indices = #map}, {transform_indices = #map}, {transform_indices = #map}, {transform_indices = #map1}]} {
    %eq3A = arith.constant 0 : i32
    %eq3A_0 = arith.cmpi eq, %arg0, %eq3A : i32
    %jit3A = arith.constant 3 : i32
    %jit3A_1 = arith.constant 1 : i32
    %select_n3A = arith.select %eq3A_0, %jit3A, %jit3A_1 : i32
    %eq3A_2 = arith.constant 0 : i32
    %eq3A_3 = arith.cmpi eq, %arg0, %eq3A_2 : i32
    %mul3A = arith.constant 3 : i32
    %mul3A_4 = arith.muli %arg1, %mul3A : i32
    %mul3A_5 = arith.constant 1 : i32
    %mul3A_6 = arith.muli %arg1, %mul3A_5 : i32
    %add3A = arith.constant 48 : i32
    %add3A_7 = arith.addi %add3A, %mul3A_6 : i32
    %select_n3A_8 = arith.select %eq3A_3, %mul3A_4, %add3A_7 : i32
    %mul3A_9 = arith.constant 640 : i32
    %mul3A_10 = arith.muli %arg1, %mul3A_9 : i32
    %mul3A_11 = arith.constant 640 : i32
    %mul3A_12 = arith.muli %arg1, %mul3A_11 : i32
    %dma_start3A = arith.constant 0 : i32
    %dma_start3A_13 = tpu.memref_slice %arg10[%mul3A_12, %dma_start3A] : memref<10240x128xf32, #tpu.memory_space<vmem_shared>> -> memref<640x128xf32, #tpu.memory_space<vmem_shared>>
    %dma_start3A_14 = arith.constant 0 : i32
    %dma_start3A_15 = tpu.memref_slice %arg2[%mul3A_10, %dma_start3A_14] : memref<10240x128xf32, #tpu.memory_space<hbm>> -> memref<640x128xf32, #tpu.memory_space<hbm>>
    tpu.enqueue_dma source(%dma_start3A_15 : memref<640x128xf32, #tpu.memory_space<hbm>>) target(%dma_start3A_13 : memref<640x128xf32, #tpu.memory_space<vmem_shared>>) target_semaphore(%arg12 : memref<!tpu.dma_semaphore, #tpu.memory_space<semaphore_mem>>)
    %add3A_16 = arith.constant 0 : i32
    %add3A_17 = arith.addi %select_n3A_8, %add3A_16 : i32
    %mul3A_18 = arith.constant 40 : i32
    %mul3A_19 = arith.muli %add3A_17, %mul3A_18 : i32
    %dma_start3A_20 = arith.constant 0 : i32
    %dma_start3A_21 = tpu.memref_slice %arg3[%mul3A_19, %dma_start3A_20] : memref<2560x128xi32, #tpu.memory_space<hbm>> -> memref<40x128xi32, #tpu.memory_space<hbm>>
    %dma_start3A_22 = arith.constant 0 : i32
    %dma_start3A_23 = tpu.memref_slice %arg3[%mul3A_19, %dma_start3A_22] : memref<2560x128xi32, #tpu.memory_space<hbm>> -> memref<40x128xi32, #tpu.memory_space<hbm>>
    tpu.enqueue_dma source(%dma_start3A_23 : memref<40x128xi32, #tpu.memory_space<hbm>>) target(%arg6 : memref<40x128xi32, #tpu.memory_space<vmem>>) target_semaphore(%arg11 : memref<!tpu.dma_semaphore, #tpu.memory_space<semaphore_mem>>)
    %dma_start3A_24 = arith.constant 0 : i32
    %dma_start3A_25 = tpu.memref_slice %arg4[%mul3A_19, %dma_start3A_24] : memref<2560x128xi32, #tpu.memory_space<hbm>> -> memref<40x128xi32, #tpu.memory_space<hbm>>
    %dma_start3A_26 = arith.constant 0 : i32
    %dma_start3A_27 = tpu.memref_slice %arg4[%mul3A_19, %dma_start3A_26] : memref<2560x128xi32, #tpu.memory_space<hbm>> -> memref<40x128xi32, #tpu.memory_space<hbm>>
    tpu.enqueue_dma source(%dma_start3A_27 : memref<40x128xi32, #tpu.memory_space<hbm>>) target(%arg7 : memref<40x128xi32, #tpu.memory_space<vmem>>) target_semaphore(%arg11 : memref<!tpu.dma_semaphore, #tpu.memory_space<semaphore_mem>>)
    %dma_wait3A = arith.constant 0 : i32
    %dma_wait3A_28 = tpu.memref_slice %arg3[%mul3A_19, %dma_wait3A] : memref<2560x128xi32, #tpu.memory_space<hbm>> -> memref<40x128xi32, #tpu.memory_space<hbm>>
    %dma_wait3A_29 = arith.constant 0 : i32
    %dma_wait3A_30 = tpu.memref_slice %arg3[%mul3A_19, %dma_wait3A_29] : memref<2560x128xi32, #tpu.memory_space<hbm>> -> memref<40x128xi32, #tpu.memory_space<hbm>>
    tpu.wait_dma2 semaphore(%arg11 : memref<!tpu.dma_semaphore, #tpu.memory_space<semaphore_mem>>) src(%dma_wait3A_30 : memref<40x128xi32, #tpu.memory_space<hbm>>) dst(%arg6 : memref<40x128xi32, #tpu.memory_space<vmem>>)
    %dma_wait3A_31 = arith.constant 0 : i32
    %dma_wait3A_32 = tpu.memref_slice %arg4[%mul3A_19, %dma_wait3A_31] : memref<2560x128xi32, #tpu.memory_space<hbm>> -> memref<40x128xi32, #tpu.memory_space<hbm>>
    %dma_wait3A_33 = arith.constant 0 : i32
    %dma_wait3A_34 = tpu.memref_slice %arg4[%mul3A_19, %dma_wait3A_33] : memref<2560x128xi32, #tpu.memory_space<hbm>> -> memref<40x128xi32, #tpu.memory_space<hbm>>
    tpu.wait_dma2 semaphore(%arg11 : memref<!tpu.dma_semaphore, #tpu.memory_space<semaphore_mem>>) src(%dma_wait3A_34 : memref<40x128xi32, #tpu.memory_space<hbm>>) dst(%arg7 : memref<40x128xi32, #tpu.memory_space<vmem>>)
    %dma_wait3A_35 = arith.constant 0 : i32
    %dma_wait3A_36 = tpu.memref_slice %arg10[%mul3A_12, %dma_wait3A_35] : memref<10240x128xf32, #tpu.memory_space<vmem_shared>> -> memref<640x128xf32, #tpu.memory_space<vmem_shared>>
    %dma_wait3A_37 = arith.constant 0 : i32
    %dma_wait3A_38 = tpu.memref_slice %arg2[%mul3A_10, %dma_wait3A_37] : memref<10240x128xf32, #tpu.memory_space<hbm>> -> memref<640x128xf32, #tpu.memory_space<hbm>>
    tpu.wait_dma2 semaphore(%arg12 : memref<!tpu.dma_semaphore, #tpu.memory_space<semaphore_mem>>) src(%dma_wait3A_38 : memref<640x128xf32, #tpu.memory_space<hbm>>) dst(%dma_wait3A_36 : memref<640x128xf32, #tpu.memory_space<vmem_shared>>)
    %barrier3A = arith.constant 0 : index
    tpu.barrier barrier_id(%barrier3A)
    %while3A = arith.constant 0 : i32
    %while3A_39 = arith.constant 0 : i32
    %while3A_40 = arith.subi %select_n3A, %while3A : i32
    %while3A_41 = arith.addi %while3A, %while3A_40 : i32
    %while3A_42 = arith.constant 1 : i32
    %while3A_43 = arith.divsi %while3A_40, %while3A_42 : i32
    %while3A_44 = arith.muli %while3A_43, %while3A_42 : i32
    %while3A_45 = arith.addi %while3A, %while3A_44 : i32
    %while3A_46 = arith.constant 1 : i32
    %while3A_47 = scf.for %while3A_55 = %while3A to %while3A_45 step %while3A_46 iter_args(%while3A_56 = %while3A_39) -> (i32)  : i32 {
      %gt3A = arith.constant 0 : i32
      %gt3A_57 = arith.cmpi sgt, %while3A_55, %gt3A : i32
      %convert_element_type3A = arith.extui %gt3A_57 : i1 to i32
      %cond3A = arith.constant 0 : i32
      %cond3A_58 = arith.cmpi ne, %convert_element_type3A, %cond3A : i32
      scf.if %cond3A_58 {
        %add3A_129 = arith.addi %select_n3A_8, %while3A_55 : i32
        %mul3A_130 = arith.constant 40 : i32
        %mul3A_131 = arith.muli %add3A_129, %mul3A_130 : i32
        %dma_start3A_132 = arith.constant 0 : i32
        %dma_start3A_133 = tpu.memref_slice %arg3[%mul3A_131, %dma_start3A_132] : memref<2560x128xi32, #tpu.memory_space<hbm>> -> memref<40x128xi32, #tpu.memory_space<hbm>>
        %dma_start3A_134 = arith.constant 0 : i32
        %dma_start3A_135 = tpu.memref_slice %arg3[%mul3A_131, %dma_start3A_134] : memref<2560x128xi32, #tpu.memory_space<hbm>> -> memref<40x128xi32, #tpu.memory_space<hbm>>
        tpu.enqueue_dma source(%dma_start3A_135 : memref<40x128xi32, #tpu.memory_space<hbm>>) target(%arg6 : memref<40x128xi32, #tpu.memory_space<vmem>>) target_semaphore(%arg11 : memref<!tpu.dma_semaphore, #tpu.memory_space<semaphore_mem>>)
        %dma_start3A_136 = arith.constant 0 : i32
        %dma_start3A_137 = tpu.memref_slice %arg4[%mul3A_131, %dma_start3A_136] : memref<2560x128xi32, #tpu.memory_space<hbm>> -> memref<40x128xi32, #tpu.memory_space<hbm>>
        %dma_start3A_138 = arith.constant 0 : i32
        %dma_start3A_139 = tpu.memref_slice %arg4[%mul3A_131, %dma_start3A_138] : memref<2560x128xi32, #tpu.memory_space<hbm>> -> memref<40x128xi32, #tpu.memory_space<hbm>>
        tpu.enqueue_dma source(%dma_start3A_139 : memref<40x128xi32, #tpu.memory_space<hbm>>) target(%arg7 : memref<40x128xi32, #tpu.memory_space<vmem>>) target_semaphore(%arg11 : memref<!tpu.dma_semaphore, #tpu.memory_space<semaphore_mem>>)
        %dma_wait3A_140 = arith.constant 0 : i32
        %dma_wait3A_141 = tpu.memref_slice %arg3[%mul3A_131, %dma_wait3A_140] : memref<2560x128xi32, #tpu.memory_space<hbm>> -> memref<40x128xi32, #tpu.memory_space<hbm>>
        %dma_wait3A_142 = arith.constant 0 : i32
        %dma_wait3A_143 = tpu.memref_slice %arg3[%mul3A_131, %dma_wait3A_142] : memref<2560x128xi32, #tpu.memory_space<hbm>> -> memref<40x128xi32, #tpu.memory_space<hbm>>
        tpu.wait_dma2 semaphore(%arg11 : memref<!tpu.dma_semaphore, #tpu.memory_space<semaphore_mem>>) src(%dma_wait3A_143 : memref<40x128xi32, #tpu.memory_space<hbm>>) dst(%arg6 : memref<40x128xi32, #tpu.memory_space<vmem>>)
        %dma_wait3A_144 = arith.constant 0 : i32
        %dma_wait3A_145 = tpu.memref_slice %arg4[%mul3A_131, %dma_wait3A_144] : memref<2560x128xi32, #tpu.memory_space<hbm>> -> memref<40x128xi32, #tpu.memory_space<hbm>>
        %dma_wait3A_146 = arith.constant 0 : i32
        %dma_wait3A_147 = tpu.memref_slice %arg4[%mul3A_131, %dma_wait3A_146] : memref<2560x128xi32, #tpu.memory_space<hbm>> -> memref<40x128xi32, #tpu.memory_space<hbm>>
        tpu.wait_dma2 semaphore(%arg11 : memref<!tpu.dma_semaphore, #tpu.memory_space<semaphore_mem>>) src(%dma_wait3A_147 : memref<40x128xi32, #tpu.memory_space<hbm>>) dst(%arg7 : memref<40x128xi32, #tpu.memory_space<vmem>>)
      } else {
      }
      %dma_start3A_59 = arith.constant 0 : i32
      %dma_start3A_60 = arith.constant 0 : i32
      %dma_start3A_61 = tpu.memref_slice %arg6[%dma_start3A_59, %dma_start3A_60] : memref<40x128xi32, #tpu.memory_space<vmem>> -> memref<1x128xi32, #tpu.memory_space<vmem>>
      %dma_start3A_62 = tpu.memref_squeeze %dma_start3A_61 : memref<1x128xi32, #tpu.memory_space<vmem>> -> memref<128xi32, #tpu.memory_space<vmem>>
      %dma_start3A_63 = arith.constant 0 : i32
      %dma_start3A_64 = arith.constant 0 : i32
      %dma_start3A_65 = tpu.memref_slice %arg2[%dma_start3A_63, %dma_start3A_64] : memref<10240x128xf32, #tpu.memory_space<hbm>> -> memref<10240x128xf32, #tpu.memory_space<hbm>>
      tpu.enqueue_indirect_dma source(%dma_start3A_65 : memref<10240x128xf32, #tpu.memory_space<hbm>>) target(%arg8 : memref<128x128xf32, #tpu.memory_space<vmem>>) offsets(%dma_start3A_62 : memref<128xi32, #tpu.memory_space<vmem>>) semaphore(%arg12 : memref<!tpu.dma_semaphore, #tpu.memory_space<semaphore_mem>>)
      %dma_wait3A_66 = arith.constant 0 : i32
      %dma_wait3A_67 = arith.constant 0 : i32
      %dma_wait3A_68 = tpu.memref_slice %arg6[%dma_wait3A_66, %dma_wait3A_67] : memref<40x128xi32, #tpu.memory_space<vmem>> -> memref<1x128xi32, #tpu.memory_space<vmem>>
      %dma_wait3A_69 = tpu.memref_squeeze %dma_wait3A_68 : memref<1x128xi32, #tpu.memory_space<vmem>> -> memref<128xi32, #tpu.memory_space<vmem>>
      %dma_wait3A_70 = arith.constant 0 : i32
      %dma_wait3A_71 = arith.constant 0 : i32
      %dma_wait3A_72 = tpu.memref_slice %arg2[%dma_wait3A_70, %dma_wait3A_71] : memref<10240x128xf32, #tpu.memory_space<hbm>> -> memref<10240x128xf32, #tpu.memory_space<hbm>>
      tpu.wait_indirect_dma semaphore(%arg12 : memref<!tpu.dma_semaphore, #tpu.memory_space<semaphore_mem>>) src(%dma_wait3A_72 : memref<10240x128xf32, #tpu.memory_space<hbm>>) dst(%arg8 : memref<128x128xf32, #tpu.memory_space<vmem>>)
      %dma_start3A_73 = arith.constant 0 : i32
      %dma_start3A_74 = arith.constant 0 : i32
      %dma_start3A_75 = tpu.memref_slice %arg7[%dma_start3A_73, %dma_start3A_74] : memref<40x128xi32, #tpu.memory_space<vmem>> -> memref<1x128xi32, #tpu.memory_space<vmem>>
      %dma_start3A_76 = tpu.memref_squeeze %dma_start3A_75 : memref<1x128xi32, #tpu.memory_space<vmem>> -> memref<128xi32, #tpu.memory_space<vmem>>
      %dma_start3A_77 = arith.constant 0 : i32
      %dma_start3A_78 = arith.constant 0 : i32
      %dma_start3A_79 = tpu.memref_slice %arg10[%dma_start3A_77, %dma_start3A_78] : memref<10240x128xf32, #tpu.memory_space<vmem_shared>> -> memref<10240x128xf32, #tpu.memory_space<vmem_shared>>
      tpu.enqueue_indirect_dma source(%arg8 : memref<128x128xf32, #tpu.memory_space<vmem>>) target(%dma_start3A_79 : memref<10240x128xf32, #tpu.memory_space<vmem_shared>>) offsets(%dma_start3A_76 : memref<128xi32, #tpu.memory_space<vmem>>) semaphore(%arg13 : memref<!tpu.dma_semaphore, #tpu.memory_space<semaphore_mem>>) {add = true}
      %dma_start3A_80 = arith.constant 1 : i32
      %dma_start3A_81 = arith.constant 0 : i32
      %dma_start3A_82 = tpu.memref_slice %arg6[%dma_start3A_80, %dma_start3A_81] : memref<40x128xi32, #tpu.memory_space<vmem>> -> memref<1x128xi32, #tpu.memory_space<vmem>>
      %dma_start3A_83 = tpu.memref_squeeze %dma_start3A_82 : memref<1x128xi32, #tpu.memory_space<vmem>> -> memref<128xi32, #tpu.memory_space<vmem>>
      %dma_start3A_84 = arith.constant 0 : i32
      %dma_start3A_85 = arith.constant 0 : i32
      %dma_start3A_86 = tpu.memref_slice %arg2[%dma_start3A_84, %dma_start3A_85] : memref<10240x128xf32, #tpu.memory_space<hbm>> -> memref<10240x128xf32, #tpu.memory_space<hbm>>
      tpu.enqueue_indirect_dma source(%dma_start3A_86 : memref<10240x128xf32, #tpu.memory_space<hbm>>) target(%arg9 : memref<128x128xf32, #tpu.memory_space<vmem>>) offsets(%dma_start3A_83 : memref<128xi32, #tpu.memory_space<vmem>>) semaphore(%arg12 : memref<!tpu.dma_semaphore, #tpu.memory_space<semaphore_mem>>)
      %dma_wait3A_87 = arith.constant 1 : i32
      %dma_wait3A_88 = arith.constant 0 : i32
      %dma_wait3A_89 = tpu.memref_slice %arg6[%dma_wait3A_87, %dma_wait3A_88] : memref<40x128xi32, #tpu.memory_space<vmem>> -> memref<1x128xi32, #tpu.memory_space<vmem>>
      %dma_wait3A_90 = tpu.memref_squeeze %dma_wait3A_89 : memref<1x128xi32, #tpu.memory_space<vmem>> -> memref<128xi32, #tpu.memory_space<vmem>>
      %dma_wait3A_91 = arith.constant 0 : i32
      %dma_wait3A_92 = arith.constant 0 : i32
      %dma_wait3A_93 = tpu.memref_slice %arg2[%dma_wait3A_91, %dma_wait3A_92] : memref<10240x128xf32, #tpu.memory_space<hbm>> -> memref<10240x128xf32, #tpu.memory_space<hbm>>
      tpu.wait_indirect_dma semaphore(%arg12 : memref<!tpu.dma_semaphore, #tpu.memory_space<semaphore_mem>>) src(%dma_wait3A_93 : memref<10240x128xf32, #tpu.memory_space<hbm>>) dst(%arg9 : memref<128x128xf32, #tpu.memory_space<vmem>>)
      %dma_start3A_94 = arith.constant 1 : i32
      %dma_start3A_95 = arith.constant 0 : i32
      %dma_start3A_96 = tpu.memref_slice %arg7[%dma_start3A_94, %dma_start3A_95] : memref<40x128xi32, #tpu.memory_space<vmem>> -> memref<1x128xi32, #tpu.memory_space<vmem>>
      %dma_start3A_97 = tpu.memref_squeeze %dma_start3A_96 : memref<1x128xi32, #tpu.memory_space<vmem>> -> memref<128xi32, #tpu.memory_space<vmem>>
      %dma_start3A_98 = arith.constant 0 : i32
      %dma_start3A_99 = arith.constant 0 : i32
      %dma_start3A_100 = tpu.memref_slice %arg10[%dma_start3A_98, %dma_start3A_99] : memref<10240x128xf32, #tpu.memory_space<vmem_shared>> -> memref<10240x128xf32, #tpu.memory_space<vmem_shared>>
      tpu.enqueue_indirect_dma source(%arg9 : memref<128x128xf32, #tpu.memory_space<vmem>>) target(%dma_start3A_100 : memref<10240x128xf32, #tpu.memory_space<vmem_shared>>) offsets(%dma_start3A_97 : memref<128xi32, #tpu.memory_space<vmem>>) semaphore(%arg13 : memref<!tpu.dma_semaphore, #tpu.memory_space<semaphore_mem>>) {add = true}
      %dma_wait3A_101 = arith.constant 0 : i32
      %dma_wait3A_102 = arith.constant 0 : i32
      %dma_wait3A_103 = tpu.memref_slice %arg7[%dma_wait3A_101, %dma_wait3A_102] : memref<40x128xi32, #tpu.memory_space<vmem>> -> memref<1x128xi32, #tpu.memory_space<vmem>>
      %dma_wait3A_104 = tpu.memref_squeeze %dma_wait3A_103 : memref<1x128xi32, #tpu.memory_space<vmem>> -> memref<128xi32, #tpu.memory_space<vmem>>
      %dma_wait3A_105 = arith.constant 0 : i32
      %dma_wait3A_106 = arith.constant 0 : i32
      %dma_wait3A_107 = tpu.memref_slice %arg10[%dma_wait3A_105, %dma_wait3A_106] : memref<10240x128xf32, #tpu.memory_space<vmem_shared>> -> memref<10240x128xf32, #tpu.memory_space<vmem_shared>>
      tpu.wait_indirect_dma semaphore(%arg13 : memref<!tpu.dma_semaphore, #tpu.memory_space<semaphore_mem>>) src(%arg8 : memref<128x128xf32, #tpu.memory_space<vmem>>) dst(%dma_wait3A_107 : memref<10240x128xf32, #tpu.memory_space<vmem_shared>>)
      %dma_start3A_108 = arith.constant 2 : i32
      %dma_start3A_109 = arith.constant 0 : i32
      %dma_start3A_110 = tpu.memref_slice %arg6[%dma_start3A_108, %dma_start3A_109] : memref<40x128xi32, #tpu.memory_space<vmem>> -> memref<1x128xi32, #tpu.memory_space<vmem>>
      %dma_start3A_111 = tpu.memref_squeeze %dma_start3A_110 : memref<1x128xi32, #tpu.memory_space<vmem>> -> memref<128xi32, #tpu.memory_space<vmem>>
      %dma_start3A_112 = arith.constant 0 : i32
      %dma_start3A_113 = arith.constant 0 : i32
      %dma_start3A_114 = tpu.memref_slice %arg2[%dma_start3A_112, %dma_start3A_113] : memref<10240x128xf32, #tpu.memory_space<hbm>> -> memref<10240x128xf32, #tpu.memory_space<hbm>>
      tpu.enqueue_indirect_dma source(%dma_start3A_114 : memref<10240x128xf32, #tpu.memory_space<hbm>>) target(%arg8 : memref<128x128xf32, #tpu.memory_space<vmem>>) offsets(%dma_start3A_111 : memref<128xi32, #tpu.memory_space<vmem>>) semaphore(%arg12 : memref<!tpu.dma_semaphore, #tpu.memory_space<semaphore_mem>>)
      %scan3A = arith.constant 0 : i32
      %scan3A_115 = arith.constant 1 : i32
      %scan3A_116 = arith.constant 19 : i32
      %scan3A_117 = arith.addi %scan3A_115, %scan3A_116 : i32
      %scan3A_118 = arith.constant 1 : i32
      %scan3A_119 = scf.for %scan3A_129 = %scan3A_115 to %scan3A_117 step %scan3A_118 iter_args(%scan3A_130 = %scan3A) -> (i32)  : i32 {
        %mul3A_131 = arith.constant 2 : i32
        %mul3A_132 = arith.muli %mul3A_131, %scan3A_129 : i32
        %add3A_133 = arith.constant 0 : i32
        %add3A_134 = arith.addi %mul3A_132, %add3A_133 : i32
        %dma_wait3A_135 = arith.constant 0 : i32
        %dma_wait3A_136 = tpu.memref_slice %arg6[%add3A_134, %dma_wait3A_135] : memref<40x128xi32, #tpu.memory_space<vmem>> -> memref<1x128xi32, #tpu.memory_space<vmem>>
        %dma_wait3A_137 = tpu.memref_squeeze %dma_wait3A_136 : memref<1x128xi32, #tpu.memory_space<vmem>> -> memref<128xi32, #tpu.memory_space<vmem>>
        %dma_wait3A_138 = arith.constant 0 : i32
        %dma_wait3A_139 = arith.constant 0 : i32
        %dma_wait3A_140 = tpu.memref_slice %arg2[%dma_wait3A_138, %dma_wait3A_139] : memref<10240x128xf32, #tpu.memory_space<hbm>> -> memref<10240x128xf32, #tpu.memory_space<hbm>>
        tpu.wait_indirect_dma semaphore(%arg12 : memref<!tpu.dma_semaphore, #tpu.memory_space<semaphore_mem>>) src(%dma_wait3A_140 : memref<10240x128xf32, #tpu.memory_space<hbm>>) dst(%arg8 : memref<128x128xf32, #tpu.memory_space<vmem>>)
        %dma_start3A_141 = arith.constant 0 : i32
        %dma_start3A_142 = tpu.memref_slice %arg7[%add3A_134, %dma_start3A_141] : memref<40x128xi32, #tpu.memory_space<vmem>> -> memref<1x128xi32, #tpu.memory_space<vmem>>
        %dma_start3A_143 = tpu.memref_squeeze %dma_start3A_142 : memref<1x128xi32, #tpu.memory_space<vmem>> -> memref<128xi32, #tpu.memory_space<vmem>>
        %dma_start3A_144 = arith.constant 0 : i32
        %dma_start3A_145 = arith.constant 0 : i32
        %dma_start3A_146 = tpu.memref_slice %arg10[%dma_start3A_144, %dma_start3A_145] : memref<10240x128xf32, #tpu.memory_space<vmem_shared>> -> memref<10240x128xf32, #tpu.memory_space<vmem_shared>>
        tpu.enqueue_indirect_dma source(%arg8 : memref<128x128xf32, #tpu.memory_space<vmem>>) target(%dma_start3A_146 : memref<10240x128xf32, #tpu.memory_space<vmem_shared>>) offsets(%dma_start3A_143 : memref<128xi32, #tpu.memory_space<vmem>>) semaphore(%arg13 : memref<!tpu.dma_semaphore, #tpu.memory_space<semaphore_mem>>) {add = true}
        %sub3A = arith.constant 1 : i32
        %sub3A_147 = arith.subi %add3A_134, %sub3A : i32
        %dma_wait3A_148 = arith.constant 0 : i32
        %dma_wait3A_149 = tpu.memref_slice %arg7[%sub3A_147, %dma_wait3A_148] : memref<40x128xi32, #tpu.memory_space<vmem>> -> memref<1x128xi32, #tpu.memory_space<vmem>>
        %dma_wait3A_150 = tpu.memref_squeeze %dma_wait3A_149 : memref<1x128xi32, #tpu.memory_space<vmem>> -> memref<128xi32, #tpu.memory_space<vmem>>
        %dma_wait3A_151 = arith.constant 0 : i32
        %dma_wait3A_152 = arith.constant 0 : i32
        %dma_wait3A_153 = tpu.memref_slice %arg10[%dma_wait3A_151, %dma_wait3A_152] : memref<10240x128xf32, #tpu.memory_space<vmem_shared>> -> memref<10240x128xf32, #tpu.memory_space<vmem_shared>>
        tpu.wait_indirect_dma semaphore(%arg13 : memref<!tpu.dma_semaphore, #tpu.memory_space<semaphore_mem>>) src(%arg9 : memref<128x128xf32, #tpu.memory_space<vmem>>) dst(%dma_wait3A_153 : memref<10240x128xf32, #tpu.memory_space<vmem_shared>>)
        %add3A_154 = arith.constant 1 : i32
        %add3A_155 = arith.addi %add3A_134, %add3A_154 : i32
        %lt3A = arith.constant 40 : i32
        %lt3A_156 = arith.cmpi slt, %add3A_155, %lt3A : i32
        %convert_element_type3A_157 = arith.extui %lt3A_156 : i1 to i32
        %cond3A_158 = arith.constant 0 : i32
        %cond3A_159 = arith.cmpi ne, %convert_element_type3A_157, %cond3A_158 : i32
        scf.if %cond3A_159 {
          %add3A_192 = arith.constant 1 : i32
          %add3A_193 = arith.addi %add3A_134, %add3A_192 : i32
          %dma_start3A_194 = arith.constant 0 : i32
          %dma_start3A_195 = tpu.memref_slice %arg6[%add3A_193, %dma_start3A_194] : memref<40x128xi32, #tpu.memory_space<vmem>> -> memref<1x128xi32, #tpu.memory_space<vmem>>
          %dma_start3A_196 = tpu.memref_squeeze %dma_start3A_195 : memref<1x128xi32, #tpu.memory_space<vmem>> -> memref<128xi32, #tpu.memory_space<vmem>>
          %dma_start3A_197 = arith.constant 0 : i32
          %dma_start3A_198 = arith.constant 0 : i32
          %dma_start3A_199 = tpu.memref_slice %arg2[%dma_start3A_197, %dma_start3A_198] : memref<10240x128xf32, #tpu.memory_space<hbm>> -> memref<10240x128xf32, #tpu.memory_space<hbm>>
          tpu.enqueue_indirect_dma source(%dma_start3A_199 : memref<10240x128xf32, #tpu.memory_space<hbm>>) target(%arg9 : memref<128x128xf32, #tpu.memory_space<vmem>>) offsets(%dma_start3A_196 : memref<128xi32, #tpu.memory_space<vmem>>) semaphore(%arg12 : memref<!tpu.dma_semaphore, #tpu.memory_space<semaphore_mem>>)
        } else {
        }
        %mul3A_160 = arith.constant 2 : i32
        %mul3A_161 = arith.muli %mul3A_160, %scan3A_129 : i32
        %add3A_162 = arith.constant 1 : i32
        %add3A_163 = arith.addi %mul3A_161, %add3A_162 : i32
        %dma_wait3A_164 = arith.constant 0 : i32
        %dma_wait3A_165 = tpu.memref_slice %arg6[%add3A_163, %dma_wait3A_164] : memref<40x128xi32, #tpu.memory_space<vmem>> -> memref<1x128xi32, #tpu.memory_space<vmem>>
        %dma_wait3A_166 = tpu.memref_squeeze %dma_wait3A_165 : memref<1x128xi32, #tpu.memory_space<vmem>> -> memref<128xi32, #tpu.memory_space<vmem>>
        %dma_wait3A_167 = arith.constant 0 : i32
        %dma_wait3A_168 = arith.constant 0 : i32
        %dma_wait3A_169 = tpu.memref_slice %arg2[%dma_wait3A_167, %dma_wait3A_168] : memref<10240x128xf32, #tpu.memory_space<hbm>> -> memref<10240x128xf32, #tpu.memory_space<hbm>>
        tpu.wait_indirect_dma semaphore(%arg12 : memref<!tpu.dma_semaphore, #tpu.memory_space<semaphore_mem>>) src(%dma_wait3A_169 : memref<10240x128xf32, #tpu.memory_space<hbm>>) dst(%arg9 : memref<128x128xf32, #tpu.memory_space<vmem>>)
        %dma_start3A_170 = arith.constant 0 : i32
        %dma_start3A_171 = tpu.memref_slice %arg7[%add3A_163, %dma_start3A_170] : memref<40x128xi32, #tpu.memory_space<vmem>> -> memref<1x128xi32, #tpu.memory_space<vmem>>
        %dma_start3A_172 = tpu.memref_squeeze %dma_start3A_171 : memref<1x128xi32, #tpu.memory_space<vmem>> -> memref<128xi32, #tpu.memory_space<vmem>>
        %dma_start3A_173 = arith.constant 0 : i32
        %dma_start3A_174 = arith.constant 0 : i32
        %dma_start3A_175 = tpu.memref_slice %arg10[%dma_start3A_173, %dma_start3A_174] : memref<10240x128xf32, #tpu.memory_space<vmem_shared>> -> memref<10240x128xf32, #tpu.memory_space<vmem_shared>>
        tpu.enqueue_indirect_dma source(%arg9 : memref<128x128xf32, #tpu.memory_space<vmem>>) target(%dma_start3A_175 : memref<10240x128xf32, #tpu.memory_space<vmem_shared>>) offsets(%dma_start3A_172 : memref<128xi32, #tpu.memory_space<vmem>>) semaphore(%arg13 : memref<!tpu.dma_semaphore, #tpu.memory_space<semaphore_mem>>) {add = true}
        %sub3A_176 = arith.constant 1 : i32
        %sub3A_177 = arith.subi %add3A_163, %sub3A_176 : i32
        %dma_wait3A_178 = arith.constant 0 : i32
        %dma_wait3A_179 = tpu.memref_slice %arg7[%sub3A_177, %dma_wait3A_178] : memref<40x128xi32, #tpu.memory_space<vmem>> -> memref<1x128xi32, #tpu.memory_space<vmem>>
        %dma_wait3A_180 = tpu.memref_squeeze %dma_wait3A_179 : memref<1x128xi32, #tpu.memory_space<vmem>> -> memref<128xi32, #tpu.memory_space<vmem>>
        %dma_wait3A_181 = arith.constant 0 : i32
        %dma_wait3A_182 = arith.constant 0 : i32
        %dma_wait3A_183 = tpu.memref_slice %arg10[%dma_wait3A_181, %dma_wait3A_182] : memref<10240x128xf32, #tpu.memory_space<vmem_shared>> -> memref<10240x128xf32, #tpu.memory_space<vmem_shared>>
        tpu.wait_indirect_dma semaphore(%arg13 : memref<!tpu.dma_semaphore, #tpu.memory_space<semaphore_mem>>) src(%arg8 : memref<128x128xf32, #tpu.memory_space<vmem>>) dst(%dma_wait3A_183 : memref<10240x128xf32, #tpu.memory_space<vmem_shared>>)
        %add3A_184 = arith.constant 1 : i32
        %add3A_185 = arith.addi %add3A_163, %add3A_184 : i32
        %lt3A_186 = arith.constant 40 : i32
        %lt3A_187 = arith.cmpi slt, %add3A_185, %lt3A_186 : i32
        %convert_element_type3A_188 = arith.extui %lt3A_187 : i1 to i32
        %cond3A_189 = arith.constant 0 : i32
        %cond3A_190 = arith.cmpi ne, %convert_element_type3A_188, %cond3A_189 : i32
        scf.if %cond3A_190 {
          %add3A_192 = arith.constant 1 : i32
          %add3A_193 = arith.addi %add3A_163, %add3A_192 : i32
          %dma_start3A_194 = arith.constant 0 : i32
          %dma_start3A_195 = tpu.memref_slice %arg6[%add3A_193, %dma_start3A_194] : memref<40x128xi32, #tpu.memory_space<vmem>> -> memref<1x128xi32, #tpu.memory_space<vmem>>
          %dma_start3A_196 = tpu.memref_squeeze %dma_start3A_195 : memref<1x128xi32, #tpu.memory_space<vmem>> -> memref<128xi32, #tpu.memory_space<vmem>>
          %dma_start3A_197 = arith.constant 0 : i32
          %dma_start3A_198 = arith.constant 0 : i32
          %dma_start3A_199 = tpu.memref_slice %arg2[%dma_start3A_197, %dma_start3A_198] : memref<10240x128xf32, #tpu.memory_space<hbm>> -> memref<10240x128xf32, #tpu.memory_space<hbm>>
          tpu.enqueue_indirect_dma source(%dma_start3A_199 : memref<10240x128xf32, #tpu.memory_space<hbm>>) target(%arg8 : memref<128x128xf32, #tpu.memory_space<vmem>>) offsets(%dma_start3A_196 : memref<128xi32, #tpu.memory_space<vmem>>) semaphore(%arg12 : memref<!tpu.dma_semaphore, #tpu.memory_space<semaphore_mem>>)
        } else {
        }
        %scan3A_191 = arith.constant 0 : i32
        scf.yield %scan3A_191 : i32
      }
      %scan3A_120 = arith.constant 19 : i32
      %dma_wait3A_121 = arith.constant 39 : i32
      %dma_wait3A_122 = arith.constant 0 : i32
      %dma_wait3A_123 = tpu.memref_slice %arg7[%dma_wait3A_121, %dma_wait3A_122] : memref<40x128xi32, #tpu.memory_space<vmem>> -> memref<1x128xi32, #tpu.memory_space<vmem>>
      %dma_wait3A_124 = tpu.memref_squeeze %dma_wait3A_123 : memref<1x128xi32, #tpu.memory_space<vmem>> -> memref<128xi32, #tpu.memory_space<vmem>>
      %dma_wait3A_125 = arith.constant 0 : i32
      %dma_wait3A_126 = arith.constant 0 : i32
      %dma_wait3A_127 = tpu.memref_slice %arg10[%dma_wait3A_125, %dma_wait3A_126] : memref<10240x128xf32, #tpu.memory_space<vmem_shared>> -> memref<10240x128xf32, #tpu.memory_space<vmem_shared>>
      tpu.wait_indirect_dma semaphore(%arg13 : memref<!tpu.dma_semaphore, #tpu.memory_space<semaphore_mem>>) src(%arg9 : memref<128x128xf32, #tpu.memory_space<vmem>>) dst(%dma_wait3A_127 : memref<10240x128xf32, #tpu.memory_space<vmem_shared>>)
      %while3A_128 = arith.constant 0 : i32
      scf.yield %while3A_128 : i32
    }
    %while3A_48 = arith.constant 1 : i32
    %while3A_49 = scf.for %while3A_55 = %while3A_45 to %while3A_41 step %while3A_48 iter_args(%while3A_56 = %while3A_47) -> (i32)  : i32 {
      %gt3A = arith.constant 0 : i32
      %gt3A_57 = arith.cmpi sgt, %while3A_55, %gt3A : i32
      %convert_element_type3A = arith.extui %gt3A_57 : i1 to i32
      %cond3A = arith.constant 0 : i32
      %cond3A_58 = arith.cmpi ne, %convert_element_type3A, %cond3A : i32
      scf.if %cond3A_58 {
        %add3A_129 = arith.addi %select_n3A_8, %while3A_55 : i32
        %mul3A_130 = arith.constant 40 : i32
        %mul3A_131 = arith.muli %add3A_129, %mul3A_130 : i32
        %dma_start3A_132 = arith.constant 0 : i32
        %dma_start3A_133 = tpu.memref_slice %arg3[%mul3A_131, %dma_start3A_132] : memref<2560x128xi32, #tpu.memory_space<hbm>> -> memref<40x128xi32, #tpu.memory_space<hbm>>
        %dma_start3A_134 = arith.constant 0 : i32
        %dma_start3A_135 = tpu.memref_slice %arg3[%mul3A_131, %dma_start3A_134] : memref<2560x128xi32, #tpu.memory_space<hbm>> -> memref<40x128xi32, #tpu.memory_space<hbm>>
        tpu.enqueue_dma source(%dma_start3A_135 : memref<40x128xi32, #tpu.memory_space<hbm>>) target(%arg6 : memref<40x128xi32, #tpu.memory_space<vmem>>) target_semaphore(%arg11 : memref<!tpu.dma_semaphore, #tpu.memory_space<semaphore_mem>>)
        %dma_start3A_136 = arith.constant 0 : i32
        %dma_start3A_137 = tpu.memref_slice %arg4[%mul3A_131, %dma_start3A_136] : memref<2560x128xi32, #tpu.memory_space<hbm>> -> memref<40x128xi32, #tpu.memory_space<hbm>>
        %dma_start3A_138 = arith.constant 0 : i32
        %dma_start3A_139 = tpu.memref_slice %arg4[%mul3A_131, %dma_start3A_138] : memref<2560x128xi32, #tpu.memory_space<hbm>> -> memref<40x128xi32, #tpu.memory_space<hbm>>
        tpu.enqueue_dma source(%dma_start3A_139 : memref<40x128xi32, #tpu.memory_space<hbm>>) target(%arg7 : memref<40x128xi32, #tpu.memory_space<vmem>>) target_semaphore(%arg11 : memref<!tpu.dma_semaphore, #tpu.memory_space<semaphore_mem>>)
        %dma_wait3A_140 = arith.constant 0 : i32
        %dma_wait3A_141 = tpu.memref_slice %arg3[%mul3A_131, %dma_wait3A_140] : memref<2560x128xi32, #tpu.memory_space<hbm>> -> memref<40x128xi32, #tpu.memory_space<hbm>>
        %dma_wait3A_142 = arith.constant 0 : i32
        %dma_wait3A_143 = tpu.memref_slice %arg3[%mul3A_131, %dma_wait3A_142] : memref<2560x128xi32, #tpu.memory_space<hbm>> -> memref<40x128xi32, #tpu.memory_space<hbm>>
        tpu.wait_dma2 semaphore(%arg11 : memref<!tpu.dma_semaphore, #tpu.memory_space<semaphore_mem>>) src(%dma_wait3A_143 : memref<40x128xi32, #tpu.memory_space<hbm>>) dst(%arg6 : memref<40x128xi32, #tpu.memory_space<vmem>>)
        %dma_wait3A_144 = arith.constant 0 : i32
        %dma_wait3A_145 = tpu.memref_slice %arg4[%mul3A_131, %dma_wait3A_144] : memref<2560x128xi32, #tpu.memory_space<hbm>> -> memref<40x128xi32, #tpu.memory_space<hbm>>
        %dma_wait3A_146 = arith.constant 0 : i32
        %dma_wait3A_147 = tpu.memref_slice %arg4[%mul3A_131, %dma_wait3A_146] : memref<2560x128xi32, #tpu.memory_space<hbm>> -> memref<40x128xi32, #tpu.memory_space<hbm>>
        tpu.wait_dma2 semaphore(%arg11 : memref<!tpu.dma_semaphore, #tpu.memory_space<semaphore_mem>>) src(%dma_wait3A_147 : memref<40x128xi32, #tpu.memory_space<hbm>>) dst(%arg7 : memref<40x128xi32, #tpu.memory_space<vmem>>)
      } else {
      }
      %dma_start3A_59 = arith.constant 0 : i32
      %dma_start3A_60 = arith.constant 0 : i32
      %dma_start3A_61 = tpu.memref_slice %arg6[%dma_start3A_59, %dma_start3A_60] : memref<40x128xi32, #tpu.memory_space<vmem>> -> memref<1x128xi32, #tpu.memory_space<vmem>>
      %dma_start3A_62 = tpu.memref_squeeze %dma_start3A_61 : memref<1x128xi32, #tpu.memory_space<vmem>> -> memref<128xi32, #tpu.memory_space<vmem>>
      %dma_start3A_63 = arith.constant 0 : i32
      %dma_start3A_64 = arith.constant 0 : i32
      %dma_start3A_65 = tpu.memref_slice %arg2[%dma_start3A_63, %dma_start3A_64] : memref<10240x128xf32, #tpu.memory_space<hbm>> -> memref<10240x128xf32, #tpu.memory_space<hbm>>
      tpu.enqueue_indirect_dma source(%dma_start3A_65 : memref<10240x128xf32, #tpu.memory_space<hbm>>) target(%arg8 : memref<128x128xf32, #tpu.memory_space<vmem>>) offsets(%dma_start3A_62 : memref<128xi32, #tpu.memory_space<vmem>>) semaphore(%arg12 : memref<!tpu.dma_semaphore, #tpu.memory_space<semaphore_mem>>)
      %dma_wait3A_66 = arith.constant 0 : i32
      %dma_wait3A_67 = arith.constant 0 : i32
      %dma_wait3A_68 = tpu.memref_slice %arg6[%dma_wait3A_66, %dma_wait3A_67] : memref<40x128xi32, #tpu.memory_space<vmem>> -> memref<1x128xi32, #tpu.memory_space<vmem>>
      %dma_wait3A_69 = tpu.memref_squeeze %dma_wait3A_68 : memref<1x128xi32, #tpu.memory_space<vmem>> -> memref<128xi32, #tpu.memory_space<vmem>>
      %dma_wait3A_70 = arith.constant 0 : i32
      %dma_wait3A_71 = arith.constant 0 : i32
      %dma_wait3A_72 = tpu.memref_slice %arg2[%dma_wait3A_70, %dma_wait3A_71] : memref<10240x128xf32, #tpu.memory_space<hbm>> -> memref<10240x128xf32, #tpu.memory_space<hbm>>
      tpu.wait_indirect_dma semaphore(%arg12 : memref<!tpu.dma_semaphore, #tpu.memory_space<semaphore_mem>>) src(%dma_wait3A_72 : memref<10240x128xf32, #tpu.memory_space<hbm>>) dst(%arg8 : memref<128x128xf32, #tpu.memory_space<vmem>>)
      %dma_start3A_73 = arith.constant 0 : i32
      %dma_start3A_74 = arith.constant 0 : i32
      %dma_start3A_75 = tpu.memref_slice %arg7[%dma_start3A_73, %dma_start3A_74] : memref<40x128xi32, #tpu.memory_space<vmem>> -> memref<1x128xi32, #tpu.memory_space<vmem>>
      %dma_start3A_76 = tpu.memref_squeeze %dma_start3A_75 : memref<1x128xi32, #tpu.memory_space<vmem>> -> memref<128xi32, #tpu.memory_space<vmem>>
      %dma_start3A_77 = arith.constant 0 : i32
      %dma_start3A_78 = arith.constant 0 : i32
      %dma_start3A_79 = tpu.memref_slice %arg10[%dma_start3A_77, %dma_start3A_78] : memref<10240x128xf32, #tpu.memory_space<vmem_shared>> -> memref<10240x128xf32, #tpu.memory_space<vmem_shared>>
      tpu.enqueue_indirect_dma source(%arg8 : memref<128x128xf32, #tpu.memory_space<vmem>>) target(%dma_start3A_79 : memref<10240x128xf32, #tpu.memory_space<vmem_shared>>) offsets(%dma_start3A_76 : memref<128xi32, #tpu.memory_space<vmem>>) semaphore(%arg13 : memref<!tpu.dma_semaphore, #tpu.memory_space<semaphore_mem>>) {add = true}
      %dma_start3A_80 = arith.constant 1 : i32
      %dma_start3A_81 = arith.constant 0 : i32
      %dma_start3A_82 = tpu.memref_slice %arg6[%dma_start3A_80, %dma_start3A_81] : memref<40x128xi32, #tpu.memory_space<vmem>> -> memref<1x128xi32, #tpu.memory_space<vmem>>
      %dma_start3A_83 = tpu.memref_squeeze %dma_start3A_82 : memref<1x128xi32, #tpu.memory_space<vmem>> -> memref<128xi32, #tpu.memory_space<vmem>>
      %dma_start3A_84 = arith.constant 0 : i32
      %dma_start3A_85 = arith.constant 0 : i32
      %dma_start3A_86 = tpu.memref_slice %arg2[%dma_start3A_84, %dma_start3A_85] : memref<10240x128xf32, #tpu.memory_space<hbm>> -> memref<10240x128xf32, #tpu.memory_space<hbm>>
      tpu.enqueue_indirect_dma source(%dma_start3A_86 : memref<10240x128xf32, #tpu.memory_space<hbm>>) target(%arg9 : memref<128x128xf32, #tpu.memory_space<vmem>>) offsets(%dma_start3A_83 : memref<128xi32, #tpu.memory_space<vmem>>) semaphore(%arg12 : memref<!tpu.dma_semaphore, #tpu.memory_space<semaphore_mem>>)
      %dma_wait3A_87 = arith.constant 1 : i32
      %dma_wait3A_88 = arith.constant 0 : i32
      %dma_wait3A_89 = tpu.memref_slice %arg6[%dma_wait3A_87, %dma_wait3A_88] : memref<40x128xi32, #tpu.memory_space<vmem>> -> memref<1x128xi32, #tpu.memory_space<vmem>>
      %dma_wait3A_90 = tpu.memref_squeeze %dma_wait3A_89 : memref<1x128xi32, #tpu.memory_space<vmem>> -> memref<128xi32, #tpu.memory_space<vmem>>
      %dma_wait3A_91 = arith.constant 0 : i32
      %dma_wait3A_92 = arith.constant 0 : i32
      %dma_wait3A_93 = tpu.memref_slice %arg2[%dma_wait3A_91, %dma_wait3A_92] : memref<10240x128xf32, #tpu.memory_space<hbm>> -> memref<10240x128xf32, #tpu.memory_space<hbm>>
      tpu.wait_indirect_dma semaphore(%arg12 : memref<!tpu.dma_semaphore, #tpu.memory_space<semaphore_mem>>) src(%dma_wait3A_93 : memref<10240x128xf32, #tpu.memory_space<hbm>>) dst(%arg9 : memref<128x128xf32, #tpu.memory_space<vmem>>)
      %dma_start3A_94 = arith.constant 1 : i32
      %dma_start3A_95 = arith.constant 0 : i32
      %dma_start3A_96 = tpu.memref_slice %arg7[%dma_start3A_94, %dma_start3A_95] : memref<40x128xi32, #tpu.memory_space<vmem>> -> memref<1x128xi32, #tpu.memory_space<vmem>>
      %dma_start3A_97 = tpu.memref_squeeze %dma_start3A_96 : memref<1x128xi32, #tpu.memory_space<vmem>> -> memref<128xi32, #tpu.memory_space<vmem>>
      %dma_start3A_98 = arith.constant 0 : i32
      %dma_start3A_99 = arith.constant 0 : i32
      %dma_start3A_100 = tpu.memref_slice %arg10[%dma_start3A_98, %dma_start3A_99] : memref<10240x128xf32, #tpu.memory_space<vmem_shared>> -> memref<10240x128xf32, #tpu.memory_space<vmem_shared>>
      tpu.enqueue_indirect_dma source(%arg9 : memref<128x128xf32, #tpu.memory_space<vmem>>) target(%dma_start3A_100 : memref<10240x128xf32, #tpu.memory_space<vmem_shared>>) offsets(%dma_start3A_97 : memref<128xi32, #tpu.memory_space<vmem>>) semaphore(%arg13 : memref<!tpu.dma_semaphore, #tpu.memory_space<semaphore_mem>>) {add = true}
      %dma_wait3A_101 = arith.constant 0 : i32
      %dma_wait3A_102 = arith.constant 0 : i32
      %dma_wait3A_103 = tpu.memref_slice %arg7[%dma_wait3A_101, %dma_wait3A_102] : memref<40x128xi32, #tpu.memory_space<vmem>> -> memref<1x128xi32, #tpu.memory_space<vmem>>
      %dma_wait3A_104 = tpu.memref_squeeze %dma_wait3A_103 : memref<1x128xi32, #tpu.memory_space<vmem>> -> memref<128xi32, #tpu.memory_space<vmem>>
      %dma_wait3A_105 = arith.constant 0 : i32
      %dma_wait3A_106 = arith.constant 0 : i32
      %dma_wait3A_107 = tpu.memref_slice %arg10[%dma_wait3A_105, %dma_wait3A_106] : memref<10240x128xf32, #tpu.memory_space<vmem_shared>> -> memref<10240x128xf32, #tpu.memory_space<vmem_shared>>
      tpu.wait_indirect_dma semaphore(%arg13 : memref<!tpu.dma_semaphore, #tpu.memory_space<semaphore_mem>>) src(%arg8 : memref<128x128xf32, #tpu.memory_space<vmem>>) dst(%dma_wait3A_107 : memref<10240x128xf32, #tpu.memory_space<vmem_shared>>)
      %dma_start3A_108 = arith.constant 2 : i32
      %dma_start3A_109 = arith.constant 0 : i32
      %dma_start3A_110 = tpu.memref_slice %arg6[%dma_start3A_108, %dma_start3A_109] : memref<40x128xi32, #tpu.memory_space<vmem>> -> memref<1x128xi32, #tpu.memory_space<vmem>>
      %dma_start3A_111 = tpu.memref_squeeze %dma_start3A_110 : memref<1x128xi32, #tpu.memory_space<vmem>> -> memref<128xi32, #tpu.memory_space<vmem>>
      %dma_start3A_112 = arith.constant 0 : i32
      %dma_start3A_113 = arith.constant 0 : i32
      %dma_start3A_114 = tpu.memref_slice %arg2[%dma_start3A_112, %dma_start3A_113] : memref<10240x128xf32, #tpu.memory_space<hbm>> -> memref<10240x128xf32, #tpu.memory_space<hbm>>
      tpu.enqueue_indirect_dma source(%dma_start3A_114 : memref<10240x128xf32, #tpu.memory_space<hbm>>) target(%arg8 : memref<128x128xf32, #tpu.memory_space<vmem>>) offsets(%dma_start3A_111 : memref<128xi32, #tpu.memory_space<vmem>>) semaphore(%arg12 : memref<!tpu.dma_semaphore, #tpu.memory_space<semaphore_mem>>)
      %scan3A = arith.constant 0 : i32
      %scan3A_115 = arith.constant 1 : i32
      %scan3A_116 = arith.constant 19 : i32
      %scan3A_117 = arith.addi %scan3A_115, %scan3A_116 : i32
      %scan3A_118 = arith.constant 1 : i32
      %scan3A_119 = scf.for %scan3A_129 = %scan3A_115 to %scan3A_117 step %scan3A_118 iter_args(%scan3A_130 = %scan3A) -> (i32)  : i32 {
        %mul3A_131 = arith.constant 2 : i32
        %mul3A_132 = arith.muli %mul3A_131, %scan3A_129 : i32
        %add3A_133 = arith.constant 0 : i32
        %add3A_134 = arith.addi %mul3A_132, %add3A_133 : i32
        %dma_wait3A_135 = arith.constant 0 : i32
        %dma_wait3A_136 = tpu.memref_slice %arg6[%add3A_134, %dma_wait3A_135] : memref<40x128xi32, #tpu.memory_space<vmem>> -> memref<1x128xi32, #tpu.memory_space<vmem>>
        %dma_wait3A_137 = tpu.memref_squeeze %dma_wait3A_136 : memref<1x128xi32, #tpu.memory_space<vmem>> -> memref<128xi32, #tpu.memory_space<vmem>>
        %dma_wait3A_138 = arith.constant 0 : i32
        %dma_wait3A_139 = arith.constant 0 : i32
        %dma_wait3A_140 = tpu.memref_slice %arg2[%dma_wait3A_138, %dma_wait3A_139] : memref<10240x128xf32, #tpu.memory_space<hbm>> -> memref<10240x128xf32, #tpu.memory_space<hbm>>
        tpu.wait_indirect_dma semaphore(%arg12 : memref<!tpu.dma_semaphore, #tpu.memory_space<semaphore_mem>>) src(%dma_wait3A_140 : memref<10240x128xf32, #tpu.memory_space<hbm>>) dst(%arg8 : memref<128x128xf32, #tpu.memory_space<vmem>>)
        %dma_start3A_141 = arith.constant 0 : i32
        %dma_start3A_142 = tpu.memref_slice %arg7[%add3A_134, %dma_start3A_141] : memref<40x128xi32, #tpu.memory_space<vmem>> -> memref<1x128xi32, #tpu.memory_space<vmem>>
        %dma_start3A_143 = tpu.memref_squeeze %dma_start3A_142 : memref<1x128xi32, #tpu.memory_space<vmem>> -> memref<128xi32, #tpu.memory_space<vmem>>
        %dma_start3A_144 = arith.constant 0 : i32
        %dma_start3A_145 = arith.constant 0 : i32
        %dma_start3A_146 = tpu.memref_slice %arg10[%dma_start3A_144, %dma_start3A_145] : memref<10240x128xf32, #tpu.memory_space<vmem_shared>> -> memref<10240x128xf32, #tpu.memory_space<vmem_shared>>
        tpu.enqueue_indirect_dma source(%arg8 : memref<128x128xf32, #tpu.memory_space<vmem>>) target(%dma_start3A_146 : memref<10240x128xf32, #tpu.memory_space<vmem_shared>>) offsets(%dma_start3A_143 : memref<128xi32, #tpu.memory_space<vmem>>) semaphore(%arg13 : memref<!tpu.dma_semaphore, #tpu.memory_space<semaphore_mem>>) {add = true}
        %sub3A = arith.constant 1 : i32
        %sub3A_147 = arith.subi %add3A_134, %sub3A : i32
        %dma_wait3A_148 = arith.constant 0 : i32
        %dma_wait3A_149 = tpu.memref_slice %arg7[%sub3A_147, %dma_wait3A_148] : memref<40x128xi32, #tpu.memory_space<vmem>> -> memref<1x128xi32, #tpu.memory_space<vmem>>
        %dma_wait3A_150 = tpu.memref_squeeze %dma_wait3A_149 : memref<1x128xi32, #tpu.memory_space<vmem>> -> memref<128xi32, #tpu.memory_space<vmem>>
        %dma_wait3A_151 = arith.constant 0 : i32
        %dma_wait3A_152 = arith.constant 0 : i32
        %dma_wait3A_153 = tpu.memref_slice %arg10[%dma_wait3A_151, %dma_wait3A_152] : memref<10240x128xf32, #tpu.memory_space<vmem_shared>> -> memref<10240x128xf32, #tpu.memory_space<vmem_shared>>
        tpu.wait_indirect_dma semaphore(%arg13 : memref<!tpu.dma_semaphore, #tpu.memory_space<semaphore_mem>>) src(%arg9 : memref<128x128xf32, #tpu.memory_space<vmem>>) dst(%dma_wait3A_153 : memref<10240x128xf32, #tpu.memory_space<vmem_shared>>)
        %add3A_154 = arith.constant 1 : i32
        %add3A_155 = arith.addi %add3A_134, %add3A_154 : i32
        %lt3A = arith.constant 40 : i32
        %lt3A_156 = arith.cmpi slt, %add3A_155, %lt3A : i32
        %convert_element_type3A_157 = arith.extui %lt3A_156 : i1 to i32
        %cond3A_158 = arith.constant 0 : i32
        %cond3A_159 = arith.cmpi ne, %convert_element_type3A_157, %cond3A_158 : i32
        scf.if %cond3A_159 {
          %add3A_192 = arith.constant 1 : i32
          %add3A_193 = arith.addi %add3A_134, %add3A_192 : i32
          %dma_start3A_194 = arith.constant 0 : i32
          %dma_start3A_195 = tpu.memref_slice %arg6[%add3A_193, %dma_start3A_194] : memref<40x128xi32, #tpu.memory_space<vmem>> -> memref<1x128xi32, #tpu.memory_space<vmem>>
          %dma_start3A_196 = tpu.memref_squeeze %dma_start3A_195 : memref<1x128xi32, #tpu.memory_space<vmem>> -> memref<128xi32, #tpu.memory_space<vmem>>
          %dma_start3A_197 = arith.constant 0 : i32
          %dma_start3A_198 = arith.constant 0 : i32
          %dma_start3A_199 = tpu.memref_slice %arg2[%dma_start3A_197, %dma_start3A_198] : memref<10240x128xf32, #tpu.memory_space<hbm>> -> memref<10240x128xf32, #tpu.memory_space<hbm>>
          tpu.enqueue_indirect_dma source(%dma_start3A_199 : memref<10240x128xf32, #tpu.memory_space<hbm>>) target(%arg9 : memref<128x128xf32, #tpu.memory_space<vmem>>) offsets(%dma_start3A_196 : memref<128xi32, #tpu.memory_space<vmem>>) semaphore(%arg12 : memref<!tpu.dma_semaphore, #tpu.memory_space<semaphore_mem>>)
        } else {
        }
        %mul3A_160 = arith.constant 2 : i32
        %mul3A_161 = arith.muli %mul3A_160, %scan3A_129 : i32
        %add3A_162 = arith.constant 1 : i32
        %add3A_163 = arith.addi %mul3A_161, %add3A_162 : i32
        %dma_wait3A_164 = arith.constant 0 : i32
        %dma_wait3A_165 = tpu.memref_slice %arg6[%add3A_163, %dma_wait3A_164] : memref<40x128xi32, #tpu.memory_space<vmem>> -> memref<1x128xi32, #tpu.memory_space<vmem>>
        %dma_wait3A_166 = tpu.memref_squeeze %dma_wait3A_165 : memref<1x128xi32, #tpu.memory_space<vmem>> -> memref<128xi32, #tpu.memory_space<vmem>>
        %dma_wait3A_167 = arith.constant 0 : i32
        %dma_wait3A_168 = arith.constant 0 : i32
        %dma_wait3A_169 = tpu.memref_slice %arg2[%dma_wait3A_167, %dma_wait3A_168] : memref<10240x128xf32, #tpu.memory_space<hbm>> -> memref<10240x128xf32, #tpu.memory_space<hbm>>
        tpu.wait_indirect_dma semaphore(%arg12 : memref<!tpu.dma_semaphore, #tpu.memory_space<semaphore_mem>>) src(%dma_wait3A_169 : memref<10240x128xf32, #tpu.memory_space<hbm>>) dst(%arg9 : memref<128x128xf32, #tpu.memory_space<vmem>>)
        %dma_start3A_170 = arith.constant 0 : i32
        %dma_start3A_171 = tpu.memref_slice %arg7[%add3A_163, %dma_start3A_170] : memref<40x128xi32, #tpu.memory_space<vmem>> -> memref<1x128xi32, #tpu.memory_space<vmem>>
        %dma_start3A_172 = tpu.memref_squeeze %dma_start3A_171 : memref<1x128xi32, #tpu.memory_space<vmem>> -> memref<128xi32, #tpu.memory_space<vmem>>
        %dma_start3A_173 = arith.constant 0 : i32
        %dma_start3A_174 = arith.constant 0 : i32
        %dma_start3A_175 = tpu.memref_slice %arg10[%dma_start3A_173, %dma_start3A_174] : memref<10240x128xf32, #tpu.memory_space<vmem_shared>> -> memref<10240x128xf32, #tpu.memory_space<vmem_shared>>
        tpu.enqueue_indirect_dma source(%arg9 : memref<128x128xf32, #tpu.memory_space<vmem>>) target(%dma_start3A_175 : memref<10240x128xf32, #tpu.memory_space<vmem_shared>>) offsets(%dma_start3A_172 : memref<128xi32, #tpu.memory_space<vmem>>) semaphore(%arg13 : memref<!tpu.dma_semaphore, #tpu.memory_space<semaphore_mem>>) {add = true}
        %sub3A_176 = arith.constant 1 : i32
        %sub3A_177 = arith.subi %add3A_163, %sub3A_176 : i32
        %dma_wait3A_178 = arith.constant 0 : i32
        %dma_wait3A_179 = tpu.memref_slice %arg7[%sub3A_177, %dma_wait3A_178] : memref<40x128xi32, #tpu.memory_space<vmem>> -> memref<1x128xi32, #tpu.memory_space<vmem>>
        %dma_wait3A_180 = tpu.memref_squeeze %dma_wait3A_179 : memref<1x128xi32, #tpu.memory_space<vmem>> -> memref<128xi32, #tpu.memory_space<vmem>>
        %dma_wait3A_181 = arith.constant 0 : i32
        %dma_wait3A_182 = arith.constant 0 : i32
        %dma_wait3A_183 = tpu.memref_slice %arg10[%dma_wait3A_181, %dma_wait3A_182] : memref<10240x128xf32, #tpu.memory_space<vmem_shared>> -> memref<10240x128xf32, #tpu.memory_space<vmem_shared>>
        tpu.wait_indirect_dma semaphore(%arg13 : memref<!tpu.dma_semaphore, #tpu.memory_space<semaphore_mem>>) src(%arg8 : memref<128x128xf32, #tpu.memory_space<vmem>>) dst(%dma_wait3A_183 : memref<10240x128xf32, #tpu.memory_space<vmem_shared>>)
        %add3A_184 = arith.constant 1 : i32
        %add3A_185 = arith.addi %add3A_163, %add3A_184 : i32
        %lt3A_186 = arith.constant 40 : i32
        %lt3A_187 = arith.cmpi slt, %add3A_185, %lt3A_186 : i32
        %convert_element_type3A_188 = arith.extui %lt3A_187 : i1 to i32
        %cond3A_189 = arith.constant 0 : i32
        %cond3A_190 = arith.cmpi ne, %convert_element_type3A_188, %cond3A_189 : i32
        scf.if %cond3A_190 {
          %add3A_192 = arith.constant 1 : i32
          %add3A_193 = arith.addi %add3A_163, %add3A_192 : i32
          %dma_start3A_194 = arith.constant 0 : i32
          %dma_start3A_195 = tpu.memref_slice %arg6[%add3A_193, %dma_start3A_194] : memref<40x128xi32, #tpu.memory_space<vmem>> -> memref<1x128xi32, #tpu.memory_space<vmem>>
          %dma_start3A_196 = tpu.memref_squeeze %dma_start3A_195 : memref<1x128xi32, #tpu.memory_space<vmem>> -> memref<128xi32, #tpu.memory_space<vmem>>
          %dma_start3A_197 = arith.constant 0 : i32
          %dma_start3A_198 = arith.constant 0 : i32
          %dma_start3A_199 = tpu.memref_slice %arg2[%dma_start3A_197, %dma_start3A_198] : memref<10240x128xf32, #tpu.memory_space<hbm>> -> memref<10240x128xf32, #tpu.memory_space<hbm>>
          tpu.enqueue_indirect_dma source(%dma_start3A_199 : memref<10240x128xf32, #tpu.memory_space<hbm>>) target(%arg8 : memref<128x128xf32, #tpu.memory_space<vmem>>) offsets(%dma_start3A_196 : memref<128xi32, #tpu.memory_space<vmem>>) semaphore(%arg12 : memref<!tpu.dma_semaphore, #tpu.memory_space<semaphore_mem>>)
        } else {
        }
        %scan3A_191 = arith.constant 0 : i32
        scf.yield %scan3A_191 : i32
      }
      %scan3A_120 = arith.constant 19 : i32
      %dma_wait3A_121 = arith.constant 39 : i32
      %dma_wait3A_122 = arith.constant 0 : i32
      %dma_wait3A_123 = tpu.memref_slice %arg7[%dma_wait3A_121, %dma_wait3A_122] : memref<40x128xi32, #tpu.memory_space<vmem>> -> memref<1x128xi32, #tpu.memory_space<vmem>>
      %dma_wait3A_124 = tpu.memref_squeeze %dma_wait3A_123 : memref<1x128xi32, #tpu.memory_space<vmem>> -> memref<128xi32, #tpu.memory_space<vmem>>
      %dma_wait3A_125 = arith.constant 0 : i32
      %dma_wait3A_126 = arith.constant 0 : i32
      %dma_wait3A_127 = tpu.memref_slice %arg10[%dma_wait3A_125, %dma_wait3A_126] : memref<10240x128xf32, #tpu.memory_space<vmem_shared>> -> memref<10240x128xf32, #tpu.memory_space<vmem_shared>>
      tpu.wait_indirect_dma semaphore(%arg13 : memref<!tpu.dma_semaphore, #tpu.memory_space<semaphore_mem>>) src(%arg9 : memref<128x128xf32, #tpu.memory_space<vmem>>) dst(%dma_wait3A_127 : memref<10240x128xf32, #tpu.memory_space<vmem_shared>>)
      %while3A_128 = arith.constant 0 : i32
      scf.yield %while3A_128 : i32
    }
    %barrier3A_50 = arith.constant 0 : index
    tpu.barrier barrier_id(%barrier3A_50)
    %mul3A_51 = arith.constant 640 : i32
    %mul3A_52 = arith.muli %arg1, %mul3A_51 : i32
    %mul3A_53 = arith.constant 640 : i32
    %mul3A_54 = arith.muli %arg1, %mul3A_53 : i32
    "tpu.region"() ({
      %run_scoped3A = tpu.sem_alloc : memref<!tpu.dma_semaphore, #tpu.memory_space<semaphore_mem>>
      %dma_start3A_55 = arith.constant 0 : i32
      %dma_start3A_56 = tpu.memref_slice %arg5[%arg0, %mul3A_54, %dma_start3A_55] : memref<2x10240x128xf32, #tpu.memory_space<hbm>> -> memref<1x640x128xf32, #tpu.memory_space<hbm>>
      %dma_start3A_57 = tpu.memref_squeeze %dma_start3A_56 : memref<1x640x128xf32, #tpu.memory_space<hbm>> -> memref<640x128xf32, #tpu.memory_space<hbm>>
      %dma_start3A_58 = arith.constant 0 : i32
      %dma_start3A_59 = tpu.memref_slice %arg10[%mul3A_52, %dma_start3A_58] : memref<10240x128xf32, #tpu.memory_space<vmem_shared>> -> memref<640x128xf32, #tpu.memory_space<vmem_shared>>
      tpu.enqueue_dma source(%dma_start3A_59 : memref<640x128xf32, #tpu.memory_space<vmem_shared>>) target(%dma_start3A_57 : memref<640x128xf32, #tpu.memory_space<hbm>>) target_semaphore(%run_scoped3A : memref<!tpu.dma_semaphore, #tpu.memory_space<semaphore_mem>>)
      %dma_wait3A_60 = arith.constant 0 : i32
      %dma_wait3A_61 = tpu.memref_slice %arg5[%arg0, %mul3A_54, %dma_wait3A_60] : memref<2x10240x128xf32, #tpu.memory_space<hbm>> -> memref<1x640x128xf32, #tpu.memory_space<hbm>>
      %dma_wait3A_62 = tpu.memref_squeeze %dma_wait3A_61 : memref<1x640x128xf32, #tpu.memory_space<hbm>> -> memref<640x128xf32, #tpu.memory_space<hbm>>
      %dma_wait3A_63 = arith.constant 0 : i32
      %dma_wait3A_64 = tpu.memref_slice %arg10[%mul3A_52, %dma_wait3A_63] : memref<10240x128xf32, #tpu.memory_space<vmem_shared>> -> memref<640x128xf32, #tpu.memory_space<vmem_shared>>
      tpu.wait_dma2 semaphore(%run_scoped3A : memref<!tpu.dma_semaphore, #tpu.memory_space<semaphore_mem>>) src(%dma_wait3A_64 : memref<640x128xf32, #tpu.memory_space<vmem_shared>>) dst(%dma_wait3A_62 : memref<640x128xf32, #tpu.memory_space<hbm>>)
      tpu.yield
    }) : () -> ()
    return
  }
}

#map = affine_map<(d0, d1) -> (0, 0)>
#map1 = affine_map<(d0, d1) -> (0, 0, 0)>
module attributes {stable_mosaic.version = 14 : i64} {
  func.func @agg_kernel(%arg0: i32, %arg1: i32, %arg2: memref<10240x128xf32, #tpu.memory_space<hbm>>, %arg3: memref<2560x128xi32, #tpu.memory_space<hbm>>, %arg4: memref<2560x128xi32, #tpu.memory_space<hbm>>, %arg5: memref<2x10240x128xf32, #tpu.memory_space<hbm>>, %arg6: memref<40x128xi32, #tpu.memory_space<vmem>>, %arg7: memref<40x128xi32, #tpu.memory_space<vmem>>, %arg8: memref<128x128xf32, #tpu.memory_space<vmem>>, %arg9: memref<128x128xf32, #tpu.memory_space<vmem>>, %arg10: memref<10240x128xf32, #tpu.memory_space<vmem_shared>>, %arg11: memref<!tpu.dma_semaphore, #tpu.memory_space<semaphore_mem>>, %arg12: memref<!tpu.dma_semaphore, #tpu.memory_space<semaphore_mem>>, %arg13: memref<!tpu.dma_semaphore, #tpu.memory_space<semaphore_mem>>) attributes {dimension_semantics = [#tpu.dimension_semantics<core_parallel>, #tpu.dimension_semantics<subcore_parallel>], iteration_bounds = array<i64: 2, 16>, scalar_prefetch = 0 : i64, scratch_operands = 8 : i64, tpu.core_type = #tpu.core_type<sc_vector_subcore>, window_params = [{transform_indices = #map}, {transform_indices = #map}, {transform_indices = #map}, {transform_indices = #map1}]} {
    %eq3A = arith.constant 0 : i32
    %eq3A_0 = arith.cmpi eq, %arg0, %eq3A : i32
    %jit3A = arith.constant 3 : i32
    %jit3A_1 = arith.constant 1 : i32
    %select_n3A = arith.select %eq3A_0, %jit3A, %jit3A_1 : i32
    %eq3A_2 = arith.constant 0 : i32
    %eq3A_3 = arith.cmpi eq, %arg0, %eq3A_2 : i32
    %mul3A = arith.constant 3 : i32
    %mul3A_4 = arith.muli %arg1, %mul3A : i32
    %mul3A_5 = arith.constant 1 : i32
    %mul3A_6 = arith.muli %arg1, %mul3A_5 : i32
    %add3A = arith.constant 48 : i32
    %add3A_7 = arith.addi %add3A, %mul3A_6 : i32
    %select_n3A_8 = arith.select %eq3A_3, %mul3A_4, %add3A_7 : i32
    %mul3A_9 = arith.constant 640 : i32
    %mul3A_10 = arith.muli %arg1, %mul3A_9 : i32
    %mul3A_11 = arith.constant 640 : i32
    %mul3A_12 = arith.muli %arg1, %mul3A_11 : i32
    %dma_start3A = arith.constant 0 : i32
    %dma_start3A_13 = tpu.memref_slice %arg10[%mul3A_12, %dma_start3A] : memref<10240x128xf32, #tpu.memory_space<vmem_shared>> -> memref<640x128xf32, #tpu.memory_space<vmem_shared>>
    %dma_start3A_14 = arith.constant 0 : i32
    %dma_start3A_15 = tpu.memref_slice %arg2[%mul3A_10, %dma_start3A_14] : memref<10240x128xf32, #tpu.memory_space<hbm>> -> memref<640x128xf32, #tpu.memory_space<hbm>>
    tpu.enqueue_dma source(%dma_start3A_15 : memref<640x128xf32, #tpu.memory_space<hbm>>) target(%dma_start3A_13 : memref<640x128xf32, #tpu.memory_space<vmem_shared>>) target_semaphore(%arg12 : memref<!tpu.dma_semaphore, #tpu.memory_space<semaphore_mem>>)
    %add3A_16 = arith.constant 0 : i32
    %add3A_17 = arith.addi %select_n3A_8, %add3A_16 : i32
    %mul3A_18 = arith.constant 40 : i32
    %mul3A_19 = arith.muli %add3A_17, %mul3A_18 : i32
    %dma_start3A_20 = arith.constant 0 : i32
    %dma_start3A_21 = tpu.memref_slice %arg3[%mul3A_19, %dma_start3A_20] : memref<2560x128xi32, #tpu.memory_space<hbm>> -> memref<40x128xi32, #tpu.memory_space<hbm>>
    %dma_start3A_22 = arith.constant 0 : i32
    %dma_start3A_23 = tpu.memref_slice %arg3[%mul3A_19, %dma_start3A_22] : memref<2560x128xi32, #tpu.memory_space<hbm>> -> memref<40x128xi32, #tpu.memory_space<hbm>>
    tpu.enqueue_dma source(%dma_start3A_23 : memref<40x128xi32, #tpu.memory_space<hbm>>) target(%arg6 : memref<40x128xi32, #tpu.memory_space<vmem>>) target_semaphore(%arg11 : memref<!tpu.dma_semaphore, #tpu.memory_space<semaphore_mem>>)
    %dma_start3A_24 = arith.constant 0 : i32
    %dma_start3A_25 = tpu.memref_slice %arg4[%mul3A_19, %dma_start3A_24] : memref<2560x128xi32, #tpu.memory_space<hbm>> -> memref<40x128xi32, #tpu.memory_space<hbm>>
    %dma_start3A_26 = arith.constant 0 : i32
    %dma_start3A_27 = tpu.memref_slice %arg4[%mul3A_19, %dma_start3A_26] : memref<2560x128xi32, #tpu.memory_space<hbm>> -> memref<40x128xi32, #tpu.memory_space<hbm>>
    tpu.enqueue_dma source(%dma_start3A_27 : memref<40x128xi32, #tpu.memory_space<hbm>>) target(%arg7 : memref<40x128xi32, #tpu.memory_space<vmem>>) target_semaphore(%arg11 : memref<!tpu.dma_semaphore, #tpu.memory_space<semaphore_mem>>)
    %dma_wait3A = arith.constant 0 : i32
    %dma_wait3A_28 = tpu.memref_slice %arg3[%mul3A_19, %dma_wait3A] : memref<2560x128xi32, #tpu.memory_space<hbm>> -> memref<40x128xi32, #tpu.memory_space<hbm>>
    %dma_wait3A_29 = arith.constant 0 : i32
    %dma_wait3A_30 = tpu.memref_slice %arg3[%mul3A_19, %dma_wait3A_29] : memref<2560x128xi32, #tpu.memory_space<hbm>> -> memref<40x128xi32, #tpu.memory_space<hbm>>
    tpu.wait_dma2 semaphore(%arg11 : memref<!tpu.dma_semaphore, #tpu.memory_space<semaphore_mem>>) src(%dma_wait3A_30 : memref<40x128xi32, #tpu.memory_space<hbm>>) dst(%arg6 : memref<40x128xi32, #tpu.memory_space<vmem>>)
    %dma_wait3A_31 = arith.constant 0 : i32
    %dma_wait3A_32 = tpu.memref_slice %arg4[%mul3A_19, %dma_wait3A_31] : memref<2560x128xi32, #tpu.memory_space<hbm>> -> memref<40x128xi32, #tpu.memory_space<hbm>>
    %dma_wait3A_33 = arith.constant 0 : i32
    %dma_wait3A_34 = tpu.memref_slice %arg4[%mul3A_19, %dma_wait3A_33] : memref<2560x128xi32, #tpu.memory_space<hbm>> -> memref<40x128xi32, #tpu.memory_space<hbm>>
    tpu.wait_dma2 semaphore(%arg11 : memref<!tpu.dma_semaphore, #tpu.memory_space<semaphore_mem>>) src(%dma_wait3A_34 : memref<40x128xi32, #tpu.memory_space<hbm>>) dst(%arg7 : memref<40x128xi32, #tpu.memory_space<vmem>>)
    %dma_wait3A_35 = arith.constant 0 : i32
    %dma_wait3A_36 = tpu.memref_slice %arg10[%mul3A_12, %dma_wait3A_35] : memref<10240x128xf32, #tpu.memory_space<vmem_shared>> -> memref<640x128xf32, #tpu.memory_space<vmem_shared>>
    %dma_wait3A_37 = arith.constant 0 : i32
    %dma_wait3A_38 = tpu.memref_slice %arg2[%mul3A_10, %dma_wait3A_37] : memref<10240x128xf32, #tpu.memory_space<hbm>> -> memref<640x128xf32, #tpu.memory_space<hbm>>
    tpu.wait_dma2 semaphore(%arg12 : memref<!tpu.dma_semaphore, #tpu.memory_space<semaphore_mem>>) src(%dma_wait3A_38 : memref<640x128xf32, #tpu.memory_space<hbm>>) dst(%dma_wait3A_36 : memref<640x128xf32, #tpu.memory_space<vmem_shared>>)
    %barrier3A = arith.constant 0 : index
    tpu.barrier barrier_id(%barrier3A)
    %while3A = arith.constant 0 : i32
    %while3A_39 = arith.constant 0 : i32
    %while3A_40 = arith.subi %select_n3A, %while3A : i32
    %while3A_41 = arith.addi %while3A, %while3A_40 : i32
    %while3A_42 = arith.constant 1 : i32
    %while3A_43 = arith.divsi %while3A_40, %while3A_42 : i32
    %while3A_44 = arith.muli %while3A_43, %while3A_42 : i32
    %while3A_45 = arith.addi %while3A, %while3A_44 : i32
    %while3A_46 = arith.constant 1 : i32
    %while3A_47 = scf.for %while3A_55 = %while3A to %while3A_45 step %while3A_46 iter_args(%while3A_56 = %while3A_39) -> (i32)  : i32 {
      %gt3A = arith.constant 0 : i32
      %gt3A_57 = arith.cmpi sgt, %while3A_55, %gt3A : i32
      %convert_element_type3A = arith.extui %gt3A_57 : i1 to i32
      %cond3A = arith.constant 0 : i32
      %cond3A_58 = arith.cmpi ne, %convert_element_type3A, %cond3A : i32
      scf.if %cond3A_58 {
        %add3A_129 = arith.addi %select_n3A_8, %while3A_55 : i32
        %mul3A_130 = arith.constant 40 : i32
        %mul3A_131 = arith.muli %add3A_129, %mul3A_130 : i32
        %dma_start3A_132 = arith.constant 0 : i32
        %dma_start3A_133 = tpu.memref_slice %arg3[%mul3A_131, %dma_start3A_132] : memref<2560x128xi32, #tpu.memory_space<hbm>> -> memref<40x128xi32, #tpu.memory_space<hbm>>
        %dma_start3A_134 = arith.constant 0 : i32
        %dma_start3A_135 = tpu.memref_slice %arg3[%mul3A_131, %dma_start3A_134] : memref<2560x128xi32, #tpu.memory_space<hbm>> -> memref<40x128xi32, #tpu.memory_space<hbm>>
        tpu.enqueue_dma source(%dma_start3A_135 : memref<40x128xi32, #tpu.memory_space<hbm>>) target(%arg6 : memref<40x128xi32, #tpu.memory_space<vmem>>) target_semaphore(%arg11 : memref<!tpu.dma_semaphore, #tpu.memory_space<semaphore_mem>>)
        %dma_start3A_136 = arith.constant 0 : i32
        %dma_start3A_137 = tpu.memref_slice %arg4[%mul3A_131, %dma_start3A_136] : memref<2560x128xi32, #tpu.memory_space<hbm>> -> memref<40x128xi32, #tpu.memory_space<hbm>>
        %dma_start3A_138 = arith.constant 0 : i32
        %dma_start3A_139 = tpu.memref_slice %arg4[%mul3A_131, %dma_start3A_138] : memref<2560x128xi32, #tpu.memory_space<hbm>> -> memref<40x128xi32, #tpu.memory_space<hbm>>
        tpu.enqueue_dma source(%dma_start3A_139 : memref<40x128xi32, #tpu.memory_space<hbm>>) target(%arg7 : memref<40x128xi32, #tpu.memory_space<vmem>>) target_semaphore(%arg11 : memref<!tpu.dma_semaphore, #tpu.memory_space<semaphore_mem>>)
        %dma_wait3A_140 = arith.constant 0 : i32
        %dma_wait3A_141 = tpu.memref_slice %arg3[%mul3A_131, %dma_wait3A_140] : memref<2560x128xi32, #tpu.memory_space<hbm>> -> memref<40x128xi32, #tpu.memory_space<hbm>>
        %dma_wait3A_142 = arith.constant 0 : i32
        %dma_wait3A_143 = tpu.memref_slice %arg3[%mul3A_131, %dma_wait3A_142] : memref<2560x128xi32, #tpu.memory_space<hbm>> -> memref<40x128xi32, #tpu.memory_space<hbm>>
        tpu.wait_dma2 semaphore(%arg11 : memref<!tpu.dma_semaphore, #tpu.memory_space<semaphore_mem>>) src(%dma_wait3A_143 : memref<40x128xi32, #tpu.memory_space<hbm>>) dst(%arg6 : memref<40x128xi32, #tpu.memory_space<vmem>>)
        %dma_wait3A_144 = arith.constant 0 : i32
        %dma_wait3A_145 = tpu.memref_slice %arg4[%mul3A_131, %dma_wait3A_144] : memref<2560x128xi32, #tpu.memory_space<hbm>> -> memref<40x128xi32, #tpu.memory_space<hbm>>
        %dma_wait3A_146 = arith.constant 0 : i32
        %dma_wait3A_147 = tpu.memref_slice %arg4[%mul3A_131, %dma_wait3A_146] : memref<2560x128xi32, #tpu.memory_space<hbm>> -> memref<40x128xi32, #tpu.memory_space<hbm>>
        tpu.wait_dma2 semaphore(%arg11 : memref<!tpu.dma_semaphore, #tpu.memory_space<semaphore_mem>>) src(%dma_wait3A_147 : memref<40x128xi32, #tpu.memory_space<hbm>>) dst(%arg7 : memref<40x128xi32, #tpu.memory_space<vmem>>)
      } else {
      }
      %dma_start3A_59 = arith.constant 0 : i32
      %dma_start3A_60 = arith.constant 0 : i32
      %dma_start3A_61 = tpu.memref_slice %arg6[%dma_start3A_59, %dma_start3A_60] : memref<40x128xi32, #tpu.memory_space<vmem>> -> memref<1x128xi32, #tpu.memory_space<vmem>>
      %dma_start3A_62 = tpu.memref_squeeze %dma_start3A_61 : memref<1x128xi32, #tpu.memory_space<vmem>> -> memref<128xi32, #tpu.memory_space<vmem>>
      %dma_start3A_63 = arith.constant 0 : i32
      %dma_start3A_64 = arith.constant 0 : i32
      %dma_start3A_65 = tpu.memref_slice %arg2[%dma_start3A_63, %dma_start3A_64] : memref<10240x128xf32, #tpu.memory_space<hbm>> -> memref<10240x128xf32, #tpu.memory_space<hbm>>
      tpu.enqueue_indirect_dma source(%dma_start3A_65 : memref<10240x128xf32, #tpu.memory_space<hbm>>) target(%arg8 : memref<128x128xf32, #tpu.memory_space<vmem>>) offsets(%dma_start3A_62 : memref<128xi32, #tpu.memory_space<vmem>>) semaphore(%arg12 : memref<!tpu.dma_semaphore, #tpu.memory_space<semaphore_mem>>)
      %dma_wait3A_66 = arith.constant 0 : i32
      %dma_wait3A_67 = arith.constant 0 : i32
      %dma_wait3A_68 = tpu.memref_slice %arg6[%dma_wait3A_66, %dma_wait3A_67] : memref<40x128xi32, #tpu.memory_space<vmem>> -> memref<1x128xi32, #tpu.memory_space<vmem>>
      %dma_wait3A_69 = tpu.memref_squeeze %dma_wait3A_68 : memref<1x128xi32, #tpu.memory_space<vmem>> -> memref<128xi32, #tpu.memory_space<vmem>>
      %dma_wait3A_70 = arith.constant 0 : i32
      %dma_wait3A_71 = arith.constant 0 : i32
      %dma_wait3A_72 = tpu.memref_slice %arg2[%dma_wait3A_70, %dma_wait3A_71] : memref<10240x128xf32, #tpu.memory_space<hbm>> -> memref<10240x128xf32, #tpu.memory_space<hbm>>
      tpu.wait_indirect_dma semaphore(%arg12 : memref<!tpu.dma_semaphore, #tpu.memory_space<semaphore_mem>>) src(%dma_wait3A_72 : memref<10240x128xf32, #tpu.memory_space<hbm>>) dst(%arg8 : memref<128x128xf32, #tpu.memory_space<vmem>>)
      %dma_start3A_73 = arith.constant 0 : i32
      %dma_start3A_74 = arith.constant 0 : i32
      %dma_start3A_75 = tpu.memref_slice %arg7[%dma_start3A_73, %dma_start3A_74] : memref<40x128xi32, #tpu.memory_space<vmem>> -> memref<1x128xi32, #tpu.memory_space<vmem>>
      %dma_start3A_76 = tpu.memref_squeeze %dma_start3A_75 : memref<1x128xi32, #tpu.memory_space<vmem>> -> memref<128xi32, #tpu.memory_space<vmem>>
      %dma_start3A_77 = arith.constant 0 : i32
      %dma_start3A_78 = arith.constant 0 : i32
      %dma_start3A_79 = tpu.memref_slice %arg10[%dma_start3A_77, %dma_start3A_78] : memref<10240x128xf32, #tpu.memory_space<vmem_shared>> -> memref<10240x128xf32, #tpu.memory_space<vmem_shared>>
      tpu.enqueue_indirect_dma source(%arg8 : memref<128x128xf32, #tpu.memory_space<vmem>>) target(%dma_start3A_79 : memref<10240x128xf32, #tpu.memory_space<vmem_shared>>) offsets(%dma_start3A_76 : memref<128xi32, #tpu.memory_space<vmem>>) semaphore(%arg13 : memref<!tpu.dma_semaphore, #tpu.memory_space<semaphore_mem>>) {add = true}
      %dma_start3A_80 = arith.constant 1 : i32
      %dma_start3A_81 = arith.constant 0 : i32
      %dma_start3A_82 = tpu.memref_slice %arg6[%dma_start3A_80, %dma_start3A_81] : memref<40x128xi32, #tpu.memory_space<vmem>> -> memref<1x128xi32, #tpu.memory_space<vmem>>
      %dma_start3A_83 = tpu.memref_squeeze %dma_start3A_82 : memref<1x128xi32, #tpu.memory_space<vmem>> -> memref<128xi32, #tpu.memory_space<vmem>>
      %dma_start3A_84 = arith.constant 0 : i32
      %dma_start3A_85 = arith.constant 0 : i32
      %dma_start3A_86 = tpu.memref_slice %arg2[%dma_start3A_84, %dma_start3A_85] : memref<10240x128xf32, #tpu.memory_space<hbm>> -> memref<10240x128xf32, #tpu.memory_space<hbm>>
      tpu.enqueue_indirect_dma source(%dma_start3A_86 : memref<10240x128xf32, #tpu.memory_space<hbm>>) target(%arg9 : memref<128x128xf32, #tpu.memory_space<vmem>>) offsets(%dma_start3A_83 : memref<128xi32, #tpu.memory_space<vmem>>) semaphore(%arg12 : memref<!tpu.dma_semaphore, #tpu.memory_space<semaphore_mem>>)
      %dma_wait3A_87 = arith.constant 1 : i32
      %dma_wait3A_88 = arith.constant 0 : i32
      %dma_wait3A_89 = tpu.memref_slice %arg6[%dma_wait3A_87, %dma_wait3A_88] : memref<40x128xi32, #tpu.memory_space<vmem>> -> memref<1x128xi32, #tpu.memory_space<vmem>>
      %dma_wait3A_90 = tpu.memref_squeeze %dma_wait3A_89 : memref<1x128xi32, #tpu.memory_space<vmem>> -> memref<128xi32, #tpu.memory_space<vmem>>
      %dma_wait3A_91 = arith.constant 0 : i32
      %dma_wait3A_92 = arith.constant 0 : i32
      %dma_wait3A_93 = tpu.memref_slice %arg2[%dma_wait3A_91, %dma_wait3A_92] : memref<10240x128xf32, #tpu.memory_space<hbm>> -> memref<10240x128xf32, #tpu.memory_space<hbm>>
      tpu.wait_indirect_dma semaphore(%arg12 : memref<!tpu.dma_semaphore, #tpu.memory_space<semaphore_mem>>) src(%dma_wait3A_93 : memref<10240x128xf32, #tpu.memory_space<hbm>>) dst(%arg9 : memref<128x128xf32, #tpu.memory_space<vmem>>)
      %dma_start3A_94 = arith.constant 1 : i32
      %dma_start3A_95 = arith.constant 0 : i32
      %dma_start3A_96 = tpu.memref_slice %arg7[%dma_start3A_94, %dma_start3A_95] : memref<40x128xi32, #tpu.memory_space<vmem>> -> memref<1x128xi32, #tpu.memory_space<vmem>>
      %dma_start3A_97 = tpu.memref_squeeze %dma_start3A_96 : memref<1x128xi32, #tpu.memory_space<vmem>> -> memref<128xi32, #tpu.memory_space<vmem>>
      %dma_start3A_98 = arith.constant 0 : i32
      %dma_start3A_99 = arith.constant 0 : i32
      %dma_start3A_100 = tpu.memref_slice %arg10[%dma_start3A_98, %dma_start3A_99] : memref<10240x128xf32, #tpu.memory_space<vmem_shared>> -> memref<10240x128xf32, #tpu.memory_space<vmem_shared>>
      tpu.enqueue_indirect_dma source(%arg9 : memref<128x128xf32, #tpu.memory_space<vmem>>) target(%dma_start3A_100 : memref<10240x128xf32, #tpu.memory_space<vmem_shared>>) offsets(%dma_start3A_97 : memref<128xi32, #tpu.memory_space<vmem>>) semaphore(%arg13 : memref<!tpu.dma_semaphore, #tpu.memory_space<semaphore_mem>>) {add = true}
      %dma_wait3A_101 = arith.constant 0 : i32
      %dma_wait3A_102 = arith.constant 0 : i32
      %dma_wait3A_103 = tpu.memref_slice %arg7[%dma_wait3A_101, %dma_wait3A_102] : memref<40x128xi32, #tpu.memory_space<vmem>> -> memref<1x128xi32, #tpu.memory_space<vmem>>
      %dma_wait3A_104 = tpu.memref_squeeze %dma_wait3A_103 : memref<1x128xi32, #tpu.memory_space<vmem>> -> memref<128xi32, #tpu.memory_space<vmem>>
      %dma_wait3A_105 = arith.constant 0 : i32
      %dma_wait3A_106 = arith.constant 0 : i32
      %dma_wait3A_107 = tpu.memref_slice %arg10[%dma_wait3A_105, %dma_wait3A_106] : memref<10240x128xf32, #tpu.memory_space<vmem_shared>> -> memref<10240x128xf32, #tpu.memory_space<vmem_shared>>
      tpu.wait_indirect_dma semaphore(%arg13 : memref<!tpu.dma_semaphore, #tpu.memory_space<semaphore_mem>>) src(%arg8 : memref<128x128xf32, #tpu.memory_space<vmem>>) dst(%dma_wait3A_107 : memref<10240x128xf32, #tpu.memory_space<vmem_shared>>)
      %dma_start3A_108 = arith.constant 2 : i32
      %dma_start3A_109 = arith.constant 0 : i32
      %dma_start3A_110 = tpu.memref_slice %arg6[%dma_start3A_108, %dma_start3A_109] : memref<40x128xi32, #tpu.memory_space<vmem>> -> memref<1x128xi32, #tpu.memory_space<vmem>>
      %dma_start3A_111 = tpu.memref_squeeze %dma_start3A_110 : memref<1x128xi32, #tpu.memory_space<vmem>> -> memref<128xi32, #tpu.memory_space<vmem>>
      %dma_start3A_112 = arith.constant 0 : i32
      %dma_start3A_113 = arith.constant 0 : i32
      %dma_start3A_114 = tpu.memref_slice %arg2[%dma_start3A_112, %dma_start3A_113] : memref<10240x128xf32, #tpu.memory_space<hbm>> -> memref<10240x128xf32, #tpu.memory_space<hbm>>
      tpu.enqueue_indirect_dma source(%dma_start3A_114 : memref<10240x128xf32, #tpu.memory_space<hbm>>) target(%arg8 : memref<128x128xf32, #tpu.memory_space<vmem>>) offsets(%dma_start3A_111 : memref<128xi32, #tpu.memory_space<vmem>>) semaphore(%arg12 : memref<!tpu.dma_semaphore, #tpu.memory_space<semaphore_mem>>)
      %scan3A = arith.constant 0 : i32
      %scan3A_115 = arith.constant 1 : i32
      %scan3A_116 = arith.constant 19 : i32
      %scan3A_117 = arith.addi %scan3A_115, %scan3A_116 : i32
      %scan3A_118 = arith.constant 1 : i32
      %scan3A_119 = scf.for %scan3A_129 = %scan3A_115 to %scan3A_117 step %scan3A_118 iter_args(%scan3A_130 = %scan3A) -> (i32)  : i32 {
        %mul3A_131 = arith.constant 2 : i32
        %mul3A_132 = arith.muli %mul3A_131, %scan3A_129 : i32
        %add3A_133 = arith.constant 0 : i32
        %add3A_134 = arith.addi %mul3A_132, %add3A_133 : i32
        %dma_wait3A_135 = arith.constant 0 : i32
        %dma_wait3A_136 = tpu.memref_slice %arg6[%add3A_134, %dma_wait3A_135] : memref<40x128xi32, #tpu.memory_space<vmem>> -> memref<1x128xi32, #tpu.memory_space<vmem>>
        %dma_wait3A_137 = tpu.memref_squeeze %dma_wait3A_136 : memref<1x128xi32, #tpu.memory_space<vmem>> -> memref<128xi32, #tpu.memory_space<vmem>>
        %dma_wait3A_138 = arith.constant 0 : i32
        %dma_wait3A_139 = arith.constant 0 : i32
        %dma_wait3A_140 = tpu.memref_slice %arg2[%dma_wait3A_138, %dma_wait3A_139] : memref<10240x128xf32, #tpu.memory_space<hbm>> -> memref<10240x128xf32, #tpu.memory_space<hbm>>
        tpu.wait_indirect_dma semaphore(%arg12 : memref<!tpu.dma_semaphore, #tpu.memory_space<semaphore_mem>>) src(%dma_wait3A_140 : memref<10240x128xf32, #tpu.memory_space<hbm>>) dst(%arg8 : memref<128x128xf32, #tpu.memory_space<vmem>>)
        %dma_start3A_141 = arith.constant 0 : i32
        %dma_start3A_142 = tpu.memref_slice %arg7[%add3A_134, %dma_start3A_141] : memref<40x128xi32, #tpu.memory_space<vmem>> -> memref<1x128xi32, #tpu.memory_space<vmem>>
        %dma_start3A_143 = tpu.memref_squeeze %dma_start3A_142 : memref<1x128xi32, #tpu.memory_space<vmem>> -> memref<128xi32, #tpu.memory_space<vmem>>
        %dma_start3A_144 = arith.constant 0 : i32
        %dma_start3A_145 = arith.constant 0 : i32
        %dma_start3A_146 = tpu.memref_slice %arg10[%dma_start3A_144, %dma_start3A_145] : memref<10240x128xf32, #tpu.memory_space<vmem_shared>> -> memref<10240x128xf32, #tpu.memory_space<vmem_shared>>
        tpu.enqueue_indirect_dma source(%arg8 : memref<128x128xf32, #tpu.memory_space<vmem>>) target(%dma_start3A_146 : memref<10240x128xf32, #tpu.memory_space<vmem_shared>>) offsets(%dma_start3A_143 : memref<128xi32, #tpu.memory_space<vmem>>) semaphore(%arg13 : memref<!tpu.dma_semaphore, #tpu.memory_space<semaphore_mem>>) {add = true}
        %sub3A = arith.constant 1 : i32
        %sub3A_147 = arith.subi %add3A_134, %sub3A : i32
        %dma_wait3A_148 = arith.constant 0 : i32
        %dma_wait3A_149 = tpu.memref_slice %arg7[%sub3A_147, %dma_wait3A_148] : memref<40x128xi32, #tpu.memory_space<vmem>> -> memref<1x128xi32, #tpu.memory_space<vmem>>
        %dma_wait3A_150 = tpu.memref_squeeze %dma_wait3A_149 : memref<1x128xi32, #tpu.memory_space<vmem>> -> memref<128xi32, #tpu.memory_space<vmem>>
        %dma_wait3A_151 = arith.constant 0 : i32
        %dma_wait3A_152 = arith.constant 0 : i32
        %dma_wait3A_153 = tpu.memref_slice %arg10[%dma_wait3A_151, %dma_wait3A_152] : memref<10240x128xf32, #tpu.memory_space<vmem_shared>> -> memref<10240x128xf32, #tpu.memory_space<vmem_shared>>
        tpu.wait_indirect_dma semaphore(%arg13 : memref<!tpu.dma_semaphore, #tpu.memory_space<semaphore_mem>>) src(%arg9 : memref<128x128xf32, #tpu.memory_space<vmem>>) dst(%dma_wait3A_153 : memref<10240x128xf32, #tpu.memory_space<vmem_shared>>)
        %add3A_154 = arith.constant 1 : i32
        %add3A_155 = arith.addi %add3A_134, %add3A_154 : i32
        %lt3A = arith.constant 40 : i32
        %lt3A_156 = arith.cmpi slt, %add3A_155, %lt3A : i32
        %convert_element_type3A_157 = arith.extui %lt3A_156 : i1 to i32
        %cond3A_158 = arith.constant 0 : i32
        %cond3A_159 = arith.cmpi ne, %convert_element_type3A_157, %cond3A_158 : i32
        scf.if %cond3A_159 {
          %add3A_192 = arith.constant 1 : i32
          %add3A_193 = arith.addi %add3A_134, %add3A_192 : i32
          %dma_start3A_194 = arith.constant 0 : i32
          %dma_start3A_195 = tpu.memref_slice %arg6[%add3A_193, %dma_start3A_194] : memref<40x128xi32, #tpu.memory_space<vmem>> -> memref<1x128xi32, #tpu.memory_space<vmem>>
          %dma_start3A_196 = tpu.memref_squeeze %dma_start3A_195 : memref<1x128xi32, #tpu.memory_space<vmem>> -> memref<128xi32, #tpu.memory_space<vmem>>
          %dma_start3A_197 = arith.constant 0 : i32
          %dma_start3A_198 = arith.constant 0 : i32
          %dma_start3A_199 = tpu.memref_slice %arg2[%dma_start3A_197, %dma_start3A_198] : memref<10240x128xf32, #tpu.memory_space<hbm>> -> memref<10240x128xf32, #tpu.memory_space<hbm>>
          tpu.enqueue_indirect_dma source(%dma_start3A_199 : memref<10240x128xf32, #tpu.memory_space<hbm>>) target(%arg9 : memref<128x128xf32, #tpu.memory_space<vmem>>) offsets(%dma_start3A_196 : memref<128xi32, #tpu.memory_space<vmem>>) semaphore(%arg12 : memref<!tpu.dma_semaphore, #tpu.memory_space<semaphore_mem>>)
        } else {
        }
        %mul3A_160 = arith.constant 2 : i32
        %mul3A_161 = arith.muli %mul3A_160, %scan3A_129 : i32
        %add3A_162 = arith.constant 1 : i32
        %add3A_163 = arith.addi %mul3A_161, %add3A_162 : i32
        %dma_wait3A_164 = arith.constant 0 : i32
        %dma_wait3A_165 = tpu.memref_slice %arg6[%add3A_163, %dma_wait3A_164] : memref<40x128xi32, #tpu.memory_space<vmem>> -> memref<1x128xi32, #tpu.memory_space<vmem>>
        %dma_wait3A_166 = tpu.memref_squeeze %dma_wait3A_165 : memref<1x128xi32, #tpu.memory_space<vmem>> -> memref<128xi32, #tpu.memory_space<vmem>>
        %dma_wait3A_167 = arith.constant 0 : i32
        %dma_wait3A_168 = arith.constant 0 : i32
        %dma_wait3A_169 = tpu.memref_slice %arg2[%dma_wait3A_167, %dma_wait3A_168] : memref<10240x128xf32, #tpu.memory_space<hbm>> -> memref<10240x128xf32, #tpu.memory_space<hbm>>
        tpu.wait_indirect_dma semaphore(%arg12 : memref<!tpu.dma_semaphore, #tpu.memory_space<semaphore_mem>>) src(%dma_wait3A_169 : memref<10240x128xf32, #tpu.memory_space<hbm>>) dst(%arg9 : memref<128x128xf32, #tpu.memory_space<vmem>>)
        %dma_start3A_170 = arith.constant 0 : i32
        %dma_start3A_171 = tpu.memref_slice %arg7[%add3A_163, %dma_start3A_170] : memref<40x128xi32, #tpu.memory_space<vmem>> -> memref<1x128xi32, #tpu.memory_space<vmem>>
        %dma_start3A_172 = tpu.memref_squeeze %dma_start3A_171 : memref<1x128xi32, #tpu.memory_space<vmem>> -> memref<128xi32, #tpu.memory_space<vmem>>
        %dma_start3A_173 = arith.constant 0 : i32
        %dma_start3A_174 = arith.constant 0 : i32
        %dma_start3A_175 = tpu.memref_slice %arg10[%dma_start3A_173, %dma_start3A_174] : memref<10240x128xf32, #tpu.memory_space<vmem_shared>> -> memref<10240x128xf32, #tpu.memory_space<vmem_shared>>
        tpu.enqueue_indirect_dma source(%arg9 : memref<128x128xf32, #tpu.memory_space<vmem>>) target(%dma_start3A_175 : memref<10240x128xf32, #tpu.memory_space<vmem_shared>>) offsets(%dma_start3A_172 : memref<128xi32, #tpu.memory_space<vmem>>) semaphore(%arg13 : memref<!tpu.dma_semaphore, #tpu.memory_space<semaphore_mem>>) {add = true}
        %sub3A_176 = arith.constant 1 : i32
        %sub3A_177 = arith.subi %add3A_163, %sub3A_176 : i32
        %dma_wait3A_178 = arith.constant 0 : i32
        %dma_wait3A_179 = tpu.memref_slice %arg7[%sub3A_177, %dma_wait3A_178] : memref<40x128xi32, #tpu.memory_space<vmem>> -> memref<1x128xi32, #tpu.memory_space<vmem>>
        %dma_wait3A_180 = tpu.memref_squeeze %dma_wait3A_179 : memref<1x128xi32, #tpu.memory_space<vmem>> -> memref<128xi32, #tpu.memory_space<vmem>>
        %dma_wait3A_181 = arith.constant 0 : i32
        %dma_wait3A_182 = arith.constant 0 : i32
        %dma_wait3A_183 = tpu.memref_slice %arg10[%dma_wait3A_181, %dma_wait3A_182] : memref<10240x128xf32, #tpu.memory_space<vmem_shared>> -> memref<10240x128xf32, #tpu.memory_space<vmem_shared>>
        tpu.wait_indirect_dma semaphore(%arg13 : memref<!tpu.dma_semaphore, #tpu.memory_space<semaphore_mem>>) src(%arg8 : memref<128x128xf32, #tpu.memory_space<vmem>>) dst(%dma_wait3A_183 : memref<10240x128xf32, #tpu.memory_space<vmem_shared>>)
        %add3A_184 = arith.constant 1 : i32
        %add3A_185 = arith.addi %add3A_163, %add3A_184 : i32
        %lt3A_186 = arith.constant 40 : i32
        %lt3A_187 = arith.cmpi slt, %add3A_185, %lt3A_186 : i32
        %convert_element_type3A_188 = arith.extui %lt3A_187 : i1 to i32
        %cond3A_189 = arith.constant 0 : i32
        %cond3A_190 = arith.cmpi ne, %convert_element_type3A_188, %cond3A_189 : i32
        scf.if %cond3A_190 {
          %add3A_192 = arith.constant 1 : i32
          %add3A_193 = arith.addi %add3A_163, %add3A_192 : i32
          %dma_start3A_194 = arith.constant 0 : i32
          %dma_start3A_195 = tpu.memref_slice %arg6[%add3A_193, %dma_start3A_194] : memref<40x128xi32, #tpu.memory_space<vmem>> -> memref<1x128xi32, #tpu.memory_space<vmem>>
          %dma_start3A_196 = tpu.memref_squeeze %dma_start3A_195 : memref<1x128xi32, #tpu.memory_space<vmem>> -> memref<128xi32, #tpu.memory_space<vmem>>
          %dma_start3A_197 = arith.constant 0 : i32
          %dma_start3A_198 = arith.constant 0 : i32
          %dma_start3A_199 = tpu.memref_slice %arg2[%dma_start3A_197, %dma_start3A_198] : memref<10240x128xf32, #tpu.memory_space<hbm>> -> memref<10240x128xf32, #tpu.memory_space<hbm>>
          tpu.enqueue_indirect_dma source(%dma_start3A_199 : memref<10240x128xf32, #tpu.memory_space<hbm>>) target(%arg8 : memref<128x128xf32, #tpu.memory_space<vmem>>) offsets(%dma_start3A_196 : memref<128xi32, #tpu.memory_space<vmem>>) semaphore(%arg12 : memref<!tpu.dma_semaphore, #tpu.memory_space<semaphore_mem>>)
        } else {
        }
        %scan3A_191 = arith.constant 0 : i32
        scf.yield %scan3A_191 : i32
      }
      %scan3A_120 = arith.constant 19 : i32
      %dma_wait3A_121 = arith.constant 39 : i32
      %dma_wait3A_122 = arith.constant 0 : i32
      %dma_wait3A_123 = tpu.memref_slice %arg7[%dma_wait3A_121, %dma_wait3A_122] : memref<40x128xi32, #tpu.memory_space<vmem>> -> memref<1x128xi32, #tpu.memory_space<vmem>>
      %dma_wait3A_124 = tpu.memref_squeeze %dma_wait3A_123 : memref<1x128xi32, #tpu.memory_space<vmem>> -> memref<128xi32, #tpu.memory_space<vmem>>
      %dma_wait3A_125 = arith.constant 0 : i32
      %dma_wait3A_126 = arith.constant 0 : i32
      %dma_wait3A_127 = tpu.memref_slice %arg10[%dma_wait3A_125, %dma_wait3A_126] : memref<10240x128xf32, #tpu.memory_space<vmem_shared>> -> memref<10240x128xf32, #tpu.memory_space<vmem_shared>>
      tpu.wait_indirect_dma semaphore(%arg13 : memref<!tpu.dma_semaphore, #tpu.memory_space<semaphore_mem>>) src(%arg9 : memref<128x128xf32, #tpu.memory_space<vmem>>) dst(%dma_wait3A_127 : memref<10240x128xf32, #tpu.memory_space<vmem_shared>>)
      %while3A_128 = arith.constant 0 : i32
      scf.yield %while3A_128 : i32
    }
    %while3A_48 = arith.constant 1 : i32
    %while3A_49 = scf.for %while3A_55 = %while3A_45 to %while3A_41 step %while3A_48 iter_args(%while3A_56 = %while3A_47) -> (i32)  : i32 {
      %gt3A = arith.constant 0 : i32
      %gt3A_57 = arith.cmpi sgt, %while3A_55, %gt3A : i32
      %convert_element_type3A = arith.extui %gt3A_57 : i1 to i32
      %cond3A = arith.constant 0 : i32
      %cond3A_58 = arith.cmpi ne, %convert_element_type3A, %cond3A : i32
      scf.if %cond3A_58 {
        %add3A_129 = arith.addi %select_n3A_8, %while3A_55 : i32
        %mul3A_130 = arith.constant 40 : i32
        %mul3A_131 = arith.muli %add3A_129, %mul3A_130 : i32
        %dma_start3A_132 = arith.constant 0 : i32
        %dma_start3A_133 = tpu.memref_slice %arg3[%mul3A_131, %dma_start3A_132] : memref<2560x128xi32, #tpu.memory_space<hbm>> -> memref<40x128xi32, #tpu.memory_space<hbm>>
        %dma_start3A_134 = arith.constant 0 : i32
        %dma_start3A_135 = tpu.memref_slice %arg3[%mul3A_131, %dma_start3A_134] : memref<2560x128xi32, #tpu.memory_space<hbm>> -> memref<40x128xi32, #tpu.memory_space<hbm>>
        tpu.enqueue_dma source(%dma_start3A_135 : memref<40x128xi32, #tpu.memory_space<hbm>>) target(%arg6 : memref<40x128xi32, #tpu.memory_space<vmem>>) target_semaphore(%arg11 : memref<!tpu.dma_semaphore, #tpu.memory_space<semaphore_mem>>)
        %dma_start3A_136 = arith.constant 0 : i32
        %dma_start3A_137 = tpu.memref_slice %arg4[%mul3A_131, %dma_start3A_136] : memref<2560x128xi32, #tpu.memory_space<hbm>> -> memref<40x128xi32, #tpu.memory_space<hbm>>
        %dma_start3A_138 = arith.constant 0 : i32
        %dma_start3A_139 = tpu.memref_slice %arg4[%mul3A_131, %dma_start3A_138] : memref<2560x128xi32, #tpu.memory_space<hbm>> -> memref<40x128xi32, #tpu.memory_space<hbm>>
        tpu.enqueue_dma source(%dma_start3A_139 : memref<40x128xi32, #tpu.memory_space<hbm>>) target(%arg7 : memref<40x128xi32, #tpu.memory_space<vmem>>) target_semaphore(%arg11 : memref<!tpu.dma_semaphore, #tpu.memory_space<semaphore_mem>>)
        %dma_wait3A_140 = arith.constant 0 : i32
        %dma_wait3A_141 = tpu.memref_slice %arg3[%mul3A_131, %dma_wait3A_140] : memref<2560x128xi32, #tpu.memory_space<hbm>> -> memref<40x128xi32, #tpu.memory_space<hbm>>
        %dma_wait3A_142 = arith.constant 0 : i32
        %dma_wait3A_143 = tpu.memref_slice %arg3[%mul3A_131, %dma_wait3A_142] : memref<2560x128xi32, #tpu.memory_space<hbm>> -> memref<40x128xi32, #tpu.memory_space<hbm>>
        tpu.wait_dma2 semaphore(%arg11 : memref<!tpu.dma_semaphore, #tpu.memory_space<semaphore_mem>>) src(%dma_wait3A_143 : memref<40x128xi32, #tpu.memory_space<hbm>>) dst(%arg6 : memref<40x128xi32, #tpu.memory_space<vmem>>)
        %dma_wait3A_144 = arith.constant 0 : i32
        %dma_wait3A_145 = tpu.memref_slice %arg4[%mul3A_131, %dma_wait3A_144] : memref<2560x128xi32, #tpu.memory_space<hbm>> -> memref<40x128xi32, #tpu.memory_space<hbm>>
        %dma_wait3A_146 = arith.constant 0 : i32
        %dma_wait3A_147 = tpu.memref_slice %arg4[%mul3A_131, %dma_wait3A_146] : memref<2560x128xi32, #tpu.memory_space<hbm>> -> memref<40x128xi32, #tpu.memory_space<hbm>>
        tpu.wait_dma2 semaphore(%arg11 : memref<!tpu.dma_semaphore, #tpu.memory_space<semaphore_mem>>) src(%dma_wait3A_147 : memref<40x128xi32, #tpu.memory_space<hbm>>) dst(%arg7 : memref<40x128xi32, #tpu.memory_space<vmem>>)
      } else {
      }
      %dma_start3A_59 = arith.constant 0 : i32
      %dma_start3A_60 = arith.constant 0 : i32
      %dma_start3A_61 = tpu.memref_slice %arg6[%dma_start3A_59, %dma_start3A_60] : memref<40x128xi32, #tpu.memory_space<vmem>> -> memref<1x128xi32, #tpu.memory_space<vmem>>
      %dma_start3A_62 = tpu.memref_squeeze %dma_start3A_61 : memref<1x128xi32, #tpu.memory_space<vmem>> -> memref<128xi32, #tpu.memory_space<vmem>>
      %dma_start3A_63 = arith.constant 0 : i32
      %dma_start3A_64 = arith.constant 0 : i32
      %dma_start3A_65 = tpu.memref_slice %arg2[%dma_start3A_63, %dma_start3A_64] : memref<10240x128xf32, #tpu.memory_space<hbm>> -> memref<10240x128xf32, #tpu.memory_space<hbm>>
      tpu.enqueue_indirect_dma source(%dma_start3A_65 : memref<10240x128xf32, #tpu.memory_space<hbm>>) target(%arg8 : memref<128x128xf32, #tpu.memory_space<vmem>>) offsets(%dma_start3A_62 : memref<128xi32, #tpu.memory_space<vmem>>) semaphore(%arg12 : memref<!tpu.dma_semaphore, #tpu.memory_space<semaphore_mem>>)
      %dma_wait3A_66 = arith.constant 0 : i32
      %dma_wait3A_67 = arith.constant 0 : i32
      %dma_wait3A_68 = tpu.memref_slice %arg6[%dma_wait3A_66, %dma_wait3A_67] : memref<40x128xi32, #tpu.memory_space<vmem>> -> memref<1x128xi32, #tpu.memory_space<vmem>>
      %dma_wait3A_69 = tpu.memref_squeeze %dma_wait3A_68 : memref<1x128xi32, #tpu.memory_space<vmem>> -> memref<128xi32, #tpu.memory_space<vmem>>
      %dma_wait3A_70 = arith.constant 0 : i32
      %dma_wait3A_71 = arith.constant 0 : i32
      %dma_wait3A_72 = tpu.memref_slice %arg2[%dma_wait3A_70, %dma_wait3A_71] : memref<10240x128xf32, #tpu.memory_space<hbm>> -> memref<10240x128xf32, #tpu.memory_space<hbm>>
      tpu.wait_indirect_dma semaphore(%arg12 : memref<!tpu.dma_semaphore, #tpu.memory_space<semaphore_mem>>) src(%dma_wait3A_72 : memref<10240x128xf32, #tpu.memory_space<hbm>>) dst(%arg8 : memref<128x128xf32, #tpu.memory_space<vmem>>)
      %dma_start3A_73 = arith.constant 0 : i32
      %dma_start3A_74 = arith.constant 0 : i32
      %dma_start3A_75 = tpu.memref_slice %arg7[%dma_start3A_73, %dma_start3A_74] : memref<40x128xi32, #tpu.memory_space<vmem>> -> memref<1x128xi32, #tpu.memory_space<vmem>>
      %dma_start3A_76 = tpu.memref_squeeze %dma_start3A_75 : memref<1x128xi32, #tpu.memory_space<vmem>> -> memref<128xi32, #tpu.memory_space<vmem>>
      %dma_start3A_77 = arith.constant 0 : i32
      %dma_start3A_78 = arith.constant 0 : i32
      %dma_start3A_79 = tpu.memref_slice %arg10[%dma_start3A_77, %dma_start3A_78] : memref<10240x128xf32, #tpu.memory_space<vmem_shared>> -> memref<10240x128xf32, #tpu.memory_space<vmem_shared>>
      tpu.enqueue_indirect_dma source(%arg8 : memref<128x128xf32, #tpu.memory_space<vmem>>) target(%dma_start3A_79 : memref<10240x128xf32, #tpu.memory_space<vmem_shared>>) offsets(%dma_start3A_76 : memref<128xi32, #tpu.memory_space<vmem>>) semaphore(%arg13 : memref<!tpu.dma_semaphore, #tpu.memory_space<semaphore_mem>>) {add = true}
      %dma_start3A_80 = arith.constant 1 : i32
      %dma_start3A_81 = arith.constant 0 : i32
      %dma_start3A_82 = tpu.memref_slice %arg6[%dma_start3A_80, %dma_start3A_81] : memref<40x128xi32, #tpu.memory_space<vmem>> -> memref<1x128xi32, #tpu.memory_space<vmem>>
      %dma_start3A_83 = tpu.memref_squeeze %dma_start3A_82 : memref<1x128xi32, #tpu.memory_space<vmem>> -> memref<128xi32, #tpu.memory_space<vmem>>
      %dma_start3A_84 = arith.constant 0 : i32
      %dma_start3A_85 = arith.constant 0 : i32
      %dma_start3A_86 = tpu.memref_slice %arg2[%dma_start3A_84, %dma_start3A_85] : memref<10240x128xf32, #tpu.memory_space<hbm>> -> memref<10240x128xf32, #tpu.memory_space<hbm>>
      tpu.enqueue_indirect_dma source(%dma_start3A_86 : memref<10240x128xf32, #tpu.memory_space<hbm>>) target(%arg9 : memref<128x128xf32, #tpu.memory_space<vmem>>) offsets(%dma_start3A_83 : memref<128xi32, #tpu.memory_space<vmem>>) semaphore(%arg12 : memref<!tpu.dma_semaphore, #tpu.memory_space<semaphore_mem>>)
      %dma_wait3A_87 = arith.constant 1 : i32
      %dma_wait3A_88 = arith.constant 0 : i32
      %dma_wait3A_89 = tpu.memref_slice %arg6[%dma_wait3A_87, %dma_wait3A_88] : memref<40x128xi32, #tpu.memory_space<vmem>> -> memref<1x128xi32, #tpu.memory_space<vmem>>
      %dma_wait3A_90 = tpu.memref_squeeze %dma_wait3A_89 : memref<1x128xi32, #tpu.memory_space<vmem>> -> memref<128xi32, #tpu.memory_space<vmem>>
      %dma_wait3A_91 = arith.constant 0 : i32
      %dma_wait3A_92 = arith.constant 0 : i32
      %dma_wait3A_93 = tpu.memref_slice %arg2[%dma_wait3A_91, %dma_wait3A_92] : memref<10240x128xf32, #tpu.memory_space<hbm>> -> memref<10240x128xf32, #tpu.memory_space<hbm>>
      tpu.wait_indirect_dma semaphore(%arg12 : memref<!tpu.dma_semaphore, #tpu.memory_space<semaphore_mem>>) src(%dma_wait3A_93 : memref<10240x128xf32, #tpu.memory_space<hbm>>) dst(%arg9 : memref<128x128xf32, #tpu.memory_space<vmem>>)
      %dma_start3A_94 = arith.constant 1 : i32
      %dma_start3A_95 = arith.constant 0 : i32
      %dma_start3A_96 = tpu.memref_slice %arg7[%dma_start3A_94, %dma_start3A_95] : memref<40x128xi32, #tpu.memory_space<vmem>> -> memref<1x128xi32, #tpu.memory_space<vmem>>
      %dma_start3A_97 = tpu.memref_squeeze %dma_start3A_96 : memref<1x128xi32, #tpu.memory_space<vmem>> -> memref<128xi32, #tpu.memory_space<vmem>>
      %dma_start3A_98 = arith.constant 0 : i32
      %dma_start3A_99 = arith.constant 0 : i32
      %dma_start3A_100 = tpu.memref_slice %arg10[%dma_start3A_98, %dma_start3A_99] : memref<10240x128xf32, #tpu.memory_space<vmem_shared>> -> memref<10240x128xf32, #tpu.memory_space<vmem_shared>>
      tpu.enqueue_indirect_dma source(%arg9 : memref<128x128xf32, #tpu.memory_space<vmem>>) target(%dma_start3A_100 : memref<10240x128xf32, #tpu.memory_space<vmem_shared>>) offsets(%dma_start3A_97 : memref<128xi32, #tpu.memory_space<vmem>>) semaphore(%arg13 : memref<!tpu.dma_semaphore, #tpu.memory_space<semaphore_mem>>) {add = true}
      %dma_wait3A_101 = arith.constant 0 : i32
      %dma_wait3A_102 = arith.constant 0 : i32
      %dma_wait3A_103 = tpu.memref_slice %arg7[%dma_wait3A_101, %dma_wait3A_102] : memref<40x128xi32, #tpu.memory_space<vmem>> -> memref<1x128xi32, #tpu.memory_space<vmem>>
      %dma_wait3A_104 = tpu.memref_squeeze %dma_wait3A_103 : memref<1x128xi32, #tpu.memory_space<vmem>> -> memref<128xi32, #tpu.memory_space<vmem>>
      %dma_wait3A_105 = arith.constant 0 : i32
      %dma_wait3A_106 = arith.constant 0 : i32
      %dma_wait3A_107 = tpu.memref_slice %arg10[%dma_wait3A_105, %dma_wait3A_106] : memref<10240x128xf32, #tpu.memory_space<vmem_shared>> -> memref<10240x128xf32, #tpu.memory_space<vmem_shared>>
      tpu.wait_indirect_dma semaphore(%arg13 : memref<!tpu.dma_semaphore, #tpu.memory_space<semaphore_mem>>) src(%arg8 : memref<128x128xf32, #tpu.memory_space<vmem>>) dst(%dma_wait3A_107 : memref<10240x128xf32, #tpu.memory_space<vmem_shared>>)
      %dma_start3A_108 = arith.constant 2 : i32
      %dma_start3A_109 = arith.constant 0 : i32
      %dma_start3A_110 = tpu.memref_slice %arg6[%dma_start3A_108, %dma_start3A_109] : memref<40x128xi32, #tpu.memory_space<vmem>> -> memref<1x128xi32, #tpu.memory_space<vmem>>
      %dma_start3A_111 = tpu.memref_squeeze %dma_start3A_110 : memref<1x128xi32, #tpu.memory_space<vmem>> -> memref<128xi32, #tpu.memory_space<vmem>>
      %dma_start3A_112 = arith.constant 0 : i32
      %dma_start3A_113 = arith.constant 0 : i32
      %dma_start3A_114 = tpu.memref_slice %arg2[%dma_start3A_112, %dma_start3A_113] : memref<10240x128xf32, #tpu.memory_space<hbm>> -> memref<10240x128xf32, #tpu.memory_space<hbm>>
      tpu.enqueue_indirect_dma source(%dma_start3A_114 : memref<10240x128xf32, #tpu.memory_space<hbm>>) target(%arg8 : memref<128x128xf32, #tpu.memory_space<vmem>>) offsets(%dma_start3A_111 : memref<128xi32, #tpu.memory_space<vmem>>) semaphore(%arg12 : memref<!tpu.dma_semaphore, #tpu.memory_space<semaphore_mem>>)
      %scan3A = arith.constant 0 : i32
      %scan3A_115 = arith.constant 1 : i32
      %scan3A_116 = arith.constant 19 : i32
      %scan3A_117 = arith.addi %scan3A_115, %scan3A_116 : i32
      %scan3A_118 = arith.constant 1 : i32
      %scan3A_119 = scf.for %scan3A_129 = %scan3A_115 to %scan3A_117 step %scan3A_118 iter_args(%scan3A_130 = %scan3A) -> (i32)  : i32 {
        %mul3A_131 = arith.constant 2 : i32
        %mul3A_132 = arith.muli %mul3A_131, %scan3A_129 : i32
        %add3A_133 = arith.constant 0 : i32
        %add3A_134 = arith.addi %mul3A_132, %add3A_133 : i32
        %dma_wait3A_135 = arith.constant 0 : i32
        %dma_wait3A_136 = tpu.memref_slice %arg6[%add3A_134, %dma_wait3A_135] : memref<40x128xi32, #tpu.memory_space<vmem>> -> memref<1x128xi32, #tpu.memory_space<vmem>>
        %dma_wait3A_137 = tpu.memref_squeeze %dma_wait3A_136 : memref<1x128xi32, #tpu.memory_space<vmem>> -> memref<128xi32, #tpu.memory_space<vmem>>
        %dma_wait3A_138 = arith.constant 0 : i32
        %dma_wait3A_139 = arith.constant 0 : i32
        %dma_wait3A_140 = tpu.memref_slice %arg2[%dma_wait3A_138, %dma_wait3A_139] : memref<10240x128xf32, #tpu.memory_space<hbm>> -> memref<10240x128xf32, #tpu.memory_space<hbm>>
        tpu.wait_indirect_dma semaphore(%arg12 : memref<!tpu.dma_semaphore, #tpu.memory_space<semaphore_mem>>) src(%dma_wait3A_140 : memref<10240x128xf32, #tpu.memory_space<hbm>>) dst(%arg8 : memref<128x128xf32, #tpu.memory_space<vmem>>)
        %dma_start3A_141 = arith.constant 0 : i32
        %dma_start3A_142 = tpu.memref_slice %arg7[%add3A_134, %dma_start3A_141] : memref<40x128xi32, #tpu.memory_space<vmem>> -> memref<1x128xi32, #tpu.memory_space<vmem>>
        %dma_start3A_143 = tpu.memref_squeeze %dma_start3A_142 : memref<1x128xi32, #tpu.memory_space<vmem>> -> memref<128xi32, #tpu.memory_space<vmem>>
        %dma_start3A_144 = arith.constant 0 : i32
        %dma_start3A_145 = arith.constant 0 : i32
        %dma_start3A_146 = tpu.memref_slice %arg10[%dma_start3A_144, %dma_start3A_145] : memref<10240x128xf32, #tpu.memory_space<vmem_shared>> -> memref<10240x128xf32, #tpu.memory_space<vmem_shared>>
        tpu.enqueue_indirect_dma source(%arg8 : memref<128x128xf32, #tpu.memory_space<vmem>>) target(%dma_start3A_146 : memref<10240x128xf32, #tpu.memory_space<vmem_shared>>) offsets(%dma_start3A_143 : memref<128xi32, #tpu.memory_space<vmem>>) semaphore(%arg13 : memref<!tpu.dma_semaphore, #tpu.memory_space<semaphore_mem>>) {add = true}
        %sub3A = arith.constant 1 : i32
        %sub3A_147 = arith.subi %add3A_134, %sub3A : i32
        %dma_wait3A_148 = arith.constant 0 : i32
        %dma_wait3A_149 = tpu.memref_slice %arg7[%sub3A_147, %dma_wait3A_148] : memref<40x128xi32, #tpu.memory_space<vmem>> -> memref<1x128xi32, #tpu.memory_space<vmem>>
        %dma_wait3A_150 = tpu.memref_squeeze %dma_wait3A_149 : memref<1x128xi32, #tpu.memory_space<vmem>> -> memref<128xi32, #tpu.memory_space<vmem>>
        %dma_wait3A_151 = arith.constant 0 : i32
        %dma_wait3A_152 = arith.constant 0 : i32
        %dma_wait3A_153 = tpu.memref_slice %arg10[%dma_wait3A_151, %dma_wait3A_152] : memref<10240x128xf32, #tpu.memory_space<vmem_shared>> -> memref<10240x128xf32, #tpu.memory_space<vmem_shared>>
        tpu.wait_indirect_dma semaphore(%arg13 : memref<!tpu.dma_semaphore, #tpu.memory_space<semaphore_mem>>) src(%arg9 : memref<128x128xf32, #tpu.memory_space<vmem>>) dst(%dma_wait3A_153 : memref<10240x128xf32, #tpu.memory_space<vmem_shared>>)
        %add3A_154 = arith.constant 1 : i32
        %add3A_155 = arith.addi %add3A_134, %add3A_154 : i32
        %lt3A = arith.constant 40 : i32
        %lt3A_156 = arith.cmpi slt, %add3A_155, %lt3A : i32
        %convert_element_type3A_157 = arith.extui %lt3A_156 : i1 to i32
        %cond3A_158 = arith.constant 0 : i32
        %cond3A_159 = arith.cmpi ne, %convert_element_type3A_157, %cond3A_158 : i32
        scf.if %cond3A_159 {
          %add3A_192 = arith.constant 1 : i32
          %add3A_193 = arith.addi %add3A_134, %add3A_192 : i32
          %dma_start3A_194 = arith.constant 0 : i32
          %dma_start3A_195 = tpu.memref_slice %arg6[%add3A_193, %dma_start3A_194] : memref<40x128xi32, #tpu.memory_space<vmem>> -> memref<1x128xi32, #tpu.memory_space<vmem>>
          %dma_start3A_196 = tpu.memref_squeeze %dma_start3A_195 : memref<1x128xi32, #tpu.memory_space<vmem>> -> memref<128xi32, #tpu.memory_space<vmem>>
          %dma_start3A_197 = arith.constant 0 : i32
          %dma_start3A_198 = arith.constant 0 : i32
          %dma_start3A_199 = tpu.memref_slice %arg2[%dma_start3A_197, %dma_start3A_198] : memref<10240x128xf32, #tpu.memory_space<hbm>> -> memref<10240x128xf32, #tpu.memory_space<hbm>>
          tpu.enqueue_indirect_dma source(%dma_start3A_199 : memref<10240x128xf32, #tpu.memory_space<hbm>>) target(%arg9 : memref<128x128xf32, #tpu.memory_space<vmem>>) offsets(%dma_start3A_196 : memref<128xi32, #tpu.memory_space<vmem>>) semaphore(%arg12 : memref<!tpu.dma_semaphore, #tpu.memory_space<semaphore_mem>>)
        } else {
        }
        %mul3A_160 = arith.constant 2 : i32
        %mul3A_161 = arith.muli %mul3A_160, %scan3A_129 : i32
        %add3A_162 = arith.constant 1 : i32
        %add3A_163 = arith.addi %mul3A_161, %add3A_162 : i32
        %dma_wait3A_164 = arith.constant 0 : i32
        %dma_wait3A_165 = tpu.memref_slice %arg6[%add3A_163, %dma_wait3A_164] : memref<40x128xi32, #tpu.memory_space<vmem>> -> memref<1x128xi32, #tpu.memory_space<vmem>>
        %dma_wait3A_166 = tpu.memref_squeeze %dma_wait3A_165 : memref<1x128xi32, #tpu.memory_space<vmem>> -> memref<128xi32, #tpu.memory_space<vmem>>
        %dma_wait3A_167 = arith.constant 0 : i32
        %dma_wait3A_168 = arith.constant 0 : i32
        %dma_wait3A_169 = tpu.memref_slice %arg2[%dma_wait3A_167, %dma_wait3A_168] : memref<10240x128xf32, #tpu.memory_space<hbm>> -> memref<10240x128xf32, #tpu.memory_space<hbm>>
        tpu.wait_indirect_dma semaphore(%arg12 : memref<!tpu.dma_semaphore, #tpu.memory_space<semaphore_mem>>) src(%dma_wait3A_169 : memref<10240x128xf32, #tpu.memory_space<hbm>>) dst(%arg9 : memref<128x128xf32, #tpu.memory_space<vmem>>)
        %dma_start3A_170 = arith.constant 0 : i32
        %dma_start3A_171 = tpu.memref_slice %arg7[%add3A_163, %dma_start3A_170] : memref<40x128xi32, #tpu.memory_space<vmem>> -> memref<1x128xi32, #tpu.memory_space<vmem>>
        %dma_start3A_172 = tpu.memref_squeeze %dma_start3A_171 : memref<1x128xi32, #tpu.memory_space<vmem>> -> memref<128xi32, #tpu.memory_space<vmem>>
        %dma_start3A_173 = arith.constant 0 : i32
        %dma_start3A_174 = arith.constant 0 : i32
        %dma_start3A_175 = tpu.memref_slice %arg10[%dma_start3A_173, %dma_start3A_174] : memref<10240x128xf32, #tpu.memory_space<vmem_shared>> -> memref<10240x128xf32, #tpu.memory_space<vmem_shared>>
        tpu.enqueue_indirect_dma source(%arg9 : memref<128x128xf32, #tpu.memory_space<vmem>>) target(%dma_start3A_175 : memref<10240x128xf32, #tpu.memory_space<vmem_shared>>) offsets(%dma_start3A_172 : memref<128xi32, #tpu.memory_space<vmem>>) semaphore(%arg13 : memref<!tpu.dma_semaphore, #tpu.memory_space<semaphore_mem>>) {add = true}
        %sub3A_176 = arith.constant 1 : i32
        %sub3A_177 = arith.subi %add3A_163, %sub3A_176 : i32
        %dma_wait3A_178 = arith.constant 0 : i32
        %dma_wait3A_179 = tpu.memref_slice %arg7[%sub3A_177, %dma_wait3A_178] : memref<40x128xi32, #tpu.memory_space<vmem>> -> memref<1x128xi32, #tpu.memory_space<vmem>>
        %dma_wait3A_180 = tpu.memref_squeeze %dma_wait3A_179 : memref<1x128xi32, #tpu.memory_space<vmem>> -> memref<128xi32, #tpu.memory_space<vmem>>
        %dma_wait3A_181 = arith.constant 0 : i32
        %dma_wait3A_182 = arith.constant 0 : i32
        %dma_wait3A_183 = tpu.memref_slice %arg10[%dma_wait3A_181, %dma_wait3A_182] : memref<10240x128xf32, #tpu.memory_space<vmem_shared>> -> memref<10240x128xf32, #tpu.memory_space<vmem_shared>>
        tpu.wait_indirect_dma semaphore(%arg13 : memref<!tpu.dma_semaphore, #tpu.memory_space<semaphore_mem>>) src(%arg8 : memref<128x128xf32, #tpu.memory_space<vmem>>) dst(%dma_wait3A_183 : memref<10240x128xf32, #tpu.memory_space<vmem_shared>>)
        %add3A_184 = arith.constant 1 : i32
        %add3A_185 = arith.addi %add3A_163, %add3A_184 : i32
        %lt3A_186 = arith.constant 40 : i32
        %lt3A_187 = arith.cmpi slt, %add3A_185, %lt3A_186 : i32
        %convert_element_type3A_188 = arith.extui %lt3A_187 : i1 to i32
        %cond3A_189 = arith.constant 0 : i32
        %cond3A_190 = arith.cmpi ne, %convert_element_type3A_188, %cond3A_189 : i32
        scf.if %cond3A_190 {
          %add3A_192 = arith.constant 1 : i32
          %add3A_193 = arith.addi %add3A_163, %add3A_192 : i32
          %dma_start3A_194 = arith.constant 0 : i32
          %dma_start3A_195 = tpu.memref_slice %arg6[%add3A_193, %dma_start3A_194] : memref<40x128xi32, #tpu.memory_space<vmem>> -> memref<1x128xi32, #tpu.memory_space<vmem>>
          %dma_start3A_196 = tpu.memref_squeeze %dma_start3A_195 : memref<1x128xi32, #tpu.memory_space<vmem>> -> memref<128xi32, #tpu.memory_space<vmem>>
          %dma_start3A_197 = arith.constant 0 : i32
          %dma_start3A_198 = arith.constant 0 : i32
          %dma_start3A_199 = tpu.memref_slice %arg2[%dma_start3A_197, %dma_start3A_198] : memref<10240x128xf32, #tpu.memory_space<hbm>> -> memref<10240x128xf32, #tpu.memory_space<hbm>>
          tpu.enqueue_indirect_dma source(%dma_start3A_199 : memref<10240x128xf32, #tpu.memory_space<hbm>>) target(%arg8 : memref<128x128xf32, #tpu.memory_space<vmem>>) offsets(%dma_start3A_196 : memref<128xi32, #tpu.memory_space<vmem>>) semaphore(%arg12 : memref<!tpu.dma_semaphore, #tpu.memory_space<semaphore_mem>>)
        } else {
        }
        %scan3A_191 = arith.constant 0 : i32
        scf.yield %scan3A_191 : i32
      }
      %scan3A_120 = arith.constant 19 : i32
      %dma_wait3A_121 = arith.constant 39 : i32
      %dma_wait3A_122 = arith.constant 0 : i32
      %dma_wait3A_123 = tpu.memref_slice %arg7[%dma_wait3A_121, %dma_wait3A_122] : memref<40x128xi32, #tpu.memory_space<vmem>> -> memref<1x128xi32, #tpu.memory_space<vmem>>
      %dma_wait3A_124 = tpu.memref_squeeze %dma_wait3A_123 : memref<1x128xi32, #tpu.memory_space<vmem>> -> memref<128xi32, #tpu.memory_space<vmem>>
      %dma_wait3A_125 = arith.constant 0 : i32
      %dma_wait3A_126 = arith.constant 0 : i32
      %dma_wait3A_127 = tpu.memref_slice %arg10[%dma_wait3A_125, %dma_wait3A_126] : memref<10240x128xf32, #tpu.memory_space<vmem_shared>> -> memref<10240x128xf32, #tpu.memory_space<vmem_shared>>
      tpu.wait_indirect_dma semaphore(%arg13 : memref<!tpu.dma_semaphore, #tpu.memory_space<semaphore_mem>>) src(%arg9 : memref<128x128xf32, #tpu.memory_space<vmem>>) dst(%dma_wait3A_127 : memref<10240x128xf32, #tpu.memory_space<vmem_shared>>)
      %while3A_128 = arith.constant 0 : i32
      scf.yield %while3A_128 : i32
    }
    %barrier3A_50 = arith.constant 0 : index
    tpu.barrier barrier_id(%barrier3A_50)
    %mul3A_51 = arith.constant 640 : i32
    %mul3A_52 = arith.muli %arg1, %mul3A_51 : i32
    %mul3A_53 = arith.constant 640 : i32
    %mul3A_54 = arith.muli %arg1, %mul3A_53 : i32
    "tpu.region"() ({
      %run_scoped3A = tpu.sem_alloc : memref<!tpu.dma_semaphore, #tpu.memory_space<semaphore_mem>>
      %dma_start3A_55 = arith.constant 0 : i32
      %dma_start3A_56 = tpu.memref_slice %arg5[%arg0, %mul3A_54, %dma_start3A_55] : memref<2x10240x128xf32, #tpu.memory_space<hbm>> -> memref<1x640x128xf32, #tpu.memory_space<hbm>>
      %dma_start3A_57 = tpu.memref_squeeze %dma_start3A_56 : memref<1x640x128xf32, #tpu.memory_space<hbm>> -> memref<640x128xf32, #tpu.memory_space<hbm>>
      %dma_start3A_58 = arith.constant 0 : i32
      %dma_start3A_59 = tpu.memref_slice %arg10[%mul3A_52, %dma_start3A_58] : memref<10240x128xf32, #tpu.memory_space<vmem_shared>> -> memref<640x128xf32, #tpu.memory_space<vmem_shared>>
      tpu.enqueue_dma source(%dma_start3A_59 : memref<640x128xf32, #tpu.memory_space<vmem_shared>>) target(%dma_start3A_57 : memref<640x128xf32, #tpu.memory_space<hbm>>) target_semaphore(%run_scoped3A : memref<!tpu.dma_semaphore, #tpu.memory_space<semaphore_mem>>)
      %dma_wait3A_60 = arith.constant 0 : i32
      %dma_wait3A_61 = tpu.memref_slice %arg5[%arg0, %mul3A_54, %dma_wait3A_60] : memref<2x10240x128xf32, #tpu.memory_space<hbm>> -> memref<1x640x128xf32, #tpu.memory_space<hbm>>
      %dma_wait3A_62 = tpu.memref_squeeze %dma_wait3A_61 : memref<1x640x128xf32, #tpu.memory_space<hbm>> -> memref<640x128xf32, #tpu.memory_space<hbm>>
      %dma_wait3A_63 = arith.constant 0 : i32
      %dma_wait3A_64 = tpu.memref_slice %arg10[%mul3A_52, %dma_wait3A_63] : memref<10240x128xf32, #tpu.memory_space<vmem_shared>> -> memref<640x128xf32, #tpu.memory_space<vmem_shared>>
      tpu.wait_dma2 semaphore(%run_scoped3A : memref<!tpu.dma_semaphore, #tpu.memory_space<semaphore_mem>>) src(%dma_wait3A_64 : memref<640x128xf32, #tpu.memory_space<vmem_shared>>) dst(%dma_wait3A_62 : memref<640x128xf32, #tpu.memory_space<hbm>>)
      tpu.yield
    }) : () -> ()
    return
  }
}

module attributes {stable_mosaic.version = 14 : i64} {
  func.func @body(%arg0: i32, %arg1: memref<2x512xf32, #tpu.memory_space<vmem>>, %arg2: memref<512x128xf32, #tpu.memory_space<vmem>>, %arg3: memref<128x128xf32, #tpu.memory_space<vmem>>, %arg4: memref<128xf32, #tpu.memory_space<vmem>>, %arg5: memref<128x128xf32, #tpu.memory_space<vmem>>, %arg6: memref<512x128xf32, #tpu.memory_space<vmem>>) attributes {dimension_semantics = [#tpu.dimension_semantics<arbitrary>], iteration_bounds = array<i64: 20>, scalar_prefetch = 0 : i64, scratch_operands = 0 : i64, tpu.core_type = #tpu.core_type<tc>, window_params = [{transform_indices = @transform_0, window_bounds = array<i64: 2, 512>}, {transform_indices = @transform_1, window_bounds = array<i64: 512, 128>}, {pipeline_mode = #tpu.pipeline_mode<synchronous>, transform_indices = @transform_2, window_bounds = array<i64: 128, 128>}, {pipeline_mode = #tpu.pipeline_mode<synchronous>, transform_indices = @transform_3, window_bounds = array<i64: 128>}, {pipeline_mode = #tpu.pipeline_mode<synchronous>, transform_indices = @transform_4, window_bounds = array<i64: 128, 128>}, {transform_indices = @transform_5, window_bounds = array<i64: 512, 128>}]} {
    %get3A = arith.constant 0 : index
    %get3A_0 = arith.constant 0 : index
    %get3A_1 = vector.load %arg1[%get3A, %get3A_0] : memref<2x512xf32, #tpu.memory_space<vmem>>, vector<1x512xf32>
    %get3A_2 = vector.shape_cast %get3A_1 : vector<1x512xf32> to vector<512xf32>
    %get3A_3 = arith.constant 1 : index
    %get3A_4 = arith.constant 0 : index
    %get3A_5 = vector.load %arg1[%get3A_3, %get3A_4] : memref<2x512xf32, #tpu.memory_space<vmem>>, vector<1x512xf32>
    %get3A_6 = vector.shape_cast %get3A_5 : vector<1x512xf32> to vector<512xf32>
    %add3A = arith.addf %get3A_2, %get3A_6 : vector<512xf32>
    %add3A_7 = arith.constant 1.000000e+00 : f32
    %add3A_8 = vector.broadcast %add3A_7 : f32 to vector<512xf32>
    %add3A_9 = arith.addf %add3A, %add3A_8 : vector<512xf32>
    %rsqrt3A = math.rsqrt %add3A_9 : vector<512xf32>
    %get3A_10 = arith.constant 0 : index
    %get3A_11 = arith.constant 0 : index
    %get3A_12 = vector.load %arg2[%get3A_10, %get3A_11] : memref<512x128xf32, #tpu.memory_space<vmem>>, vector<512x128xf32>
    %get3A_13 = arith.constant 0 : index
    %get3A_14 = arith.constant 0 : index
    %get3A_15 = vector.load %arg3[%get3A_13, %get3A_14] : memref<128x128xf32, #tpu.memory_space<vmem>>, vector<128x128xf32>
    %convert_element_type3A = arith.truncf %get3A_12 : vector<512x128xf32> to vector<512x128xbf16>
    %convert_element_type3A_16 = arith.truncf %get3A_15 : vector<128x128xf32> to vector<128x128xbf16>
    %dot_general3A = arith.constant dense<0.000000e+00> : vector<512x128xf32>
    %dot_general3A_17 = tpu.matmul %convert_element_type3A, %convert_element_type3A_16, %dot_general3A {dimension_numbers = #tpu.dot_dimension_numbers<[1], [0], [0], [1], [0, 0, 1, 1], [], []>, transpose_lhs_hint = false} : vector<512x128xbf16>, vector<128x128xbf16>, vector<512x128xf32> -> vector<512x128xf32>
    %get3A_18 = arith.constant 0 : index
    %get3A_19 = vector.load %arg4[%get3A_18] : memref<128xf32, #tpu.memory_space<vmem>>, vector<128xf32>
    %broadcast_in_dim3A = vector.shape_cast %get3A_19 : vector<128xf32> to vector<1x128xf32>
    %add3A_20 = vector.broadcast %broadcast_in_dim3A : vector<1x128xf32> to vector<512x128xf32>
    %add3A_21 = arith.addf %dot_general3A_17, %add3A_20 : vector<512x128xf32>
    %broadcast_in_dim3A_22 = vector.shape_cast %rsqrt3A : vector<512xf32> to vector<512x1xf32>
    %get3A_23 = arith.constant 0 : index
    %get3A_24 = arith.constant 0 : index
    %get3A_25 = vector.load %arg5[%get3A_23, %get3A_24] : memref<128x128xf32, #tpu.memory_space<vmem>>, vector<128x128xf32>
    %convert_element_type3A_26 = arith.truncf %add3A_21 : vector<512x128xf32> to vector<512x128xbf16>
    %convert_element_type3A_27 = arith.truncf %get3A_25 : vector<128x128xf32> to vector<128x128xbf16>
    %dot_general3A_28 = arith.constant dense<0.000000e+00> : vector<512x128xf32>
    %dot_general3A_29 = tpu.matmul %convert_element_type3A_26, %convert_element_type3A_27, %dot_general3A_28 {dimension_numbers = #tpu.dot_dimension_numbers<[1], [0], [0], [1], [0, 0, 1, 1], [], []>, transpose_lhs_hint = false} : vector<512x128xbf16>, vector<128x128xbf16>, vector<512x128xf32> -> vector<512x128xf32>
    %mul3A = vector.broadcast %broadcast_in_dim3A_22 : vector<512x1xf32> to vector<512x128xf32>
    %mul3A_30 = arith.mulf %mul3A, %dot_general3A_29 : vector<512x128xf32>
    %swap3A = arith.constant 0 : index
    %swap3A_31 = arith.constant 0 : index
    %swap3A_32 = vector.load %arg6[%swap3A, %swap3A_31] : memref<512x128xf32, #tpu.memory_space<vmem>>, vector<512x128xf32>
    tpu.vector_store %arg6[%swap3A, %swap3A_31], %mul3A_30 {strides = array<i32>} : memref<512x128xf32, #tpu.memory_space<vmem>>, vector<512x128xf32>,
    return
  }
  func.func @transform_0(%arg0: i32) -> (i32, i32) {
    %c0_i32 = arith.constant 0 : i32
    %c0_i32_0 = arith.constant 0 : i32
    return %c0_i32, %arg0 : i32, i32
  }
  func.func @transform_1(%arg0: i32) -> (i32, i32) {
    %c0_i32 = arith.constant 0 : i32
    %c0_i32_0 = arith.constant 0 : i32
    return %arg0, %c0_i32 : i32, i32
  }
  func.func @transform_2(%arg0: i32) -> (i32, i32) {
    %c0_i32 = arith.constant 0 : i32
    %c0_i32_0 = arith.constant 0 : i32
    %c0_i32_1 = arith.constant 0 : i32
    return %c0_i32, %c0_i32_0 : i32, i32
  }
  func.func @transform_3(%arg0: i32) -> i32 {
    %c0_i32 = arith.constant 0 : i32
    %c0_i32_0 = arith.constant 0 : i32
    return %c0_i32 : i32
  }
  func.func @transform_4(%arg0: i32) -> (i32, i32) {
    %c0_i32 = arith.constant 0 : i32
    %c0_i32_0 = arith.constant 0 : i32
    %c0_i32_1 = arith.constant 0 : i32
    return %c0_i32, %c0_i32_0 : i32, i32
  }
  func.func @transform_5(%arg0: i32) -> (i32, i32) {
    %c0_i32 = arith.constant 0 : i32
    %c0_i32_0 = arith.constant 0 : i32
    return %arg0, %c0_i32 : i32, i32
  }
}

module attributes {stable_mosaic.version = 14 : i64} {
  func.func @body(%arg0: i32, %arg1: memref<2x512xf32, #tpu.memory_space<vmem>>, %arg2: memref<2x512x128xf32, #tpu.memory_space<vmem>>, %arg3: memref<512x128xf32, #tpu.memory_space<vmem>>, %arg4: memref<128xf32, #tpu.memory_space<vmem>>, %arg5: memref<1x128xf32, #tpu.memory_space<vmem>>, %arg6: memref<1xf32, #tpu.memory_space<smem>>, %arg7: memref<512xf32, #tpu.memory_space<vmem>>) attributes {dimension_semantics = [#tpu.dimension_semantics<arbitrary>], iteration_bounds = array<i64: 20>, scalar_prefetch = 0 : i64, scratch_operands = 0 : i64, tpu.core_type = #tpu.core_type<tc>, window_params = [{transform_indices = @transform_0, window_bounds = array<i64: 2, 512>}, {transform_indices = @transform_1, window_bounds = array<i64: 2, 512, 128>}, {transform_indices = @transform_2, window_bounds = array<i64: 512, 128>}, {pipeline_mode = #tpu.pipeline_mode<synchronous>, transform_indices = @transform_3, window_bounds = array<i64: 128>}, {pipeline_mode = #tpu.pipeline_mode<synchronous>, transform_indices = @transform_4, window_bounds = array<i64: 1, 128>}, {transform_indices = @transform_5, window_bounds = array<i64: 1>}, {transform_indices = @transform_6, window_bounds = array<i64: 512>}]} {
    %get3A = arith.constant 0 : index
    %get3A_0 = arith.constant 0 : index
    %get3A_1 = vector.load %arg1[%get3A, %get3A_0] : memref<2x512xf32, #tpu.memory_space<vmem>>, vector<1x512xf32>
    %get3A_2 = vector.shape_cast %get3A_1 : vector<1x512xf32> to vector<512xf32>
    %get3A_3 = arith.constant 1 : index
    %get3A_4 = arith.constant 0 : index
    %get3A_5 = vector.load %arg1[%get3A_3, %get3A_4] : memref<2x512xf32, #tpu.memory_space<vmem>>, vector<1x512xf32>
    %get3A_6 = vector.shape_cast %get3A_5 : vector<1x512xf32> to vector<512xf32>
    %add3A = arith.addf %get3A_2, %get3A_6 : vector<512xf32>
    %add3A_7 = arith.constant 1.000000e+00 : f32
    %add3A_8 = vector.broadcast %add3A_7 : f32 to vector<512xf32>
    %add3A_9 = arith.addf %add3A, %add3A_8 : vector<512xf32>
    %rsqrt3A = math.rsqrt %add3A_9 : vector<512xf32>
    %broadcast_in_dim3A = vector.shape_cast %rsqrt3A : vector<512xf32> to vector<512x1xf32>
    %get3A_10 = arith.constant 0 : index
    %get3A_11 = arith.constant 0 : index
    %get3A_12 = arith.constant 0 : index
    %get3A_13 = vector.load %arg2[%get3A_10, %get3A_11, %get3A_12] : memref<2x512x128xf32, #tpu.memory_space<vmem>>, vector<1x512x128xf32>
    %get3A_14 = vector.shape_cast %get3A_13 : vector<1x512x128xf32> to vector<512x128xf32>
    %get3A_15 = arith.constant 1 : index
    %get3A_16 = arith.constant 0 : index
    %get3A_17 = arith.constant 0 : index
    %get3A_18 = vector.load %arg2[%get3A_15, %get3A_16, %get3A_17] : memref<2x512x128xf32, #tpu.memory_space<vmem>>, vector<1x512x128xf32>
    %get3A_19 = vector.shape_cast %get3A_18 : vector<1x512x128xf32> to vector<512x128xf32>
    %add3A_20 = arith.addf %get3A_14, %get3A_19 : vector<512x128xf32>
    %get3A_21 = arith.constant 0 : index
    %get3A_22 = arith.constant 0 : index
    %get3A_23 = vector.load %arg3[%get3A_21, %get3A_22] : memref<512x128xf32, #tpu.memory_space<vmem>>, vector<512x128xf32>
    %sub3A = arith.subf %add3A_20, %get3A_23 : vector<512x128xf32>
    %mul3A = vector.broadcast %broadcast_in_dim3A : vector<512x1xf32> to vector<512x128xf32>
    %mul3A_24 = arith.mulf %mul3A, %sub3A : vector<512x128xf32>
    %get3A_25 = arith.constant 0 : index
    %get3A_26 = vector.load %arg4[%get3A_25] : memref<128xf32, #tpu.memory_space<vmem>>, vector<128xf32>
    %broadcast_in_dim3A_27 = vector.shape_cast %get3A_26 : vector<128xf32> to vector<1x128xf32>
    %add3A_28 = vector.broadcast %broadcast_in_dim3A_27 : vector<1x128xf32> to vector<512x128xf32>
    %add3A_29 = arith.addf %mul3A_24, %add3A_28 : vector<512x128xf32>
    %convert_element_type3A = arith.truncf %add3A_29 : vector<512x128xf32> to vector<512x128xbf16>
    %convert_element_type3A_30 = arith.extf %convert_element_type3A : vector<512x128xbf16> to vector<512x128xf32>
    %get3A_31 = arith.constant 0 : index
    %get3A_32 = arith.constant 0 : index
    %get3A_33 = vector.load %arg5[%get3A_31, %get3A_32] : memref<1x128xf32, #tpu.memory_space<vmem>>, vector<1x128xf32>
    %convert_element_type3A_34 = arith.truncf %get3A_33 : vector<1x128xf32> to vector<1x128xbf16>
    %convert_element_type3A_35 = arith.extf %convert_element_type3A_34 : vector<1x128xbf16> to vector<1x128xf32>
    %mul3A_36 = vector.broadcast %convert_element_type3A_35 : vector<1x128xf32> to vector<512x128xf32>
    %mul3A_37 = arith.mulf %convert_element_type3A_30, %mul3A_36 : vector<512x128xf32>
    %reduce_sum3A = arith.constant dense<0.000000e+00> : vector<512xf32>
    %reduce_sum3A_38 = vector.multi_reduction <add>, %mul3A_37, %reduce_sum3A [1] : vector<512x128xf32> to vector<512xf32>
    %get3A_39 = arith.constant 0 : index
    %get3A_40 = memref.load %arg6[%get3A_39] : memref<1xf32, #tpu.memory_space<smem>>
    %add3A_41 = vector.broadcast %get3A_40 : f32 to vector<512xf32>
    %add3A_42 = arith.addf %reduce_sum3A_38, %add3A_41 : vector<512xf32>
    %swap3A = arith.constant 0 : index
    %swap3A_43 = vector.load %arg7[%swap3A] : memref<512xf32, #tpu.memory_space<vmem>>, vector<512xf32>
    tpu.vector_store %arg7[%swap3A], %add3A_42 {strides = array<i32>} : memref<512xf32, #tpu.memory_space<vmem>>, vector<512xf32>,
    return
  }
  func.func @transform_0(%arg0: i32) -> (i32, i32) {
    %c0_i32 = arith.constant 0 : i32
    %c0_i32_0 = arith.constant 0 : i32
    return %c0_i32, %arg0 : i32, i32
  }
  func.func @transform_1(%arg0: i32) -> (i32, i32, i32) {
    %c0_i32 = arith.constant 0 : i32
    %c0_i32_0 = arith.constant 0 : i32
    %c0_i32_1 = arith.constant 0 : i32
    return %c0_i32, %arg0, %c0_i32_0 : i32, i32, i32
  }
  func.func @transform_2(%arg0: i32) -> (i32, i32) {
    %c0_i32 = arith.constant 0 : i32
    %c0_i32_0 = arith.constant 0 : i32
    return %arg0, %c0_i32 : i32, i32
  }
  func.func @transform_3(%arg0: i32) -> i32 {
    %c0_i32 = arith.constant 0 : i32
    %c0_i32_0 = arith.constant 0 : i32
    return %c0_i32 : i32
  }
  func.func @transform_4(%arg0: i32) -> (i32, i32) {
    %c0_i32 = arith.constant 0 : i32
    %c0_i32_0 = arith.constant 0 : i32
    %c0_i32_1 = arith.constant 0 : i32
    return %c0_i32, %c0_i32_0 : i32, i32
  }
  func.func @transform_5(%arg0: i32) -> i32 {
    %c0_i32 = arith.constant 0 : i32
    %c0_i32_0 = arith.constant 0 : i32
    return %c0_i32 : i32
  }
  func.func @transform_6(%arg0: i32) -> i32 {
    %c0_i32 = arith.constant 0 : i32
    return %arg0 : i32
  }
}

module attributes {stable_mosaic.version = 14 : i64} {
  func.func @body(%arg0: i32, %arg1: memref<2x512xf32, #tpu.memory_space<vmem>>, %arg2: memref<2x512x128xf32, #tpu.memory_space<vmem>>, %arg3: memref<512x128xf32, #tpu.memory_space<vmem>>, %arg4: memref<128xf32, #tpu.memory_space<vmem>>, %arg5: memref<128x128xf32, #tpu.memory_space<vmem>>, %arg6: memref<512x128xf32, #tpu.memory_space<vmem>>) attributes {dimension_semantics = [#tpu.dimension_semantics<arbitrary>], iteration_bounds = array<i64: 20>, scalar_prefetch = 0 : i64, scratch_operands = 0 : i64, tpu.core_type = #tpu.core_type<tc>, window_params = [{transform_indices = @transform_0, window_bounds = array<i64: 2, 512>}, {transform_indices = @transform_1, window_bounds = array<i64: 2, 512, 128>}, {transform_indices = @transform_2, window_bounds = array<i64: 512, 128>}, {pipeline_mode = #tpu.pipeline_mode<synchronous>, transform_indices = @transform_3, window_bounds = array<i64: 128>}, {pipeline_mode = #tpu.pipeline_mode<synchronous>, transform_indices = @transform_4, window_bounds = array<i64: 128, 128>}, {transform_indices = @transform_5, window_bounds = array<i64: 512, 128>}]} {
    %get3A = arith.constant 0 : index
    %get3A_0 = arith.constant 0 : index
    %get3A_1 = vector.load %arg1[%get3A, %get3A_0] : memref<2x512xf32, #tpu.memory_space<vmem>>, vector<1x512xf32>
    %get3A_2 = vector.shape_cast %get3A_1 : vector<1x512xf32> to vector<512xf32>
    %get3A_3 = arith.constant 1 : index
    %get3A_4 = arith.constant 0 : index
    %get3A_5 = vector.load %arg1[%get3A_3, %get3A_4] : memref<2x512xf32, #tpu.memory_space<vmem>>, vector<1x512xf32>
    %get3A_6 = vector.shape_cast %get3A_5 : vector<1x512xf32> to vector<512xf32>
    %add3A = arith.addf %get3A_2, %get3A_6 : vector<512xf32>
    %add3A_7 = arith.constant 1.000000e+00 : f32
    %add3A_8 = vector.broadcast %add3A_7 : f32 to vector<512xf32>
    %add3A_9 = arith.addf %add3A, %add3A_8 : vector<512xf32>
    %rsqrt3A = math.rsqrt %add3A_9 : vector<512xf32>
    %get3A_10 = arith.constant 0 : index
    %get3A_11 = arith.constant 0 : index
    %get3A_12 = arith.constant 0 : index
    %get3A_13 = vector.load %arg2[%get3A_10, %get3A_11, %get3A_12] : memref<2x512x128xf32, #tpu.memory_space<vmem>>, vector<1x512x128xf32>
    %get3A_14 = vector.shape_cast %get3A_13 : vector<1x512x128xf32> to vector<512x128xf32>
    %get3A_15 = arith.constant 1 : index
    %get3A_16 = arith.constant 0 : index
    %get3A_17 = arith.constant 0 : index
    %get3A_18 = vector.load %arg2[%get3A_15, %get3A_16, %get3A_17] : memref<2x512x128xf32, #tpu.memory_space<vmem>>, vector<1x512x128xf32>
    %get3A_19 = vector.shape_cast %get3A_18 : vector<1x512x128xf32> to vector<512x128xf32>
    %add3A_20 = arith.addf %get3A_14, %get3A_19 : vector<512x128xf32>
    %get3A_21 = arith.constant 0 : index
    %get3A_22 = arith.constant 0 : index
    %get3A_23 = vector.load %arg3[%get3A_21, %get3A_22] : memref<512x128xf32, #tpu.memory_space<vmem>>, vector<512x128xf32>
    %sub3A = arith.subf %add3A_20, %get3A_23 : vector<512x128xf32>
    %broadcast_in_dim3A = vector.shape_cast %rsqrt3A : vector<512xf32> to vector<512x1xf32>
    %mul3A = vector.broadcast %broadcast_in_dim3A : vector<512x1xf32> to vector<512x128xf32>
    %mul3A_24 = arith.mulf %mul3A, %sub3A : vector<512x128xf32>
    %get3A_25 = arith.constant 0 : index
    %get3A_26 = vector.load %arg4[%get3A_25] : memref<128xf32, #tpu.memory_space<vmem>>, vector<128xf32>
    %broadcast_in_dim3A_27 = vector.shape_cast %get3A_26 : vector<128xf32> to vector<1x128xf32>
    %add3A_28 = vector.broadcast %broadcast_in_dim3A_27 : vector<1x128xf32> to vector<512x128xf32>
    %add3A_29 = arith.addf %mul3A_24, %add3A_28 : vector<512x128xf32>
    %max3A = arith.constant 0.000000e+00 : f32
    %max3A_30 = vector.broadcast %max3A : f32 to vector<512x128xf32>
    %max3A_31 = arith.maximumf %add3A_29, %max3A_30 : vector<512x128xf32>
    %broadcast_in_dim3A_32 = vector.shape_cast %rsqrt3A : vector<512xf32> to vector<512x1xf32>
    %get3A_33 = arith.constant 0 : index
    %get3A_34 = arith.constant 0 : index
    %get3A_35 = vector.load %arg5[%get3A_33, %get3A_34] : memref<128x128xf32, #tpu.memory_space<vmem>>, vector<128x128xf32>
    %convert_element_type3A = arith.truncf %max3A_31 : vector<512x128xf32> to vector<512x128xbf16>
    %convert_element_type3A_36 = arith.truncf %get3A_35 : vector<128x128xf32> to vector<128x128xbf16>
    %dot_general3A = arith.constant dense<0.000000e+00> : vector<512x128xf32>
    %dot_general3A_37 = tpu.matmul %convert_element_type3A, %convert_element_type3A_36, %dot_general3A {dimension_numbers = #tpu.dot_dimension_numbers<[1], [0], [0], [1], [0, 0, 1, 1], [], []>, transpose_lhs_hint = false} : vector<512x128xbf16>, vector<128x128xbf16>, vector<512x128xf32> -> vector<512x128xf32>
    %mul3A_38 = vector.broadcast %broadcast_in_dim3A_32 : vector<512x1xf32> to vector<512x128xf32>
    %mul3A_39 = arith.mulf %mul3A_38, %dot_general3A_37 : vector<512x128xf32>
    %swap3A = arith.constant 0 : index
    %swap3A_40 = arith.constant 0 : index
    %swap3A_41 = vector.load %arg6[%swap3A, %swap3A_40] : memref<512x128xf32, #tpu.memory_space<vmem>>, vector<512x128xf32>
    tpu.vector_store %arg6[%swap3A, %swap3A_40], %mul3A_39 {strides = array<i32>} : memref<512x128xf32, #tpu.memory_space<vmem>>, vector<512x128xf32>,
    return
  }
  func.func @transform_0(%arg0: i32) -> (i32, i32) {
    %c0_i32 = arith.constant 0 : i32
    %c0_i32_0 = arith.constant 0 : i32
    return %c0_i32, %arg0 : i32, i32
  }
  func.func @transform_1(%arg0: i32) -> (i32, i32, i32) {
    %c0_i32 = arith.constant 0 : i32
    %c0_i32_0 = arith.constant 0 : i32
    %c0_i32_1 = arith.constant 0 : i32
    return %c0_i32, %arg0, %c0_i32_0 : i32, i32, i32
  }
  func.func @transform_2(%arg0: i32) -> (i32, i32) {
    %c0_i32 = arith.constant 0 : i32
    %c0_i32_0 = arith.constant 0 : i32
    return %arg0, %c0_i32 : i32, i32
  }
  func.func @transform_3(%arg0: i32) -> i32 {
    %c0_i32 = arith.constant 0 : i32
    %c0_i32_0 = arith.constant 0 : i32
    return %c0_i32 : i32
  }
  func.func @transform_4(%arg0: i32) -> (i32, i32) {
    %c0_i32 = arith.constant 0 : i32
    %c0_i32_0 = arith.constant 0 : i32
    %c0_i32_1 = arith.constant 0 : i32
    return %c0_i32, %c0_i32_0 : i32, i32
  }
  func.func @transform_5(%arg0: i32) -> (i32, i32) {
    %c0_i32 = arith.constant 0 : i32
    %c0_i32_0 = arith.constant 0 : i32
    return %arg0, %c0_i32 : i32, i32
  }
}

</mosaic_0001>

<sc_bundles>
// kernel: kernel.10.cloned.1.call-start
scs
__scs_entry_jumppad:
0x0: {  	(pc) =	sbr.rel $0x88, $3  }
0x1: {  	(tag) =	ssettag $0x0;
	lr =	simm.s32 $0x1  }
0x2: {  	[smem:$0x3F95] =	sst lr;
	_ =	strace $0xD0000000  }
0x3: {  	_ = 	snop  }
0x4: {  	_ = 	snop  }
0x5: {  	_ = 	snop  }
0x6: {  	_ = 	snop  }
0x7: {  	_ = 	snop  }
__scs_overlays_trampoline_lowered:
0x8: {  	[smem:$0x3FA4] =	sst s0  }
0x9: {  	[smem:$0x3FA5] =	sst s1  }
0xa: {  	[smem:$0x3FA6] =	sst s2  }
0xb: {  	[smem:$0x3FA7] =	sst s3  }
0xc: {  	[smem:$0x3FA8] =	sst s4  }
0xd: {  	[smem:$0x3FA9] =	sst s5  }
0xe: {  	[smem:$0x3FAA] =	sst s6  }
0xf: {  	[smem:$0x3FAB] =	sst s7  }
0x10: {  	[smem:$0x3FAC] =	sst s8  }
0x11: {  	[smem:$0x3FAD] =	sst s9;
	s0 =	simm.s32 @!p0 $0x0  }
0x12: {  	s1 =	sld [smem:$0x3F93];
	s0 =	simm.s32 @p0 $0x1  }
0x13: {  	[smem:$0x3FAE] =	sst s0;
	s0 =	simm.s32 @!p1 $0x0  }
0x14: {  	s2 =	sld [smem:$0x3F92];
	s0 =	simm.s32 @p1 $0x1  }
0x15: {  	[smem:$0x3FAF] =	sst s0;
	s0 =	simm.s32 @!p2 $0x0  }
0x16: {  	s3 =	sld [smem:$0x3FDB];
	s0 =	simm.s32 @p2 $0x1  }
0x17: {  	s4 =	simm.s32 $0x1BF5;
	[smem:$0x3FB1] =	sst s0  }
0x18: {  	s0 =	sld [smem:$0x3F94];
	_ =	swait.ge [sflag:s4], $0x0  }
0x19: {  	s7 =	sld [smem:$0x3F95]  }
0x1a: {  	s8 =	sadd.s32 $0xFFFFE003, lr  }
0x1b: {  	s9 =	sadd.s32 $0xFFFFFEF7, lr;
	s5 =	simm.s32 $0xFFFFFFFF;
	p2 =	slt.u32 s8, $0xFFFFF086  }
0x1c: {  	p1 =	slt.u32 s9, $0xF7A;
	s5 =	simm.s32 @!p2 $0x0  }
0x1d: {  	s5 =	simm.s32 @p1 $0x1;
	p0 =	seq.s32 s7, s2  }
0x1e: {  	s7 =	smul.u32 @!p0 $0xF7A, s2;
	p2 =	seq.s32 @!p0 s5, $0x0  }
0x1f: {  	s9 =	smul.u32 $0xF7A, s1;
	s8 =	simm.s32 @!p0 $0x1BF5;
	p2 =	por !p2, p0  }
0x20: {  	[sflag:s8] =	ssyncset.s32 @!p0 $0xFFFFF086;
	s6 =	sadd.s32 @!p0 s3, s7;
	s7 =	simm.s32 @!p0 $0x108  }
0x21: {  	s3 =	sadd.s32 s3, s9;
	s6 =	sadd.s32 @!p0 $0x88, s6;
	s7 =	simm.s32 @p2 $0x1082  }
0x22: {  	[simem:s7], [sflag:s8] =	dma.local @!p0 [hbm:s6], $0xF7A  }
0x23: {  	s9 =	sor.u32 $0xD0000000, s2;
	s6 =	simm.s32 $0x108;
	_ =	swait.ge @!p0 [sflag:s8], $0x0  }
0x24: {  	s3 =	sadd.s32 $0x88, s3;
	s6 =	simm.s32 @!p1 $0x1082;
	[sflag:s4] =	ssyncset.s32 $0xFFFFF086  }
0x25: {  	[simem:s6], [sflag:s4] =	dma.local [hbm:s3], $0xF7A  }
0x26: {  	[smem:$0x3F95] =	sst s1;
	(tag) =	ssettag s2;
	_ =	strace s9  }
0x27: {  	s1 =	sld [smem:$0x3FA5]  }
0x28: {  	s2 =	sld [smem:$0x3FA6]  }
0x29: {  	s4 =	sld [smem:$0x3FA8]  }
0x2a: {  	p0 =	seq.s32 s5, $0x0;
	s5 =	sld [smem:$0x3FA9]  }
0x2b: {  	s6 =	sld [smem:$0x3FAA]  }
0x2c: {  	s7 =	sld [smem:$0x3FAB]  }
0x2d: {  	s3 =	simm.s32 $0x108;
	s8 =	sld [smem:$0x3FAC]  }
0x2e: {  	s3 =	simm.s32 @!p0 $0x1082;
	s9 =	sld [smem:$0x3FAD]  }
0x2f: {  	lr =	sadd.s32 s0, s3;
	s0 =	sld [smem:$0x3FA4]  }
0x30: {  	s3 =	sld [smem:$0x3FA7]  }
0x31: {  	[smem:$0x3FB0] =	sst s10  }
0x32: {  	s10 =	sld [smem:$0x3FAE];
	_ =	sdelay $0x3  }
0x33: {  	p0 =	seq.s32 s10, $0x1;
	s10 =	sld [smem:$0x3FB0];
	_ =	sdelay $0x3  }
0x34: {  	[smem:$0x3FB0] =	sst s10  }
0x35: {  	s10 =	sld [smem:$0x3FAF];
	_ =	sdelay $0x3  }
0x36: {  	p1 =	seq.s32 s10, $0x1;
	s10 =	sld [smem:$0x3FB0];
	_ =	sdelay $0x3  }
0x37: {  	[smem:$0x3FB0] =	sst s10  }
0x38: {  	s10 =	sld [smem:$0x3FB1]  }
0x39: {  	_ = 	snop;
	(pc) =	sbr.ind lr, $3  }
0x3a: {  	_ = 	snop  }
0x3b: {  	_ = 	snop  }
0x3c: {  	p2 =	seq.s32 s10, $0x1;
	s10 =	sld [smem:$0x3FB0]  }
0x3d: {  	_ =	shalt  }
0x3e: {  	_ =	shalt  }
0x3f: {  	_ =	shalt  }
0x40: {  	_ =	shalt  }
0x41: {  	_ =	shalt  }
0x42: {  	_ =	shalt  }
0x43: {  	_ =	shalt  }
0x44: {  	_ =	shalt  }
0x45: {  	_ =	shalt  }
0x46: {  	_ =	shalt  }
0x47: {  	_ =	shalt  }
0x48: {  	_ =	shalt  }
0x49: {  	_ =	shalt  }
0x4a: {  	_ =	shalt  }
0x4b: {  	_ =	shalt  }
0x4c: {  	_ =	shalt  }
0x4d: {  	_ =	shalt  }
0x4e: {  	_ =	shalt  }
0x4f: {  	_ =	shalt  }
0x50: {  	_ =	shalt  }
0x51: {  	_ =	shalt  }
0x52: {  	_ =	shalt  }
0x53: {  	_ =	shalt  }
0x54: {  	_ =	shalt  }
0x55: {  	_ =	shalt  }
0x56: {  	_ =	shalt  }
0x57: {  	_ =	shalt  }
0x58: {  	_ =	shalt  }
0x59: {  	_ =	shalt  }
0x5a: {  	_ =	shalt  }
0x5b: {  	_ =	shalt  }
0x5c: {  	_ =	shalt  }
0x5d: {  	_ =	shalt  }
0x5e: {  	_ =	shalt  }
0x5f: {  	_ =	shalt  }
0x60: {  	_ =	shalt  }
0x61: {  	_ =	shalt  }
0x62: {  	_ =	shalt  }
0x63: {  	_ =	shalt  }
0x64: {  	_ =	shalt  }
0x65: {  	_ =	shalt  }
0x66: {  	_ =	shalt  }
0x67: {  	_ =	shalt  }
0x68: {  	_ =	shalt  }
0x69: {  	_ =	shalt  }
0x6a: {  	_ =	shalt  }
0x6b: {  	_ =	shalt  }
0x6c: {  	_ =	shalt  }
0x6d: {  	_ =	shalt  }
0x6e: {  	_ =	shalt  }
0x6f: {  	_ =	shalt  }
0x70: {  	_ =	shalt  }
0x71: {  	_ =	shalt  }
0x72: {  	_ =	shalt  }
0x73: {  	_ =	shalt  }
0x74: {  	_ =	shalt  }
0x75: {  	_ =	shalt  }
0x76: {  	_ =	shalt  }
0x77: {  	_ =	shalt  }
0x78: {  	_ =	shalt  }
0x79: {  	_ =	shalt  }
0x7a: {  	_ =	shalt  }
0x7b: {  	_ =	shalt  }
0x7c: {  	_ =	shalt  }
0x7d: {  	_ =	shalt  }
0x7e: {  	_ =	shalt  }
0x7f: {  	_ =	shalt  }
0x80: {  	_ =	shalt  }
0x81: {  	_ =	shalt  }
0x82: {  	_ =	shalt  }
0x83: {  	_ =	shalt  }
0x84: {  	_ =	shalt  }
0x85: {  	_ =	shalt  }
0x86: {  	_ =	shalt  }
0x87: {  	_ =	shalt  }
.Lfunc_end0:
.L_simem_size_0:
called_computation_lowered:
.L_overlay_start_0:
0x88: {  	s2 =	sld [smem:$0x3FD9]  }
0x89: {  	s3 =	sld [smem:$0x3FFE];
	_ =	sdelay $0x1  }
0x8a: {  	s1 =	srdreg.scid  }
0x8b: {  	s0 =	sand.u32 $0x1, s1  }
0x8c: {  	s16 =	sshll.u32 s0, $0xA;
	s2 =	sadd.s32 s3, s2  }
0x8d: {  	s2 =	sadd.s32 s2, s16  }
0x8e: {  	[smem:$0x3FBC] =	sst s2  }
0x8f: {  	_ = 	snop  }
0x90: {  	(tm) =	ssettm $0x1  }
0x91: {  	s17 =	sld [smem:$0x3FFB];
	_ =	sdelay $0x3  }
0x92: {  	_ =	strace s17  }
0x93: {  	s2 =	sld [smem:$0x3FFC];
	_ =	sdelay $0x3  }
0x94: {  	_ =	strace s2  }
0x95: {  	s2 =	sld [smem:$0x3FFD];
	_ =	sdelay $0x3  }
0x96: {  	_ =	strace s2  }
0x97: {  	_ =	strace $0x8FFFFFFF  }
0x98: {  	s18 =	sld [smem:$0x3FDB];
	_ =	sdelay $0x1  }
0x99: {  	s19 =	simm.s32 $_scs_section_size  }
0x9a: {  	s4 =	simm.s32 $_size__tile_overlayer_lowered;
	s5 =	simm.s32 $_tile_overlayer_lowered  }
0x9b: {  	s22 =	simm.s32 $0x1BFF;
	s21 =	sshll.u32 s5, $0x1;
	s2 =	sadd.s32 s19, s18  }
0x9c: {  	s6 =	simm.s32 $0x0;
	s20 =	sshll.u32 s4, $0x1;
	s4 =	sadd.s32 s21, s2  }
0x9d: {  	[timem:s6], [sflag:s22] =	dma.local [hbm:s4], s20  }
0x9e: {  	_ =	swait.ge [sflag:s22], s20  }
0x9f: {  	s3 =	ssub.s32 $0x0, s20;
	[sflag:s22] =	ssyncset.done $0x0  }
0xa0: {  	[sflag:s22] =	ssyncadd.s32 s3;
	_ =	sdelay $0x1  }
0xa1: {  	s23 =	simm.s32 $0x1B8B  }
0xa2: {  	_ =	swait.ge [sflag:s23], $0x1  }
0xa3: {  	[sflag:s23] =	ssyncset.done $0x0  }
0xa4: {  	s25 =	simm.s32 $0x1B8E;
	s24 =	sld [smem:$0x3FFE];
	[sflag:s23] =	ssyncadd.s32 $0xFFFFFFFF  }
0xa5: {  	s26 =	simm.s32 $execute0_lowered;
	[smem:$0x3FD2] =	sst s25  }
0xa6: {  	s4 =	sshll.u32 s26, $0x1;
	_ =	strace $0x80000046;
	[dreg:$0x1] =	wrdreg $0xFFFFFFFF  }
0xa7: {  	s28 =	simm.s32 $_size_execute0_lowered;
	s2 =	sadd.s32 s2, s4;
	[dreg:$0x0] =	wrdreg $0x0  }
0xa8: {  	s4 =	sshll.u32 s28, $0x1;
	[dreg:$0x2] =	wrdreg s2  }
0xa9: {  	[dreg:$0x3] =	wrdreg s4  }
0xaa: {  	[dreg:$0x4] =	wrdreg $0xC0  }
0xab: {  	_ =	task [dreg:s6], $0x5FFFF  }
0xac: {  	[dreg:$0x1] =	wrdreg $0xFFFFFFFF  }
0xad: {  	[dreg:$0x0] =	wrdreg $0x60  }
0xae: {  	[dreg:$0x2] =	wrdreg s24  }
0xaf: {  	[dreg:$0x3] =	wrdreg $0x2B000  }
0xb0: {  	[dreg:$0x4] =	wrdreg $0x9  }
0xb1: {  	_ =	task.clear_ibuf [dreg:s6], $0x5FFFF;
	_ =	strace $0x90000046  }
0xb2: {  	s29 =	simm.s32 $0x9;
	_ =	strace $0x80000048  }
0xb3: {  	_ =	swait.ge [sflag:s29], $0x1  }
0xb4: {  	[sflag:s29] =	ssyncadd.s32 $0xFFFFFFFF  }
0xb5: {  	_ =	strace $0x90000048  }
0xb6: {  	_ =	sfence  }
0xb7: {  	s30 =	sld [smem:$0x0];
	_ =	sdelay $0x2  }
0xb8: {  	s31 =	sshll.u32 s1, $0xD;
	s1 =	sshrl.u32 s1, $0x2  }
0xb9: {  	s3 =	sand.u32 $0x4000, s31;
	s1 =	sadd.s32 s1, s30  }
0xba: {  	s0 =	sor.u32 s3, s0;
	s1 =	sshll.u32 s1, $0x11  }
0xbb: {  	s0 =	sor.u32 s1, s0  }
0xbc: {  	s0 =	sadd.s32 $0x8F2B, s0  }
0xbd: {  	[sflag:s0] =	ssyncadd.remote.s32 $0x1  }
0xbe: {  	_ =	sfence.sel $0xFFFF  }
0xbf: {  	[dreg:$0x0] =	wrdreg $0xFFFFFFFF;
	(pc) =	sbr.abs _section_cstart, $3  }
0xc0: {  	[dreg:$0x1] =	wrdreg $0xFFFFFFFF  }
0xc1: {  	_ =	task.clear_ibuf [dreg:s6], $0x2FFFF;
	_ =	strace $0x9FFFFFFF  }
0xc2: {  	(tm) =	ssettm $0x7FFFFFFF  }
0xc3: {  	_ =	shalt  }
tec
execute0_lowered:
.L_overlay_start_1:
0x0: {  	(tag) =	ssettag $0x1  }
0x1: {  	s4 =	rddreg [dreg:$0x0];
	s0 =	srdreg.scid  }
0x2: {  	s2 =	rddreg [dreg:$0x1];
	s1 =	stileid.u32  }
0x3: {  	s3 =	simm.s32 $0x0;
	s10 =	simm.s32 $0x80;
	s11 =	simm.s32 $0x2800  }
0x4: {  	s14 =	simm.s32 $0x20;
	s15 =	simm.s32 $0x10;
	s16 =	simm.s32 $0x0  }
0x5: {  	s5 =	sand.u32 $0x1, s0;
	s0 =	rddreg [dreg:$0x2];
	s7 =	smul.u32 $0x500, s1  }
0x6: {  	[smem:$0x7FF] =	sst s3;
	s30 =	smul.u32 $0xA00, s1;
	s12 =	sshll.u32 s1, $0x6  }
0x7: {  	s6 =	sshll.u32 s5, $0x4;
	s8 =	sshll.u32 s5, $0x7;
	_ =	strace $0x80000047  }
0x8: {  	s5 =	ssub.s32 $0x2, s5;
	s12 =	sor.u32 $0x1C01, s12;
	s6 =	sor.u32 s1, s6  }
0x9: {  	s7 =	sor.u32 s8, s7;
	s31 =	sshrl.u32 s5, $0x1;
	s6 =	smul.u32 $0x500, s6  }
0xa: {  	s8 =	sshrl.u32 s30, $0x2;
	s7 =	sshrl.u32 s7, $0x3;
	s9 =	ssub.s32 s5, s31  }
0xb: {  	s5 =	sadd.s32 s8, s2;
	s8 =	simm.s32 $0x1;
	s6 =	sadd.s32 s6, s4  }
0xc: {  	s7 =	sadd.s32 s7, s4;
	s13 =	sshrl.u32 s5, $0x3;
	s4 =	sadd.s32 $0x3E00, s6  }
0xd: {  	v0 =	vimm.f32 $1.000000000e+00;
	v1 =	vimm.f32 $0.0e+00;
	s6 =	sadd.s32 $0x17E00, s7;
	s7 =	smax.u32 s9, $0x1;
	s9 =	simm.s32 $0x2880  }
.LBB2_1:
0xe: {  	[tilespmem:s3], [sflag:$0x1] =	stream.linear.gather [hbm4b:s4+s3], $0x2800, $0x38;
	[tilespmem:$0x2D80] =	vst v63  }
0xf: {  	_ =	swait.ge [sflag:s8], $0x2800  }
0x10: {  	[sflag:s8] =	ssyncset.done $0x0  }
0x11: {  	[sflag:s8] =	ssyncadd.s32 $0xFFFFD800  }
0x12: {  	[tilespmem:$0x2800] =	vst v0  }
0x13: {  	[tilespmem:$0x2810] =	vst v0  }
0x14: {  	[tilespmem:$0x2820] =	vst v0  }
0x15: {  	[tilespmem:$0x2830] =	vst v0  }
0x16: {  	[tilespmem:$0x2840] =	vst v0  }
0x17: {  	[tilespmem:$0x2850] =	vst v0  }
0x18: {  	[tilespmem:$0x2860] =	vst v0  }
0x19: {  	[tilespmem:$0x2870] =	vst v0  }
0x1a: {  	[tilespmem:$0x2880] =	vst v1  }
0x1b: {  	[tilespmem:$0x2890] =	vst v1  }
0x1c: {  	[tilespmem:$0x28A0] =	vst v1  }
0x1d: {  	[tilespmem:$0x28B0] =	vst v1  }
0x1e: {  	[tilespmem:$0x28C0] =	vst v1  }
0x1f: {  	[tilespmem:$0x28D0] =	vst v1  }
0x20: {  	[tilespmem:$0x28E0] =	vst v1  }
0x21: {  	[tilespmem:$0x28F0] =	vst v1  }
0x22: {  	[tilespmem:$0x2900] =	vst v1  }
0x23: {  	[tilespmem:$0x2910] =	vst v1  }
0x24: {  	[tilespmem:$0x2920] =	vst v1  }
0x25: {  	[tilespmem:$0x2930] =	vst v1  }
0x26: {  	[tilespmem:$0x2940] =	vst v1  }
0x27: {  	[tilespmem:$0x2950] =	vst v1  }
0x28: {  	[tilespmem:$0x2960] =	vst v1  }
0x29: {  	[tilespmem:$0x2970] =	vst v1  }
0x2a: {  	[tilespmem:$0x2980] =	vst v1  }
0x2b: {  	[tilespmem:$0x2990] =	vst v1  }
0x2c: {  	[tilespmem:$0x29A0] =	vst v1  }
0x2d: {  	[tilespmem:$0x29B0] =	vst v1  }
0x2e: {  	[tilespmem:$0x29C0] =	vst v1  }
0x2f: {  	[tilespmem:$0x29D0] =	vst v1  }
0x30: {  	[tilespmem:$0x29E0] =	vst v1  }
0x31: {  	[tilespmem:$0x29F0] =	vst v1  }
0x32: {  	[tilespmem:$0x2A00] =	vst v1  }
0x33: {  	[tilespmem:$0x2A10] =	vst v1  }
0x34: {  	[tilespmem:$0x2A20] =	vst v1  }
0x35: {  	[tilespmem:$0x2A30] =	vst v1  }
0x36: {  	[tilespmem:$0x2A40] =	vst v1  }
0x37: {  	[tilespmem:$0x2A50] =	vst v1  }
0x38: {  	[tilespmem:$0x2A60] =	vst v1  }
0x39: {  	[tilespmem:$0x2A70] =	vst v1  }
0x3a: {  	[tilespmem:$0x2A80] =	vst v1  }
0x3b: {  	[tilespmem:$0x2A90] =	vst v1  }
0x3c: {  	[tilespmem:$0x2AA0] =	vst v1  }
0x3d: {  	[tilespmem:$0x2AB0] =	vst v1  }
0x3e: {  	[tilespmem:$0x2AC0] =	vst v1  }
0x3f: {  	[tilespmem:$0x2AD0] =	vst v1  }
0x40: {  	[tilespmem:$0x2AE0] =	vst v1  }
0x41: {  	[tilespmem:$0x2AF0] =	vst v1  }
0x42: {  	[spmem:s5] =	stream.linear.scatter [tilespmem:s9], [sflag:$0x1], $0x280, $0x38;
	[tilespmem:$0x2D80] =	vst v63  }
0x43: {  	_ =	swait.ge [sflag:s8], $0x280  }
0x44: {  	[sflag:s8] =	ssyncset.done $0x0  }
0x45: {  	[sflag:s8] =	ssyncadd.s32 $0xFFFFFD80  }
0x46: {  	s17 =	simm.s32 $0x0;
	[bflag:$0x0] =	sbarrier.arrive $0xFFFF  }
0x47: {  	[spmem:s2] =	stream.indirect.scatter.add.f32 [tilespmem:s11], [sflag:$0x1], $0x1, s17, s10, $0xb8;
	[tilespmem:$0x2D80] =	vst v63  }
0x48: {  	_ =	swait.ge [sflag:s8], $0x80  }
0x49: {  	s17 =	simm.s32 $0x200;
	[sflag:s8] =	ssyncset.done $0x0  }
.LBB2_2:
0x4a: {  	s18 =	sshra.s32 s17, $0x2;
	[sflag:s8] =	ssyncadd.s32 $0xFFFFFF80;
	p0 =	sne.s32 s17, $0x9E00  }
0x4b: {  	[spmem:s2] =	stream.indirect.scatter.add.f32 [tilespmem:s11], [sflag:$0x1], $0x1, s18, s10, $0xb8;
	[tilespmem:$0x2D80] =	vst v63  }
.Ltmp0:
0x4c: {  	_ = 	snop;
	(pc) =	sbr.rel @p0 .LBB2_2-.Ltmp0, $4  }
0x4d: {  	_ = 	snop  }
0x4e: {  	s17 =	sadd.s32 $0x200, s17  }
0x4f: {  	_ =	swait.ge [sflag:s8], $0x80  }
0x50: {  	[sflag:s8] =	ssyncset.done $0x0  }
0x51: {  	s16 =	sadd.s32 $0x1, s16  }
0x52: {  	[sflag:s8] =	ssyncadd.s32 $0xFFFFFF80;
	p0 =	sne.s32 s16, s7  }
.Ltmp1:
0x53: {  	[bflag:$0x0] =	sbarrier.arrive $0xFFFF;
	(pc) =	sbr.rel @p0 .LBB2_1-.Ltmp1, $4  }
0x54: {  	[hbm:s6@s14], [sflag:s12] =	dma.strided [spmem:s13@s15], $0x50, s8, $0x10   }
0x55: {  	_ =	swait.ge [sflag:s8], $0x50  }
0x56: {  	[sflag:s8] =	ssyncset.done $0x0  }
0x57: {  	[sflag:s8] =	ssyncadd.s32 $0xFFFFFFB0  }
0x58: {  	_ =	sfence.sel $0x180000  }
0x59: {  	[bflag:$0x0] =	sbarrier.arrive $0xFFFF  }
0x5a: {  	p0 =	sne.s32 s1, $0x0;
	_ =	strace $0x90000047  }
0x5b: {  	s0 =	sadd.s32 @!p0 $0x100000, s0;
	[bflag:$0x2] =	sbarrier.arrive $0xFFFF  }
0x5c: {  	[sflag:s0] =	ssyncadd.tile.s32 @!p0 $0x1;
	_ =	shalt  }
.Lfunc_end2:
_tile_overlayer_lowered:
.L_overlay_start_2:
0x5d: {  	(tag) =	ssettag $0x2  }
0x5e: {  	s0 =	rddreg [dreg:$0x0];
	s2 =	stileid.u32  }
0x5f: {  	s1 =	rddreg [dreg:$0x1];
	p0 =	sne.s32 s2, $0x0  }
0x60: {  	s3 =	rddreg [dreg:$0x2];
	[bflag:$0x3] =	sbarrier.arrive $0xFFFF;
	s2 =	simm.s32 @!p0 $0x1C01  }
0x61: {  	[timem:s3], [sflag:s2] =	dma.local @!p0 [hbm:s0], s1  }
0x62: {  	s0 =	simm.s32 @!p0 $0x1  }
0x63: {  	_ =	swait.ge @!p0 [sflag:s0], s1  }
0x64: {  	s1 =	ssub.s32 @!p0 $0x0, s1;
	[sflag:s0] =	ssyncset.done @!p0 $0x0  }
0x65: {  	[sflag:s0] =	ssyncadd.s32 @!p0 s1  }
0x66: {  	[bflag:$0x3] =	sbarrier.arrive $0xFFFF  }
0x67: {  	_ =	shalt  }

// kernel: kernel.13.cloned.1.call-start
scs
__scs_entry_jumppad:
0x0: {  	(pc) =	sbr.rel $0x88, $3  }
0x1: {  	(tag) =	ssettag $0x0;
	lr =	simm.s32 $0x1  }
0x2: {  	[smem:$0x3F95] =	sst lr;
	_ =	strace $0xD0000000  }
0x3: {  	_ = 	snop  }
0x4: {  	_ = 	snop  }
0x5: {  	_ = 	snop  }
0x6: {  	_ = 	snop  }
0x7: {  	_ = 	snop  }
__scs_overlays_trampoline_lowered:
0x8: {  	[smem:$0x3FA4] =	sst s0  }
0x9: {  	[smem:$0x3FA5] =	sst s1  }
0xa: {  	[smem:$0x3FA6] =	sst s2  }
0xb: {  	[smem:$0x3FA7] =	sst s3  }
0xc: {  	[smem:$0x3FA8] =	sst s4  }
0xd: {  	[smem:$0x3FA9] =	sst s5  }
0xe: {  	[smem:$0x3FAA] =	sst s6  }
0xf: {  	[smem:$0x3FAB] =	sst s7  }
0x10: {  	[smem:$0x3FAC] =	sst s8  }
0x11: {  	[smem:$0x3FAD] =	sst s9;
	s0 =	simm.s32 @!p0 $0x0  }
0x12: {  	s1 =	sld [smem:$0x3F93];
	s0 =	simm.s32 @p0 $0x1  }
0x13: {  	[smem:$0x3FAE] =	sst s0;
	s0 =	simm.s32 @!p1 $0x0  }
0x14: {  	s2 =	sld [smem:$0x3F92];
	s0 =	simm.s32 @p1 $0x1  }
0x15: {  	[smem:$0x3FAF] =	sst s0;
	s0 =	simm.s32 @!p2 $0x0  }
0x16: {  	s3 =	sld [smem:$0x3FDB];
	s0 =	simm.s32 @p2 $0x1  }
0x17: {  	s4 =	simm.s32 $0x1BF5;
	[smem:$0x3FB1] =	sst s0  }
0x18: {  	s0 =	sld [smem:$0x3F94];
	_ =	swait.ge [sflag:s4], $0x0  }
0x19: {  	s7 =	sld [smem:$0x3F95]  }
0x1a: {  	s8 =	sadd.s32 $0xFFFFE003, lr  }
0x1b: {  	s9 =	sadd.s32 $0xFFFFFEF7, lr;
	s5 =	simm.s32 $0xFFFFFFFF;
	p2 =	slt.u32 s8, $0xFFFFF086  }
0x1c: {  	p1 =	slt.u32 s9, $0xF7A;
	s5 =	simm.s32 @!p2 $0x0  }
0x1d: {  	s5 =	simm.s32 @p1 $0x1;
	p0 =	seq.s32 s7, s2  }
0x1e: {  	s7 =	smul.u32 @!p0 $0xF7A, s2;
	p2 =	seq.s32 @!p0 s5, $0x0  }
0x1f: {  	s9 =	smul.u32 $0xF7A, s1;
	s8 =	simm.s32 @!p0 $0x1BF5;
	p2 =	por !p2, p0  }
0x20: {  	[sflag:s8] =	ssyncset.s32 @!p0 $0xFFFFF086;
	s6 =	sadd.s32 @!p0 s3, s7;
	s7 =	simm.s32 @!p0 $0x108  }
0x21: {  	s3 =	sadd.s32 s3, s9;
	s6 =	sadd.s32 @!p0 $0x88, s6;
	s7 =	simm.s32 @p2 $0x1082  }
0x22: {  	[simem:s7], [sflag:s8] =	dma.local @!p0 [hbm:s6], $0xF7A  }
0x23: {  	s9 =	sor.u32 $0xD0000000, s2;
	s6 =	simm.s32 $0x108;
	_ =	swait.ge @!p0 [sflag:s8], $0x0  }
0x24: {  	s3 =	sadd.s32 $0x88, s3;
	s6 =	simm.s32 @!p1 $0x1082;
	[sflag:s4] =	ssyncset.s32 $0xFFFFF086  }
0x25: {  	[simem:s6], [sflag:s4] =	dma.local [hbm:s3], $0xF7A  }
0x26: {  	[smem:$0x3F95] =	sst s1;
	(tag) =	ssettag s2;
	_ =	strace s9  }
0x27: {  	s1 =	sld [smem:$0x3FA5]  }
0x28: {  	s2 =	sld [smem:$0x3FA6]  }
0x29: {  	s4 =	sld [smem:$0x3FA8]  }
0x2a: {  	p0 =	seq.s32 s5, $0x0;
	s5 =	sld [smem:$0x3FA9]  }
0x2b: {  	s6 =	sld [smem:$0x3FAA]  }
0x2c: {  	s7 =	sld [smem:$0x3FAB]  }
0x2d: {  	s3 =	simm.s32 $0x108;
	s8 =	sld [smem:$0x3FAC]  }
0x2e: {  	s3 =	simm.s32 @!p0 $0x1082;
	s9 =	sld [smem:$0x3FAD]  }
0x2f: {  	lr =	sadd.s32 s0, s3;
	s0 =	sld [smem:$0x3FA4]  }
0x30: {  	s3 =	sld [smem:$0x3FA7]  }
0x31: {  	[smem:$0x3FB0] =	sst s10  }
0x32: {  	s10 =	sld [smem:$0x3FAE];
	_ =	sdelay $0x3  }
0x33: {  	p0 =	seq.s32 s10, $0x1;
	s10 =	sld [smem:$0x3FB0];
	_ =	sdelay $0x3  }
0x34: {  	[smem:$0x3FB0] =	sst s10  }
0x35: {  	s10 =	sld [smem:$0x3FAF];
	_ =	sdelay $0x3  }
0x36: {  	p1 =	seq.s32 s10, $0x1;
	s10 =	sld [smem:$0x3FB0];
	_ =	sdelay $0x3  }
0x37: {  	[smem:$0x3FB0] =	sst s10  }
0x38: {  	s10 =	sld [smem:$0x3FB1]  }
0x39: {  	_ = 	snop;
	(pc) =	sbr.ind lr, $3  }
0x3a: {  	_ = 	snop  }
0x3b: {  	_ = 	snop  }
0x3c: {  	p2 =	seq.s32 s10, $0x1;
	s10 =	sld [smem:$0x3FB0]  }
0x3d: {  	_ =	shalt  }
0x3e: {  	_ =	shalt  }
0x3f: {  	_ =	shalt  }
0x40: {  	_ =	shalt  }
0x41: {  	_ =	shalt  }
0x42: {  	_ =	shalt  }
0x43: {  	_ =	shalt  }
0x44: {  	_ =	shalt  }
0x45: {  	_ =	shalt  }
0x46: {  	_ =	shalt  }
0x47: {  	_ =	shalt  }
0x48: {  	_ =	shalt  }
0x49: {  	_ =	shalt  }
0x4a: {  	_ =	shalt  }
0x4b: {  	_ =	shalt  }
0x4c: {  	_ =	shalt  }
0x4d: {  	_ =	shalt  }
0x4e: {  	_ =	shalt  }
0x4f: {  	_ =	shalt  }
0x50: {  	_ =	shalt  }
0x51: {  	_ =	shalt  }
0x52: {  	_ =	shalt  }
0x53: {  	_ =	shalt  }
0x54: {  	_ =	shalt  }
0x55: {  	_ =	shalt  }
0x56: {  	_ =	shalt  }
0x57: {  	_ =	shalt  }
0x58: {  	_ =	shalt  }
0x59: {  	_ =	shalt  }
0x5a: {  	_ =	shalt  }
0x5b: {  	_ =	shalt  }
0x5c: {  	_ =	shalt  }
0x5d: {  	_ =	shalt  }
0x5e: {  	_ =	shalt  }
0x5f: {  	_ =	shalt  }
0x60: {  	_ =	shalt  }
0x61: {  	_ =	shalt  }
0x62: {  	_ =	shalt  }
0x63: {  	_ =	shalt  }
0x64: {  	_ =	shalt  }
0x65: {  	_ =	shalt  }
0x66: {  	_ =	shalt  }
0x67: {  	_ =	shalt  }
0x68: {  	_ =	shalt  }
0x69: {  	_ =	shalt  }
0x6a: {  	_ =	shalt  }
0x6b: {  	_ =	shalt  }
0x6c: {  	_ =	shalt  }
0x6d: {  	_ =	shalt  }
0x6e: {  	_ =	shalt  }
0x6f: {  	_ =	shalt  }
0x70: {  	_ =	shalt  }
0x71: {  	_ =	shalt  }
0x72: {  	_ =	shalt  }
0x73: {  	_ =	shalt  }
0x74: {  	_ =	shalt  }
0x75: {  	_ =	shalt  }
0x76: {  	_ =	shalt  }
0x77: {  	_ =	shalt  }
0x78: {  	_ =	shalt  }
0x79: {  	_ =	shalt  }
0x7a: {  	_ =	shalt  }
0x7b: {  	_ =	shalt  }
0x7c: {  	_ =	shalt  }
0x7d: {  	_ =	shalt  }
0x7e: {  	_ =	shalt  }
0x7f: {  	_ =	shalt  }
0x80: {  	_ =	shalt  }
0x81: {  	_ =	shalt  }
0x82: {  	_ =	shalt  }
0x83: {  	_ =	shalt  }
0x84: {  	_ =	shalt  }
0x85: {  	_ =	shalt  }
0x86: {  	_ =	shalt  }
0x87: {  	_ =	shalt  }
.Lfunc_end0:
.L_simem_size_0:
called_computation.1_lowered:
.L_overlay_start_0:
0x88: {  	s2 =	sld [smem:$0x3FD9]  }
0x89: {  	s3 =	sld [smem:$0x3FFE];
	_ =	sdelay $0x1  }
0x8a: {  	s1 =	srdreg.scid  }
0x8b: {  	s0 =	sand.u32 $0x1, s1  }
0x8c: {  	s16 =	sshll.u32 s0, $0xA;
	s2 =	sadd.s32 s3, s2  }
0x8d: {  	s2 =	sadd.s32 s2, s16  }
0x8e: {  	[smem:$0x3FBC] =	sst s2  }
0x8f: {  	_ = 	snop  }
0x90: {  	(tm) =	ssettm $0x1  }
0x91: {  	s17 =	sld [smem:$0x3FFB];
	_ =	sdelay $0x3  }
0x92: {  	_ =	strace s17  }
0x93: {  	s2 =	sld [smem:$0x3FFC];
	_ =	sdelay $0x3  }
0x94: {  	_ =	strace s2  }
0x95: {  	s2 =	sld [smem:$0x3FFD];
	_ =	sdelay $0x3  }
0x96: {  	_ =	strace s2  }
0x97: {  	_ =	strace $0x8FFFFFFF  }
0x98: {  	s18 =	sld [smem:$0x3FDB];
	_ =	sdelay $0x1  }
0x99: {  	s19 =	simm.s32 $_scs_section_size  }
0x9a: {  	s4 =	simm.s32 $_size__tile_overlayer_lowered;
	s5 =	simm.s32 $_tile_overlayer_lowered  }
0x9b: {  	s22 =	simm.s32 $0x1BFF;
	s21 =	sshll.u32 s5, $0x1;
	s2 =	sadd.s32 s19, s18  }
0x9c: {  	s6 =	simm.s32 $0x0;
	s20 =	sshll.u32 s4, $0x1;
	s4 =	sadd.s32 s21, s2  }
0x9d: {  	[timem:s6], [sflag:s22] =	dma.local [hbm:s4], s20  }
0x9e: {  	_ =	swait.ge [sflag:s22], s20  }
0x9f: {  	s3 =	ssub.s32 $0x0, s20;
	[sflag:s22] =	ssyncset.done $0x0  }
0xa0: {  	[sflag:s22] =	ssyncadd.s32 s3;
	_ =	sdelay $0x1  }
0xa1: {  	s23 =	simm.s32 $0x1B8B  }
0xa2: {  	_ =	swait.ge [sflag:s23], $0x1  }
0xa3: {  	[sflag:s23] =	ssyncset.done $0x0  }
0xa4: {  	s25 =	simm.s32 $0x1B8E;
	s24 =	sld [smem:$0x3FFE];
	[sflag:s23] =	ssyncadd.s32 $0xFFFFFFFF  }
0xa5: {  	s26 =	simm.s32 $execute0_lowered;
	[smem:$0x3FD2] =	sst s25  }
0xa6: {  	s4 =	sshll.u32 s26, $0x1;
	_ =	strace $0x80000049;
	[dreg:$0x1] =	wrdreg $0xFFFFFFFF  }
0xa7: {  	s28 =	simm.s32 $_size_execute0_lowered;
	s2 =	sadd.s32 s2, s4;
	[dreg:$0x0] =	wrdreg $0x0  }
0xa8: {  	s4 =	sshll.u32 s28, $0x1;
	[dreg:$0x2] =	wrdreg s2  }
0xa9: {  	[dreg:$0x3] =	wrdreg s4  }
0xaa: {  	[dreg:$0x4] =	wrdreg $0xC0  }
0xab: {  	_ =	task [dreg:s6], $0x5FFFF  }
0xac: {  	[dreg:$0x1] =	wrdreg $0xFFFFFFFF  }
0xad: {  	[dreg:$0x0] =	wrdreg $0x60  }
0xae: {  	[dreg:$0x2] =	wrdreg s24  }
0xaf: {  	[dreg:$0x3] =	wrdreg $0xA8000  }
0xb0: {  	[dreg:$0x4] =	wrdreg $0x9  }
0xb1: {  	_ =	task.clear_ibuf [dreg:s6], $0x5FFFF;
	_ =	strace $0x90000049  }
0xb2: {  	s29 =	simm.s32 $0x9;
	_ =	strace $0x8000004B  }
0xb3: {  	_ =	swait.ge [sflag:s29], $0x1  }
0xb4: {  	[sflag:s29] =	ssyncadd.s32 $0xFFFFFFFF  }
0xb5: {  	_ =	strace $0x9000004B  }
0xb6: {  	_ =	sfence  }
0xb7: {  	s30 =	sld [smem:$0x0];
	_ =	sdelay $0x2  }
0xb8: {  	s31 =	sshll.u32 s1, $0xD;
	s1 =	sshrl.u32 s1, $0x2  }
0xb9: {  	s3 =	sand.u32 $0x4000, s31;
	s1 =	sadd.s32 s1, s30  }
0xba: {  	s0 =	sor.u32 s3, s0;
	s1 =	sshll.u32 s1, $0x11  }
0xbb: {  	s0 =	sor.u32 s1, s0  }
0xbc: {  	s0 =	sadd.s32 $0x8F2B, s0  }
0xbd: {  	[sflag:s0] =	ssyncadd.remote.s32 $0x1  }
0xbe: {  	_ =	sfence.sel $0xFFFF  }
0xbf: {  	[dreg:$0x0] =	wrdreg $0xFFFFFFFF;
	(pc) =	sbr.abs _section_cstart, $3  }
0xc0: {  	[dreg:$0x1] =	wrdreg $0xFFFFFFFF  }
0xc1: {  	_ =	task.clear_ibuf [dreg:s6], $0x2FFFF;
	_ =	strace $0x9FFFFFFF  }
0xc2: {  	(tm) =	ssettm $0x7FFFFFFF  }
0xc3: {  	_ =	shalt  }
tec
execute0_lowered:
.L_overlay_start_1:
0x0: {  	(tag) =	ssettag $0x1  }
0x1: {  	s0 =	rddreg [dreg:$0x0]  }
0x2: {  	s2 =	rddreg [dreg:$0x1]  }
0x3: {  	s1 =	srdreg.scid;
	s16 =	stileid.u32  }
0x4: {  	s3 =	simm.s32 $0x0;
	s17 =	simm.s32 $0x1;
	s18 =	simm.s32 $0x2  }
0x5: {  	s19 =	simm.s32 $0x80;
	s20 =	simm.s32 $0x2800;
	s21 =	simm.s32 $0x6800  }
0x6: {  	s22 =	simm.s32 $0x1480;
	s23 =	simm.s32 $0x3;
	s24 =	simm.s32 $0x100  }
0x7: {  	s25 =	simm.s32 $0x2700;
	s26 =	simm.s32 $0x1380;
	s28 =	simm.s32 $0x2780  }
0x8: {  	s29 =	simm.s32 $0x4;
	s30 =	simm.s32 $0x0;
	s8 =	smul.u32 $0x14000, s16  }
0x9: {  	s1 =	sand.u32 $0x1, s1;
	[smem:$0x7FF] =	sst s3;
	s12 =	smul.u32 $0x3, s16  }
0xa: {  	s4 =	sadd.s32 $0x17E00, s0;
	s5 =	sadd.s32 $0xDE00, s0;
	s13 =	smul.u32 $0x50000, s16  }
0xb: {  	s6 =	sadd.s32 $0x3E00, s0;
	s7 =	smul.u32 $0x140000, s1;
	s9 =	ssub.s32 $0x2, s1  }
0xc: {  	_ =	strace $0x8000004A;
	p0 =	seq.s32 s1, $0x0;
	s11 =	sshrl.u32 s9, $0x1  }
0xd: {  	s31 =	sshrl.u32 s13, $0x2;
	s7 =	sadd.s32 s8, s7;
	s14 =	ssub.s32 s9, s11  }
0xe: {  	s8 =	sshrl.u32 s8, $0x3;
	s15 =	sadd.s32 s31, s2;
	s9 =	sshll.u32 s16, $0x6  }
0xf: {  	s10 =	sshrl.u32 s7, $0x3;
	s7 =	sor.u32 $0x30, s16;
	s8 =	sadd.s32 s4, s8  }
0x10: {  	s14 =	smax.u32 s14, $0x1;
	s15 =	sshrl.u32 s15, $0x3;
	s7 =	smov.u32 @p0 s12  }
0x11: {  	s16 =	simm.s32 $0x1400;
	s0 =	sadd.s32 s10, s0;
	s12 =	smul.u32 $0x280, s7  }
0x12: {  	[dreg:$0x3] =	wrdreg s8;
	s10 =	sor.u32 $0x1C02, s9;
	p0 =	sne.s32 s1, $0x0  }
0x13: {  	s13 =	sadd.s32 $0x3FE00, s0;
	s11 =	sadd.s32 s5, s12;
	s12 =	sadd.s32 s6, s12  }
.LBB2_1:
0x14: {  	s0 =	rddreg [dreg:$0x3]  }
0x15: {  	[spmem:s15], [sflag:s10] =	dma.local [hbm:s0], $0x2800  }
0x16: {  	[tilespmem:s3], [sflag:$0x1] =	stream.linear.gather [hbm4b:s11+s3], $0x1400, $0x38;
	[tilespmem:$0x1E800] =	vst v63  }
0x17: {  	_ = 	snop  }
0x18: {  	[tilespmem:s16], [sflag:$0x1] =	stream.linear.gather [hbm4b:s12+s3], $0x1400, $0x38;
	[tilespmem:$0x1E800] =	vst v63  }
0x19: {  	_ =	swait.ge [sflag:s17], $0x1400  }
0x1a: {  	[sflag:s17] =	ssyncset.done $0x0  }
0x1b: {  	[sflag:s17] =	ssyncadd.s32 $0xFFFFEC00  }
0x1c: {  	_ =	swait.ge [sflag:s17], $0x1400  }
0x1d: {  	[sflag:s17] =	ssyncset.done $0x0  }
0x1e: {  	[sflag:s17] =	ssyncadd.s32 $0xFFFFEC00  }
0x1f: {  	_ =	swait.ge [sflag:s18], $0x2800  }
0x20: {  	[sflag:s18] =	ssyncset.done $0x0  }
0x21: {  	[sflag:s18] =	ssyncadd.s32 $0xFFFFD800  }
0x22: {  	s31 =	simm.s32 $0x0;
	[bflag:$0x0] =	sbarrier.arrive $0xFFFF  }
.LBB2_2:
0x23: {  	p1 =	seq.s32 s31, $0x0  }
0x24: {  	s0 =	sadd.s32 @!p1 s7, s31  }
0x25: {  	s0 =	smul.u32 @!p1 $0x280, s0;
	_ =	sdelay $0x1  }
0x26: {  	s8 =	simm.s32 @!p1 $0x0;
	s1 =	sadd.s32 @!p1 s5, s0  }
0x27: {  	[tilespmem:s8], [sflag:$0x1] =	stream.linear.gather @!p1 [hbm4b:s1+s8], $0x1400, $0x38;
	[tilespmem:$0x1E800] =	vst v63  }
0x28: {  	s0 =	sadd.s32 @!p1 s6, s0;
	s1 =	simm.s32 @!p1 $0x1400  }
0x29: {  	[tilespmem:s1], [sflag:$0x1] =	stream.linear.gather @!p1 [hbm4b:s0+s8], $0x1400, $0x38;
	[tilespmem:$0x1E800] =	vst v63  }
0x2a: {  	s0 =	simm.s32 @!p1 $0x1  }
0x2b: {  	_ =	swait.ge @!p1 [sflag:s0], $0x1400  }
0x2c: {  	[sflag:s0] =	ssyncset.done @!p1 $0x0  }
0x2d: {  	[sflag:s0] =	ssyncadd.s32 @!p1 $0xFFFFEC00  }
0x2e: {  	_ =	swait.ge @!p1 [sflag:s0], $0x1400  }
0x2f: {  	[sflag:s0] =	ssyncset.done @!p1 $0x0  }
0x30: {  	[sflag:s0] =	ssyncadd.s32 @!p1 $0xFFFFEC00  }
0x31: {  	[tilespmem:s20], [sflag:$0x2] =	stream.indirect.gather [hbm4b:s4+s19], $0x80, s3, s19, $0xb8;
	[tilespmem:$0x1E800] =	vst v63  }
0x32: {  	_ =	swait.ge [sflag:s18], $0x4000  }
0x33: {  	[sflag:s18] =	ssyncset.done $0x0  }
0x34: {  	[sflag:s18] =	ssyncadd.s32 $0xFFFFC000  }
0x35: {  	[spmem:s2] =	stream.indirect.scatter.add.f32 [tilespmem:s20], [sflag:$0x3], $0x80, s16, s19, $0xb8;
	[tilespmem:$0x1E800] =	vst v63  }
0x36: {  	_ = 	snop  }
0x37: {  	[tilespmem:s21], [sflag:$0x2] =	stream.indirect.gather [hbm4b:s4+s19], $0x80, s19, s19, $0xb8;
	[tilespmem:$0x1E800] =	vst v63  }
0x38: {  	_ =	swait.ge [sflag:s18], $0x4000  }
0x39: {  	[sflag:s18] =	ssyncset.done $0x0  }
0x3a: {  	[sflag:s18] =	ssyncadd.s32 $0xFFFFC000  }
0x3b: {  	[spmem:s2] =	stream.indirect.scatter.add.f32 [tilespmem:s21], [sflag:$0x3], $0x80, s22, s19, $0xb8;
	[tilespmem:$0x1E800] =	vst v63  }
0x3c: {  	_ =	swait.ge [sflag:s23], $0x4000  }
0x3d: {  	[sflag:s23] =	ssyncset.done $0x0  }
0x3e: {  	[sflag:s23] =	ssyncadd.s32 $0xFFFFC000  }
0x3f: {  	[tilespmem:s20], [sflag:$0x2] =	stream.indirect.gather [hbm4b:s4+s19], $0x80, s24, s19, $0xb8;
	[tilespmem:$0x1E800] =	vst v63  }
0x40: {  	_ =	swait.ge [sflag:s18], $0x4000  }
0x41: {  	[sflag:s18] =	ssyncset.done $0x0  }
0x42: {  	s8 =	simm.s32 $0x1500;
	[sflag:s18] =	ssyncadd.s32 $0xFFFFC000  }
0x43: {  	[spmem:s2] =	stream.indirect.scatter.add.f32 [tilespmem:s20], [sflag:$0x3], $0x80, s8, s19, $0xb8;
	[tilespmem:$0x1E800] =	vst v63  }
0x44: {  	_ =	swait.ge [sflag:s23], $0x4000  }
0x45: {  	[sflag:s23] =	ssyncset.done $0x0  }
0x46: {  	s1 =	simm.s32 $0x180;
	[sflag:s23] =	ssyncadd.s32 $0xFFFFC000  }
0x47: {  	[tilespmem:s21], [sflag:$0x2] =	stream.indirect.gather [hbm4b:s4+s19], $0x80, s1, s19, $0xb8;
	[tilespmem:$0x1E800] =	vst v63  }
0x48: {  	_ =	swait.ge [sflag:s18], $0x4000  }
0x49: {  	[sflag:s18] =	ssyncset.done $0x0  }
0x4a: {  	s8 =	simm.s32 $0x1580;
	[sflag:s18] =	ssyncadd.s32 $0xFFFFC000  }
0x4b: {  	[spmem:s2] =	stream.indirect.scatter.add.f32 [tilespmem:s21], [sflag:$0x3], $0x80, s8, s19, $0xb8;
	[tilespmem:$0x1E800] =	vst v63  }
0x4c: {  	_ =	swait.ge [sflag:s23], $0x4000  }
0x4d: {  	[sflag:s23] =	ssyncset.done $0x0  }
0x4e: {  	s0 =	simm.s32 $0xFFFFBC00;
	s1 =	simm.s32 $0x200;
	[sflag:s23] =	ssyncadd.s32 $0xFFFFC000  }
.LBB2_3:
0x4f: {  	[tilespmem:s20], [sflag:$0x2] =	stream.indirect.gather [hbm4b:s4+s19], $0x80, s1, s19, $0xb8;
	[tilespmem:$0x1E800] =	vst v63  }
0x50: {  	s1 =	smov.u32 s0  }
0x51: {  	p1 =	sne.s32 s0, $0xFFFFFC00;
	s0 =	sadd.s32 $0x400, s0;
	_ =	swait.ge [sflag:s18], $0x4000  }
0x52: {  	s1 =	sshra.s32 s1, $0x2;
	[sflag:s18] =	ssyncset.done $0x0  }
0x53: {  	s8 =	sadd.s32 $0x2700, s1;
	[sflag:s18] =	ssyncadd.s32 $0xFFFFC000  }
0x54: {  	[spmem:s2] =	stream.indirect.scatter.add.f32 [tilespmem:s20], [sflag:$0x3], $0x80, s8, s19, $0xb8;
	[tilespmem:$0x1E800] =	vst v63  }
0x55: {  	_ =	swait.ge [sflag:s23], $0x4000  }
0x56: {  	[sflag:s23] =	ssyncset.done $0x0  }
0x57: {  	s8 =	sadd.s32 $0x1380, s1;
	[sflag:s23] =	ssyncadd.s32 $0xFFFFC000  }
0x58: {  	[tilespmem:s21], [sflag:$0x2] =	stream.indirect.gather [hbm4b:s4+s19], $0x80, s8, s19, $0xb8;
	[tilespmem:$0x1E800] =	vst v63  }
0x59: {  	_ =	swait.ge [sflag:s18], $0x4000  }
0x5a: {  	[sflag:s18] =	ssyncset.done $0x0  }
.Ltmp0:
0x5b: {  	s8 =	sadd.s32 $0x2780, s1;
	[sflag:s18] =	ssyncadd.s32 $0xFFFFC000;
	(pc) =	sbr.rel @p1 .LBB2_3-.Ltmp0, $4  }
0x5c: {  	[spmem:s2] =	stream.indirect.scatter.add.f32 [tilespmem:s21], [sflag:$0x3], $0x80, s8, s19, $0xb8;
	[tilespmem:$0x1E800] =	vst v63  }
0x5d: {  	_ =	swait.ge [sflag:s23], $0x4000  }
0x5e: {  	[sflag:s23] =	ssyncset.done $0x0  }
0x5f: {  	s1 =	sadd.s32 $0x1400, s1;
	[sflag:s23] =	ssyncadd.s32 $0xFFFFC000  }
0x60: {  	[tilespmem:s20], [sflag:$0x2] =	stream.indirect.gather [hbm4b:s4+s19], $0x80, s1, s19, $0xb8;
	[tilespmem:$0x1E800] =	vst v63  }
0x61: {  	_ =	swait.ge [sflag:s18], $0x4000  }
0x62: {  	[sflag:s18] =	ssyncset.done $0x0  }
0x63: {  	[sflag:s18] =	ssyncadd.s32 $0xFFFFC000  }
0x64: {  	[spmem:s2] =	stream.indirect.scatter.add.f32 [tilespmem:s20], [sflag:$0x3], $0x80, s25, s19, $0xb8;
	[tilespmem:$0x1E800] =	vst v63  }
0x65: {  	_ =	swait.ge [sflag:s23], $0x4000  }
0x66: {  	[sflag:s23] =	ssyncset.done $0x0  }
0x67: {  	[sflag:s23] =	ssyncadd.s32 $0xFFFFC000  }
0x68: {  	[tilespmem:s21], [sflag:$0x2] =	stream.indirect.gather [hbm4b:s4+s19], $0x80, s26, s19, $0xb8;
	[tilespmem:$0x1E800] =	vst v63  }
0x69: {  	_ =	swait.ge [sflag:s18], $0x4000  }
0x6a: {  	[sflag:s18] =	ssyncset.done $0x0  }
0x6b: {  	p1 =	slt.u32 @!p0 s31, $0x2;
	[sflag:s18] =	ssyncadd.s32 $0xFFFFC000  }
0x6c: {  	[spmem:s2] =	stream.indirect.scatter.add.f32 [tilespmem:s21], [sflag:$0x3], $0x80, s28, s19, $0xb8;
	[tilespmem:$0x1E800] =	vst v63  }
0x6d: {  	p1 =	por p0, !p1;
	_ =	swait.ge [sflag:s23], $0x4000  }
.Ltmp1:
0x6e: {  	[sflag:s23] =	ssyncset.done $0x0;
	(pc) =	sbr.rel @!p1 .LBB2_2-.Ltmp1, $4  }
0x6f: {  	[sflag:s23] =	ssyncadd.s32 $0xFFFFC000  }
0x70: {  	_ =	swait.ge [sflag:s23], $0x4000  }
0x71: {  	[sflag:s23] =	ssyncset.done $0x0  }
0x72: {  	s31 =	sadd.s32 $0x1, s31;
	[sflag:s23] =	ssyncadd.s32 $0xFFFFC000  }
0x73: {  	s30 =	sadd.s32 $0x1, s30  }
0x74: {  	p1 =	sne.s32 s30, s14  }
.Ltmp2:
0x75: {  	[bflag:$0x0] =	sbarrier.arrive $0xFFFF;
	s0 =	sor.u32 $0x1C04, s9;
	(pc) =	sbr.rel @p1 .LBB2_1-.Ltmp2, $4  }
0x76: {  	[hbm:s13], [sflag:s0] =	dma.local [spmem:s15], $0x2800  }
0x77: {  	_ =	swait.ge [sflag:s29], $0x2800  }
0x78: {  	[sflag:s29] =	ssyncset.done $0x0  }
0x79: {  	[sflag:s29] =	ssyncadd.s32 $0xFFFFD800  }
0x7a: {  	_ =	sfence.sel $0x180000  }
0x7b: {  	[bflag:$0x0] =	sbarrier.arrive $0xFFFF  }
0x7c: {  	_ =	strace $0x9000004A  }
0x7d: {  	s0 =	stileid.u32;
	[bflag:$0x2] =	sbarrier.arrive $0xFFFF  }
0x7e: {  	p0 =	sne.s32 s0, $0x0;
	s0 =	rddreg [dreg:$0x2]  }
0x7f: {  	s0 =	sadd.s32 @!p0 $0x100000, s0  }
0x80: {  	[sflag:s0] =	ssyncadd.tile.s32 @!p0 $0x1;
	_ =	shalt  }
.Lfunc_end2:
_tile_overlayer_lowered:
.L_overlay_start_2:
0x81: {  	(tag) =	ssettag $0x2  }
0x82: {  	s0 =	rddreg [dreg:$0x0];
	s2 =	stileid.u32  }
0x83: {  	s1 =	rddreg [dreg:$0x1];
	p0 =	sne.s32 s2, $0x0  }
0x84: {  	s3 =	rddreg [dreg:$0x2];
	[bflag:$0x3] =	sbarrier.arrive $0xFFFF;
	s2 =	simm.s32 @!p0 $0x1C04  }
0x85: {  	[timem:s3], [sflag:s2] =	dma.local @!p0 [hbm:s0], s1  }
0x86: {  	s0 =	simm.s32 @!p0 $0x4  }
0x87: {  	_ =	swait.ge @!p0 [sflag:s0], s1  }
0x88: {  	s1 =	ssub.s32 @!p0 $0x0, s1;
	[sflag:s0] =	ssyncset.done @!p0 $0x0  }
0x89: {  	[sflag:s0] =	ssyncadd.s32 @!p0 s1  }
0x8a: {  	[bflag:$0x3] =	sbarrier.arrive $0xFFFF  }
0x8b: {  	_ =	shalt  }

// kernel: kernel.16.cloned.1.call-start
scs
__scs_entry_jumppad:
0x0: {  	(pc) =	sbr.rel $0x88, $3  }
0x1: {  	(tag) =	ssettag $0x0;
	lr =	simm.s32 $0x1  }
0x2: {  	[smem:$0x3F95] =	sst lr;
	_ =	strace $0xD0000000  }
0x3: {  	_ = 	snop  }
0x4: {  	_ = 	snop  }
0x5: {  	_ = 	snop  }
0x6: {  	_ = 	snop  }
0x7: {  	_ = 	snop  }
__scs_overlays_trampoline_lowered:
0x8: {  	[smem:$0x3FA4] =	sst s0  }
0x9: {  	[smem:$0x3FA5] =	sst s1  }
0xa: {  	[smem:$0x3FA6] =	sst s2  }
0xb: {  	[smem:$0x3FA7] =	sst s3  }
0xc: {  	[smem:$0x3FA8] =	sst s4  }
0xd: {  	[smem:$0x3FA9] =	sst s5  }
0xe: {  	[smem:$0x3FAA] =	sst s6  }
0xf: {  	[smem:$0x3FAB] =	sst s7  }
0x10: {  	[smem:$0x3FAC] =	sst s8  }
0x11: {  	[smem:$0x3FAD] =	sst s9;
	s0 =	simm.s32 @!p0 $0x0  }
0x12: {  	s1 =	sld [smem:$0x3F93];
	s0 =	simm.s32 @p0 $0x1  }
0x13: {  	[smem:$0x3FAE] =	sst s0;
	s0 =	simm.s32 @!p1 $0x0  }
0x14: {  	s2 =	sld [smem:$0x3F92];
	s0 =	simm.s32 @p1 $0x1  }
0x15: {  	[smem:$0x3FAF] =	sst s0;
	s0 =	simm.s32 @!p2 $0x0  }
0x16: {  	s3 =	sld [smem:$0x3FDB];
	s0 =	simm.s32 @p2 $0x1  }
0x17: {  	s4 =	simm.s32 $0x1BF5;
	[smem:$0x3FB1] =	sst s0  }
0x18: {  	s0 =	sld [smem:$0x3F94];
	_ =	swait.ge [sflag:s4], $0x0  }
0x19: {  	s7 =	sld [smem:$0x3F95]  }
0x1a: {  	s8 =	sadd.s32 $0xFFFFE003, lr  }
0x1b: {  	s9 =	sadd.s32 $0xFFFFFEF7, lr;
	s5 =	simm.s32 $0xFFFFFFFF;
	p2 =	slt.u32 s8, $0xFFFFF086  }
0x1c: {  	p1 =	slt.u32 s9, $0xF7A;
	s5 =	simm.s32 @!p2 $0x0  }
0x1d: {  	s5 =	simm.s32 @p1 $0x1;
	p0 =	seq.s32 s7, s2  }
0x1e: {  	s7 =	smul.u32 @!p0 $0xF7A, s2;
	p2 =	seq.s32 @!p0 s5, $0x0  }
0x1f: {  	s9 =	smul.u32 $0xF7A, s1;
	s8 =	simm.s32 @!p0 $0x1BF5;
	p2 =	por !p2, p0  }
0x20: {  	[sflag:s8] =	ssyncset.s32 @!p0 $0xFFFFF086;
	s6 =	sadd.s32 @!p0 s3, s7;
	s7 =	simm.s32 @!p0 $0x108  }
0x21: {  	s3 =	sadd.s32 s3, s9;
	s6 =	sadd.s32 @!p0 $0x88, s6;
	s7 =	simm.s32 @p2 $0x1082  }
0x22: {  	[simem:s7], [sflag:s8] =	dma.local @!p0 [hbm:s6], $0xF7A  }
0x23: {  	s9 =	sor.u32 $0xD0000000, s2;
	s6 =	simm.s32 $0x108;
	_ =	swait.ge @!p0 [sflag:s8], $0x0  }
0x24: {  	s3 =	sadd.s32 $0x88, s3;
	s6 =	simm.s32 @!p1 $0x1082;
	[sflag:s4] =	ssyncset.s32 $0xFFFFF086  }
0x25: {  	[simem:s6], [sflag:s4] =	dma.local [hbm:s3], $0xF7A  }
0x26: {  	[smem:$0x3F95] =	sst s1;
	(tag) =	ssettag s2;
	_ =	strace s9  }
0x27: {  	s1 =	sld [smem:$0x3FA5]  }
0x28: {  	s2 =	sld [smem:$0x3FA6]  }
0x29: {  	s4 =	sld [smem:$0x3FA8]  }
0x2a: {  	p0 =	seq.s32 s5, $0x0;
	s5 =	sld [smem:$0x3FA9]  }
0x2b: {  	s6 =	sld [smem:$0x3FAA]  }
0x2c: {  	s7 =	sld [smem:$0x3FAB]  }
0x2d: {  	s3 =	simm.s32 $0x108;
	s8 =	sld [smem:$0x3FAC]  }
0x2e: {  	s3 =	simm.s32 @!p0 $0x1082;
	s9 =	sld [smem:$0x3FAD]  }
0x2f: {  	lr =	sadd.s32 s0, s3;
	s0 =	sld [smem:$0x3FA4]  }
0x30: {  	s3 =	sld [smem:$0x3FA7]  }
0x31: {  	[smem:$0x3FB0] =	sst s10  }
0x32: {  	s10 =	sld [smem:$0x3FAE];
	_ =	sdelay $0x3  }
0x33: {  	p0 =	seq.s32 s10, $0x1;
	s10 =	sld [smem:$0x3FB0];
	_ =	sdelay $0x3  }
0x34: {  	[smem:$0x3FB0] =	sst s10  }
0x35: {  	s10 =	sld [smem:$0x3FAF];
	_ =	sdelay $0x3  }
0x36: {  	p1 =	seq.s32 s10, $0x1;
	s10 =	sld [smem:$0x3FB0];
	_ =	sdelay $0x3  }
0x37: {  	[smem:$0x3FB0] =	sst s10  }
0x38: {  	s10 =	sld [smem:$0x3FB1]  }
0x39: {  	_ = 	snop;
	(pc) =	sbr.ind lr, $3  }
0x3a: {  	_ = 	snop  }
0x3b: {  	_ = 	snop  }
0x3c: {  	p2 =	seq.s32 s10, $0x1;
	s10 =	sld [smem:$0x3FB0]  }
0x3d: {  	_ =	shalt  }
0x3e: {  	_ =	shalt  }
0x3f: {  	_ =	shalt  }
0x40: {  	_ =	shalt  }
0x41: {  	_ =	shalt  }
0x42: {  	_ =	shalt  }
0x43: {  	_ =	shalt  }
0x44: {  	_ =	shalt  }
0x45: {  	_ =	shalt  }
0x46: {  	_ =	shalt  }
0x47: {  	_ =	shalt  }
0x48: {  	_ =	shalt  }
0x49: {  	_ =	shalt  }
0x4a: {  	_ =	shalt  }
0x4b: {  	_ =	shalt  }
0x4c: {  	_ =	shalt  }
0x4d: {  	_ =	shalt  }
0x4e: {  	_ =	shalt  }
0x4f: {  	_ =	shalt  }
0x50: {  	_ =	shalt  }
0x51: {  	_ =	shalt  }
0x52: {  	_ =	shalt  }
0x53: {  	_ =	shalt  }
0x54: {  	_ =	shalt  }
0x55: {  	_ =	shalt  }
0x56: {  	_ =	shalt  }
0x57: {  	_ =	shalt  }
0x58: {  	_ =	shalt  }
0x59: {  	_ =	shalt  }
0x5a: {  	_ =	shalt  }
0x5b: {  	_ =	shalt  }
0x5c: {  	_ =	shalt  }
0x5d: {  	_ =	shalt  }
0x5e: {  	_ =	shalt  }
0x5f: {  	_ =	shalt  }
0x60: {  	_ =	shalt  }
0x61: {  	_ =	shalt  }
0x62: {  	_ =	shalt  }
0x63: {  	_ =	shalt  }
0x64: {  	_ =	shalt  }
0x65: {  	_ =	shalt  }
0x66: {  	_ =	shalt  }
0x67: {  	_ =	shalt  }
0x68: {  	_ =	shalt  }
0x69: {  	_ =	shalt  }
0x6a: {  	_ =	shalt  }
0x6b: {  	_ =	shalt  }
0x6c: {  	_ =	shalt  }
0x6d: {  	_ =	shalt  }
0x6e: {  	_ =	shalt  }
0x6f: {  	_ =	shalt  }
0x70: {  	_ =	shalt  }
0x71: {  	_ =	shalt  }
0x72: {  	_ =	shalt  }
0x73: {  	_ =	shalt  }
0x74: {  	_ =	shalt  }
0x75: {  	_ =	shalt  }
0x76: {  	_ =	shalt  }
0x77: {  	_ =	shalt  }
0x78: {  	_ =	shalt  }
0x79: {  	_ =	shalt  }
0x7a: {  	_ =	shalt  }
0x7b: {  	_ =	shalt  }
0x7c: {  	_ =	shalt  }
0x7d: {  	_ =	shalt  }
0x7e: {  	_ =	shalt  }
0x7f: {  	_ =	shalt  }
0x80: {  	_ =	shalt  }
0x81: {  	_ =	shalt  }
0x82: {  	_ =	shalt  }
0x83: {  	_ =	shalt  }
0x84: {  	_ =	shalt  }
0x85: {  	_ =	shalt  }
0x86: {  	_ =	shalt  }
0x87: {  	_ =	shalt  }
.Lfunc_end0:
.L_simem_size_0:
called_computation.2_lowered:
.L_overlay_start_0:
0x88: {  	s2 =	sld [smem:$0x3FD9]  }
0x89: {  	s3 =	sld [smem:$0x3FFE];
	_ =	sdelay $0x1  }
0x8a: {  	s1 =	srdreg.scid  }
0x8b: {  	s0 =	sand.u32 $0x1, s1  }
0x8c: {  	s16 =	sshll.u32 s0, $0xA;
	s2 =	sadd.s32 s3, s2  }
0x8d: {  	s2 =	sadd.s32 s2, s16  }
0x8e: {  	[smem:$0x3FBC] =	sst s2  }
0x8f: {  	_ = 	snop  }
0x90: {  	(tm) =	ssettm $0x1  }
0x91: {  	s17 =	sld [smem:$0x3FFB];
	_ =	sdelay $0x3  }
0x92: {  	_ =	strace s17  }
0x93: {  	s2 =	sld [smem:$0x3FFC];
	_ =	sdelay $0x3  }
0x94: {  	_ =	strace s2  }
0x95: {  	s2 =	sld [smem:$0x3FFD];
	_ =	sdelay $0x3  }
0x96: {  	_ =	strace s2  }
0x97: {  	_ =	strace $0x8FFFFFFF  }
0x98: {  	s18 =	sld [smem:$0x3FDB];
	_ =	sdelay $0x1  }
0x99: {  	s19 =	simm.s32 $_scs_section_size  }
0x9a: {  	s4 =	simm.s32 $_size__tile_overlayer_lowered;
	s5 =	simm.s32 $_tile_overlayer_lowered  }
0x9b: {  	s22 =	simm.s32 $0x1BFF;
	s21 =	sshll.u32 s5, $0x1;
	s2 =	sadd.s32 s19, s18  }
0x9c: {  	s6 =	simm.s32 $0x0;
	s20 =	sshll.u32 s4, $0x1;
	s4 =	sadd.s32 s21, s2  }
0x9d: {  	[timem:s6], [sflag:s22] =	dma.local [hbm:s4], s20  }
0x9e: {  	_ =	swait.ge [sflag:s22], s20  }
0x9f: {  	s3 =	ssub.s32 $0x0, s20;
	[sflag:s22] =	ssyncset.done $0x0  }
0xa0: {  	[sflag:s22] =	ssyncadd.s32 s3;
	_ =	sdelay $0x1  }
0xa1: {  	s23 =	simm.s32 $0x1B8B  }
0xa2: {  	_ =	swait.ge [sflag:s23], $0x1  }
0xa3: {  	[sflag:s23] =	ssyncset.done $0x0  }
0xa4: {  	s25 =	simm.s32 $0x1B8E;
	s24 =	sld [smem:$0x3FFE];
	[sflag:s23] =	ssyncadd.s32 $0xFFFFFFFF  }
0xa5: {  	s26 =	simm.s32 $execute0_lowered;
	[smem:$0x3FD2] =	sst s25  }
0xa6: {  	s4 =	sshll.u32 s26, $0x1;
	_ =	strace $0x8000004C;
	[dreg:$0x1] =	wrdreg $0xFFFFFFFF  }
0xa7: {  	s28 =	simm.s32 $_size_execute0_lowered;
	s2 =	sadd.s32 s2, s4;
	[dreg:$0x0] =	wrdreg $0x0  }
0xa8: {  	s4 =	sshll.u32 s28, $0x1;
	[dreg:$0x2] =	wrdreg s2  }
0xa9: {  	[dreg:$0x3] =	wrdreg s4  }
0xaa: {  	[dreg:$0x4] =	wrdreg $0xC0  }
0xab: {  	_ =	task [dreg:s6], $0x5FFFF  }
0xac: {  	[dreg:$0x1] =	wrdreg $0xFFFFFFFF  }
0xad: {  	[dreg:$0x0] =	wrdreg $0x60  }
0xae: {  	[dreg:$0x2] =	wrdreg s24  }
0xaf: {  	[dreg:$0x3] =	wrdreg $0xA8000  }
0xb0: {  	[dreg:$0x4] =	wrdreg $0x9  }
0xb1: {  	_ =	task.clear_ibuf [dreg:s6], $0x5FFFF;
	_ =	strace $0x9000004C  }
0xb2: {  	s29 =	simm.s32 $0x9;
	_ =	strace $0x8000004E  }
0xb3: {  	_ =	swait.ge [sflag:s29], $0x1  }
0xb4: {  	[sflag:s29] =	ssyncadd.s32 $0xFFFFFFFF  }
0xb5: {  	_ =	strace $0x9000004E  }
0xb6: {  	_ =	sfence  }
0xb7: {  	s30 =	sld [smem:$0x0];
	_ =	sdelay $0x2  }
0xb8: {  	s31 =	sshll.u32 s1, $0xD;
	s1 =	sshrl.u32 s1, $0x2  }
0xb9: {  	s3 =	sand.u32 $0x4000, s31;
	s1 =	sadd.s32 s1, s30  }
0xba: {  	s0 =	sor.u32 s3, s0;
	s1 =	sshll.u32 s1, $0x11  }
0xbb: {  	s0 =	sor.u32 s1, s0  }
0xbc: {  	s0 =	sadd.s32 $0x8F2B, s0  }
0xbd: {  	[sflag:s0] =	ssyncadd.remote.s32 $0x1  }
0xbe: {  	_ =	sfence.sel $0xFFFF  }
0xbf: {  	[dreg:$0x0] =	wrdreg $0xFFFFFFFF;
	(pc) =	sbr.abs _section_cstart, $3  }
0xc0: {  	[dreg:$0x1] =	wrdreg $0xFFFFFFFF  }
0xc1: {  	_ =	task.clear_ibuf [dreg:s6], $0x2FFFF;
	_ =	strace $0x9FFFFFFF  }
0xc2: {  	(tm) =	ssettm $0x7FFFFFFF  }
0xc3: {  	_ =	shalt  }
tec
execute0_lowered:
.L_overlay_start_1:
0x0: {  	(tag) =	ssettag $0x1  }
0x1: {  	s0 =	rddreg [dreg:$0x0]  }
0x2: {  	s2 =	rddreg [dreg:$0x1]  }
0x3: {  	s1 =	srdreg.scid;
	s16 =	stileid.u32  }
0x4: {  	s3 =	simm.s32 $0x0;
	s17 =	simm.s32 $0x1;
	s18 =	simm.s32 $0x2  }
0x5: {  	s19 =	simm.s32 $0x80;
	s20 =	simm.s32 $0x2800;
	s21 =	simm.s32 $0x6800  }
0x6: {  	s22 =	simm.s32 $0x1480;
	s23 =	simm.s32 $0x3;
	s24 =	simm.s32 $0x100  }
0x7: {  	s25 =	simm.s32 $0x2700;
	s26 =	simm.s32 $0x1380;
	s28 =	simm.s32 $0x2780  }
0x8: {  	s29 =	simm.s32 $0x4;
	s30 =	simm.s32 $0x0;
	s8 =	smul.u32 $0x14000, s16  }
0x9: {  	s1 =	sand.u32 $0x1, s1;
	[smem:$0x7FF] =	sst s3;
	s12 =	smul.u32 $0x3, s16  }
0xa: {  	s4 =	sadd.s32 $0x17E00, s0;
	s5 =	sadd.s32 $0xDE00, s0;
	s13 =	smul.u32 $0x50000, s16  }
0xb: {  	s6 =	sadd.s32 $0x3E00, s0;
	s7 =	smul.u32 $0x140000, s1;
	s9 =	ssub.s32 $0x2, s1  }
0xc: {  	_ =	strace $0x8000004D;
	p0 =	seq.s32 s1, $0x0;
	s11 =	sshrl.u32 s9, $0x1  }
0xd: {  	s31 =	sshrl.u32 s13, $0x2;
	s7 =	sadd.s32 s8, s7;
	s14 =	ssub.s32 s9, s11  }
0xe: {  	s8 =	sshrl.u32 s8, $0x3;
	s15 =	sadd.s32 s31, s2;
	s9 =	sshll.u32 s16, $0x6  }
0xf: {  	s10 =	sshrl.u32 s7, $0x3;
	s7 =	sor.u32 $0x30, s16;
	s8 =	sadd.s32 s4, s8  }
0x10: {  	s14 =	smax.u32 s14, $0x1;
	s15 =	sshrl.u32 s15, $0x3;
	s7 =	smov.u32 @p0 s12  }
0x11: {  	s16 =	simm.s32 $0x1400;
	s0 =	sadd.s32 s10, s0;
	s12 =	smul.u32 $0x280, s7  }
0x12: {  	[dreg:$0x3] =	wrdreg s8;
	s10 =	sor.u32 $0x1C02, s9;
	p0 =	sne.s32 s1, $0x0  }
0x13: {  	s13 =	sadd.s32 $0x3FE00, s0;
	s11 =	sadd.s32 s5, s12;
	s12 =	sadd.s32 s6, s12  }
.LBB2_1:
0x14: {  	s0 =	rddreg [dreg:$0x3]  }
0x15: {  	[spmem:s15], [sflag:s10] =	dma.local [hbm:s0], $0x2800  }
0x16: {  	[tilespmem:s3], [sflag:$0x1] =	stream.linear.gather [hbm4b:s11+s3], $0x1400, $0x38;
	[tilespmem:$0x1E800] =	vst v63  }
0x17: {  	_ = 	snop  }
0x18: {  	[tilespmem:s16], [sflag:$0x1] =	stream.linear.gather [hbm4b:s12+s3], $0x1400, $0x38;
	[tilespmem:$0x1E800] =	vst v63  }
0x19: {  	_ =	swait.ge [sflag:s17], $0x1400  }
0x1a: {  	[sflag:s17] =	ssyncset.done $0x0  }
0x1b: {  	[sflag:s17] =	ssyncadd.s32 $0xFFFFEC00  }
0x1c: {  	_ =	swait.ge [sflag:s17], $0x1400  }
0x1d: {  	[sflag:s17] =	ssyncset.done $0x0  }
0x1e: {  	[sflag:s17] =	ssyncadd.s32 $0xFFFFEC00  }
0x1f: {  	_ =	swait.ge [sflag:s18], $0x2800  }
0x20: {  	[sflag:s18] =	ssyncset.done $0x0  }
0x21: {  	[sflag:s18] =	ssyncadd.s32 $0xFFFFD800  }
0x22: {  	s31 =	simm.s32 $0x0;
	[bflag:$0x0] =	sbarrier.arrive $0xFFFF  }
.LBB2_2:
0x23: {  	p1 =	seq.s32 s31, $0x0  }
0x24: {  	s0 =	sadd.s32 @!p1 s7, s31  }
0x25: {  	s0 =	smul.u32 @!p1 $0x280, s0;
	_ =	sdelay $0x1  }
0x26: {  	s8 =	simm.s32 @!p1 $0x0;
	s1 =	sadd.s32 @!p1 s5, s0  }
0x27: {  	[tilespmem:s8], [sflag:$0x1] =	stream.linear.gather @!p1 [hbm4b:s1+s8], $0x1400, $0x38;
	[tilespmem:$0x1E800] =	vst v63  }
0x28: {  	s0 =	sadd.s32 @!p1 s6, s0;
	s1 =	simm.s32 @!p1 $0x1400  }
0x29: {  	[tilespmem:s1], [sflag:$0x1] =	stream.linear.gather @!p1 [hbm4b:s0+s8], $0x1400, $0x38;
	[tilespmem:$0x1E800] =	vst v63  }
0x2a: {  	s0 =	simm.s32 @!p1 $0x1  }
0x2b: {  	_ =	swait.ge @!p1 [sflag:s0], $0x1400  }
0x2c: {  	[sflag:s0] =	ssyncset.done @!p1 $0x0  }
0x2d: {  	[sflag:s0] =	ssyncadd.s32 @!p1 $0xFFFFEC00  }
0x2e: {  	_ =	swait.ge @!p1 [sflag:s0], $0x1400  }
0x2f: {  	[sflag:s0] =	ssyncset.done @!p1 $0x0  }
0x30: {  	[sflag:s0] =	ssyncadd.s32 @!p1 $0xFFFFEC00  }
0x31: {  	[tilespmem:s20], [sflag:$0x2] =	stream.indirect.gather [hbm4b:s4+s19], $0x80, s3, s19, $0xb8;
	[tilespmem:$0x1E800] =	vst v63  }
0x32: {  	_ =	swait.ge [sflag:s18], $0x4000  }
0x33: {  	[sflag:s18] =	ssyncset.done $0x0  }
0x34: {  	[sflag:s18] =	ssyncadd.s32 $0xFFFFC000  }
0x35: {  	[spmem:s2] =	stream.indirect.scatter.add.f32 [tilespmem:s20], [sflag:$0x3], $0x80, s16, s19, $0xb8;
	[tilespmem:$0x1E800] =	vst v63  }
0x36: {  	_ = 	snop  }
0x37: {  	[tilespmem:s21], [sflag:$0x2] =	stream.indirect.gather [hbm4b:s4+s19], $0x80, s19, s19, $0xb8;
	[tilespmem:$0x1E800] =	vst v63  }
0x38: {  	_ =	swait.ge [sflag:s18], $0x4000  }
0x39: {  	[sflag:s18] =	ssyncset.done $0x0  }
0x3a: {  	[sflag:s18] =	ssyncadd.s32 $0xFFFFC000  }
0x3b: {  	[spmem:s2] =	stream.indirect.scatter.add.f32 [tilespmem:s21], [sflag:$0x3], $0x80, s22, s19, $0xb8;
	[tilespmem:$0x1E800] =	vst v63  }
0x3c: {  	_ =	swait.ge [sflag:s23], $0x4000  }
0x3d: {  	[sflag:s23] =	ssyncset.done $0x0  }
0x3e: {  	[sflag:s23] =	ssyncadd.s32 $0xFFFFC000  }
0x3f: {  	[tilespmem:s20], [sflag:$0x2] =	stream.indirect.gather [hbm4b:s4+s19], $0x80, s24, s19, $0xb8;
	[tilespmem:$0x1E800] =	vst v63  }
0x40: {  	_ =	swait.ge [sflag:s18], $0x4000  }
0x41: {  	[sflag:s18] =	ssyncset.done $0x0  }
0x42: {  	s8 =	simm.s32 $0x1500;
	[sflag:s18] =	ssyncadd.s32 $0xFFFFC000  }
0x43: {  	[spmem:s2] =	stream.indirect.scatter.add.f32 [tilespmem:s20], [sflag:$0x3], $0x80, s8, s19, $0xb8;
	[tilespmem:$0x1E800] =	vst v63  }
0x44: {  	_ =	swait.ge [sflag:s23], $0x4000  }
0x45: {  	[sflag:s23] =	ssyncset.done $0x0  }
0x46: {  	s1 =	simm.s32 $0x180;
	[sflag:s23] =	ssyncadd.s32 $0xFFFFC000  }
0x47: {  	[tilespmem:s21], [sflag:$0x2] =	stream.indirect.gather [hbm4b:s4+s19], $0x80, s1, s19, $0xb8;
	[tilespmem:$0x1E800] =	vst v63  }
0x48: {  	_ =	swait.ge [sflag:s18], $0x4000  }
0x49: {  	[sflag:s18] =	ssyncset.done $0x0  }
0x4a: {  	s8 =	simm.s32 $0x1580;
	[sflag:s18] =	ssyncadd.s32 $0xFFFFC000  }
0x4b: {  	[spmem:s2] =	stream.indirect.scatter.add.f32 [tilespmem:s21], [sflag:$0x3], $0x80, s8, s19, $0xb8;
	[tilespmem:$0x1E800] =	vst v63  }
0x4c: {  	_ =	swait.ge [sflag:s23], $0x4000  }
0x4d: {  	[sflag:s23] =	ssyncset.done $0x0  }
0x4e: {  	s0 =	simm.s32 $0xFFFFBC00;
	s1 =	simm.s32 $0x200;
	[sflag:s23] =	ssyncadd.s32 $0xFFFFC000  }
.LBB2_3:
0x4f: {  	[tilespmem:s20], [sflag:$0x2] =	stream.indirect.gather [hbm4b:s4+s19], $0x80, s1, s19, $0xb8;
	[tilespmem:$0x1E800] =	vst v63  }
0x50: {  	s1 =	smov.u32 s0  }
0x51: {  	p1 =	sne.s32 s0, $0xFFFFFC00;
	s0 =	sadd.s32 $0x400, s0;
	_ =	swait.ge [sflag:s18], $0x4000  }
0x52: {  	s1 =	sshra.s32 s1, $0x2;
	[sflag:s18] =	ssyncset.done $0x0  }
0x53: {  	s8 =	sadd.s32 $0x2700, s1;
	[sflag:s18] =	ssyncadd.s32 $0xFFFFC000  }
0x54: {  	[spmem:s2] =	stream.indirect.scatter.add.f32 [tilespmem:s20], [sflag:$0x3], $0x80, s8, s19, $0xb8;
	[tilespmem:$0x1E800] =	vst v63  }
0x55: {  	_ =	swait.ge [sflag:s23], $0x4000  }
0x56: {  	[sflag:s23] =	ssyncset.done $0x0  }
0x57: {  	s8 =	sadd.s32 $0x1380, s1;
	[sflag:s23] =	ssyncadd.s32 $0xFFFFC000  }
0x58: {  	[tilespmem:s21], [sflag:$0x2] =	stream.indirect.gather [hbm4b:s4+s19], $0x80, s8, s19, $0xb8;
	[tilespmem:$0x1E800] =	vst v63  }
0x59: {  	_ =	swait.ge [sflag:s18], $0x4000  }
0x5a: {  	[sflag:s18] =	ssyncset.done $0x0  }
.Ltmp0:
0x5b: {  	s8 =	sadd.s32 $0x2780, s1;
	[sflag:s18] =	ssyncadd.s32 $0xFFFFC000;
	(pc) =	sbr.rel @p1 .LBB2_3-.Ltmp0, $4  }
0x5c: {  	[spmem:s2] =	stream.indirect.scatter.add.f32 [tilespmem:s21], [sflag:$0x3], $0x80, s8, s19, $0xb8;
	[tilespmem:$0x1E800] =	vst v63  }
0x5d: {  	_ =	swait.ge [sflag:s23], $0x4000  }
0x5e: {  	[sflag:s23] =	ssyncset.done $0x0  }
0x5f: {  	s1 =	sadd.s32 $0x1400, s1;
	[sflag:s23] =	ssyncadd.s32 $0xFFFFC000  }
0x60: {  	[tilespmem:s20], [sflag:$0x2] =	stream.indirect.gather [hbm4b:s4+s19], $0x80, s1, s19, $0xb8;
	[tilespmem:$0x1E800] =	vst v63  }
0x61: {  	_ =	swait.ge [sflag:s18], $0x4000  }
0x62: {  	[sflag:s18] =	ssyncset.done $0x0  }
0x63: {  	[sflag:s18] =	ssyncadd.s32 $0xFFFFC000  }
0x64: {  	[spmem:s2] =	stream.indirect.scatter.add.f32 [tilespmem:s20], [sflag:$0x3], $0x80, s25, s19, $0xb8;
	[tilespmem:$0x1E800] =	vst v63  }
0x65: {  	_ =	swait.ge [sflag:s23], $0x4000  }
0x66: {  	[sflag:s23] =	ssyncset.done $0x0  }
0x67: {  	[sflag:s23] =	ssyncadd.s32 $0xFFFFC000  }
0x68: {  	[tilespmem:s21], [sflag:$0x2] =	stream.indirect.gather [hbm4b:s4+s19], $0x80, s26, s19, $0xb8;
	[tilespmem:$0x1E800] =	vst v63  }
0x69: {  	_ =	swait.ge [sflag:s18], $0x4000  }
0x6a: {  	[sflag:s18] =	ssyncset.done $0x0  }
0x6b: {  	p1 =	slt.u32 @!p0 s31, $0x2;
	[sflag:s18] =	ssyncadd.s32 $0xFFFFC000  }
0x6c: {  	[spmem:s2] =	stream.indirect.scatter.add.f32 [tilespmem:s21], [sflag:$0x3], $0x80, s28, s19, $0xb8;
	[tilespmem:$0x1E800] =	vst v63  }
0x6d: {  	p1 =	por p0, !p1;
	_ =	swait.ge [sflag:s23], $0x4000  }
.Ltmp1:
0x6e: {  	[sflag:s23] =	ssyncset.done $0x0;
	(pc) =	sbr.rel @!p1 .LBB2_2-.Ltmp1, $4  }
0x6f: {  	[sflag:s23] =	ssyncadd.s32 $0xFFFFC000  }
0x70: {  	_ =	swait.ge [sflag:s23], $0x4000  }
0x71: {  	[sflag:s23] =	ssyncset.done $0x0  }
0x72: {  	s31 =	sadd.s32 $0x1, s31;
	[sflag:s23] =	ssyncadd.s32 $0xFFFFC000  }
0x73: {  	s30 =	sadd.s32 $0x1, s30  }
0x74: {  	p1 =	sne.s32 s30, s14  }
.Ltmp2:
0x75: {  	[bflag:$0x0] =	sbarrier.arrive $0xFFFF;
	s0 =	sor.u32 $0x1C04, s9;
	(pc) =	sbr.rel @p1 .LBB2_1-.Ltmp2, $4  }
0x76: {  	[hbm:s13], [sflag:s0] =	dma.local [spmem:s15], $0x2800  }
0x77: {  	_ =	swait.ge [sflag:s29], $0x2800  }
0x78: {  	[sflag:s29] =	ssyncset.done $0x0  }
0x79: {  	[sflag:s29] =	ssyncadd.s32 $0xFFFFD800  }
0x7a: {  	_ =	sfence.sel $0x180000  }
0x7b: {  	[bflag:$0x0] =	sbarrier.arrive $0xFFFF  }
0x7c: {  	_ =	strace $0x9000004D  }
0x7d: {  	s0 =	stileid.u32;
	[bflag:$0x2] =	sbarrier.arrive $0xFFFF  }
0x7e: {  	p0 =	sne.s32 s0, $0x0;
	s0 =	rddreg [dreg:$0x2]  }
0x7f: {  	s0 =	sadd.s32 @!p0 $0x100000, s0  }
0x80: {  	[sflag:s0] =	ssyncadd.tile.s32 @!p0 $0x1;
	_ =	shalt  }
.Lfunc_end2:
_tile_overlayer_lowered:
.L_overlay_start_2:
0x81: {  	(tag) =	ssettag $0x2  }
0x82: {  	s0 =	rddreg [dreg:$0x0];
	s2 =	stileid.u32  }
0x83: {  	s1 =	rddreg [dreg:$0x1];
	p0 =	sne.s32 s2, $0x0  }
0x84: {  	s3 =	rddreg [dreg:$0x2];
	[bflag:$0x3] =	sbarrier.arrive $0xFFFF;
	s2 =	simm.s32 @!p0 $0x1C04  }
0x85: {  	[timem:s3], [sflag:s2] =	dma.local @!p0 [hbm:s0], s1  }
0x86: {  	s0 =	simm.s32 @!p0 $0x4  }
0x87: {  	_ =	swait.ge @!p0 [sflag:s0], s1  }
0x88: {  	s1 =	ssub.s32 @!p0 $0x0, s1;
	[sflag:s0] =	ssyncset.done @!p0 $0x0  }
0x89: {  	[sflag:s0] =	ssyncadd.s32 @!p0 s1  }
0x8a: {  	[bflag:$0x3] =	sbarrier.arrive $0xFFFF  }
0x8b: {  	_ =	shalt  }

// kernel: kernel.19.cloned.1.call-start
scs
__scs_entry_jumppad:
0x0: {  	(pc) =	sbr.rel $0x88, $3  }
0x1: {  	(tag) =	ssettag $0x0;
	lr =	simm.s32 $0x1  }
0x2: {  	[smem:$0x3F95] =	sst lr;
	_ =	strace $0xD0000000  }
0x3: {  	_ = 	snop  }
0x4: {  	_ = 	snop  }
0x5: {  	_ = 	snop  }
0x6: {  	_ = 	snop  }
0x7: {  	_ = 	snop  }
__scs_overlays_trampoline_lowered:
0x8: {  	[smem:$0x3FA4] =	sst s0  }
0x9: {  	[smem:$0x3FA5] =	sst s1  }
0xa: {  	[smem:$0x3FA6] =	sst s2  }
0xb: {  	[smem:$0x3FA7] =	sst s3  }
0xc: {  	[smem:$0x3FA8] =	sst s4  }
0xd: {  	[smem:$0x3FA9] =	sst s5  }
0xe: {  	[smem:$0x3FAA] =	sst s6  }
0xf: {  	[smem:$0x3FAB] =	sst s7  }
0x10: {  	[smem:$0x3FAC] =	sst s8  }
0x11: {  	[smem:$0x3FAD] =	sst s9;
	s0 =	simm.s32 @!p0 $0x0  }
0x12: {  	s1 =	sld [smem:$0x3F93];
	s0 =	simm.s32 @p0 $0x1  }
0x13: {  	[smem:$0x3FAE] =	sst s0;
	s0 =	simm.s32 @!p1 $0x0  }
0x14: {  	s2 =	sld [smem:$0x3F92];
	s0 =	simm.s32 @p1 $0x1  }
0x15: {  	[smem:$0x3FAF] =	sst s0;
	s0 =	simm.s32 @!p2 $0x0  }
0x16: {  	s3 =	sld [smem:$0x3FDB];
	s0 =	simm.s32 @p2 $0x1  }
0x17: {  	s4 =	simm.s32 $0x1BF5;
	[smem:$0x3FB1] =	sst s0  }
0x18: {  	s0 =	sld [smem:$0x3F94];
	_ =	swait.ge [sflag:s4], $0x0  }
0x19: {  	s7 =	sld [smem:$0x3F95]  }
0x1a: {  	s8 =	sadd.s32 $0xFFFFE003, lr  }
0x1b: {  	s9 =	sadd.s32 $0xFFFFFEF7, lr;
	s5 =	simm.s32 $0xFFFFFFFF;
	p2 =	slt.u32 s8, $0xFFFFF086  }
0x1c: {  	p1 =	slt.u32 s9, $0xF7A;
	s5 =	simm.s32 @!p2 $0x0  }
0x1d: {  	s5 =	simm.s32 @p1 $0x1;
	p0 =	seq.s32 s7, s2  }
0x1e: {  	s7 =	smul.u32 @!p0 $0xF7A, s2;
	p2 =	seq.s32 @!p0 s5, $0x0  }
0x1f: {  	s9 =	smul.u32 $0xF7A, s1;
	s8 =	simm.s32 @!p0 $0x1BF5;
	p2 =	por !p2, p0  }
0x20: {  	[sflag:s8] =	ssyncset.s32 @!p0 $0xFFFFF086;
	s6 =	sadd.s32 @!p0 s3, s7;
	s7 =	simm.s32 @!p0 $0x108  }
0x21: {  	s3 =	sadd.s32 s3, s9;
	s6 =	sadd.s32 @!p0 $0x88, s6;
	s7 =	simm.s32 @p2 $0x1082  }
0x22: {  	[simem:s7], [sflag:s8] =	dma.local @!p0 [hbm:s6], $0xF7A  }
0x23: {  	s9 =	sor.u32 $0xD0000000, s2;
	s6 =	simm.s32 $0x108;
	_ =	swait.ge @!p0 [sflag:s8], $0x0  }
0x24: {  	s3 =	sadd.s32 $0x88, s3;
	s6 =	simm.s32 @!p1 $0x1082;
	[sflag:s4] =	ssyncset.s32 $0xFFFFF086  }
0x25: {  	[simem:s6], [sflag:s4] =	dma.local [hbm:s3], $0xF7A  }
0x26: {  	[smem:$0x3F95] =	sst s1;
	(tag) =	ssettag s2;
	_ =	strace s9  }
0x27: {  	s1 =	sld [smem:$0x3FA5]  }
0x28: {  	s2 =	sld [smem:$0x3FA6]  }
0x29: {  	s4 =	sld [smem:$0x3FA8]  }
0x2a: {  	p0 =	seq.s32 s5, $0x0;
	s5 =	sld [smem:$0x3FA9]  }
0x2b: {  	s6 =	sld [smem:$0x3FAA]  }
0x2c: {  	s7 =	sld [smem:$0x3FAB]  }
0x2d: {  	s3 =	simm.s32 $0x108;
	s8 =	sld [smem:$0x3FAC]  }
0x2e: {  	s3 =	simm.s32 @!p0 $0x1082;
	s9 =	sld [smem:$0x3FAD]  }
0x2f: {  	lr =	sadd.s32 s0, s3;
	s0 =	sld [smem:$0x3FA4]  }
0x30: {  	s3 =	sld [smem:$0x3FA7]  }
0x31: {  	[smem:$0x3FB0] =	sst s10  }
0x32: {  	s10 =	sld [smem:$0x3FAE];
	_ =	sdelay $0x3  }
0x33: {  	p0 =	seq.s32 s10, $0x1;
	s10 =	sld [smem:$0x3FB0];
	_ =	sdelay $0x3  }
0x34: {  	[smem:$0x3FB0] =	sst s10  }
0x35: {  	s10 =	sld [smem:$0x3FAF];
	_ =	sdelay $0x3  }
0x36: {  	p1 =	seq.s32 s10, $0x1;
	s10 =	sld [smem:$0x3FB0];
	_ =	sdelay $0x3  }
0x37: {  	[smem:$0x3FB0] =	sst s10  }
0x38: {  	s10 =	sld [smem:$0x3FB1]  }
0x39: {  	_ = 	snop;
	(pc) =	sbr.ind lr, $3  }
0x3a: {  	_ = 	snop  }
0x3b: {  	_ = 	snop  }
0x3c: {  	p2 =	seq.s32 s10, $0x1;
	s10 =	sld [smem:$0x3FB0]  }
0x3d: {  	_ =	shalt  }
0x3e: {  	_ =	shalt  }
0x3f: {  	_ =	shalt  }
0x40: {  	_ =	shalt  }
0x41: {  	_ =	shalt  }
0x42: {  	_ =	shalt  }
0x43: {  	_ =	shalt  }
0x44: {  	_ =	shalt  }
0x45: {  	_ =	shalt  }
0x46: {  	_ =	shalt  }
0x47: {  	_ =	shalt  }
0x48: {  	_ =	shalt  }
0x49: {  	_ =	shalt  }
0x4a: {  	_ =	shalt  }
0x4b: {  	_ =	shalt  }
0x4c: {  	_ =	shalt  }
0x4d: {  	_ =	shalt  }
0x4e: {  	_ =	shalt  }
0x4f: {  	_ =	shalt  }
0x50: {  	_ =	shalt  }
0x51: {  	_ =	shalt  }
0x52: {  	_ =	shalt  }
0x53: {  	_ =	shalt  }
0x54: {  	_ =	shalt  }
0x55: {  	_ =	shalt  }
0x56: {  	_ =	shalt  }
0x57: {  	_ =	shalt  }
0x58: {  	_ =	shalt  }
0x59: {  	_ =	shalt  }
0x5a: {  	_ =	shalt  }
0x5b: {  	_ =	shalt  }
0x5c: {  	_ =	shalt  }
0x5d: {  	_ =	shalt  }
0x5e: {  	_ =	shalt  }
0x5f: {  	_ =	shalt  }
0x60: {  	_ =	shalt  }
0x61: {  	_ =	shalt  }
0x62: {  	_ =	shalt  }
0x63: {  	_ =	shalt  }
0x64: {  	_ =	shalt  }
0x65: {  	_ =	shalt  }
0x66: {  	_ =	shalt  }
0x67: {  	_ =	shalt  }
0x68: {  	_ =	shalt  }
0x69: {  	_ =	shalt  }
0x6a: {  	_ =	shalt  }
0x6b: {  	_ =	shalt  }
0x6c: {  	_ =	shalt  }
0x6d: {  	_ =	shalt  }
0x6e: {  	_ =	shalt  }
0x6f: {  	_ =	shalt  }
0x70: {  	_ =	shalt  }
0x71: {  	_ =	shalt  }
0x72: {  	_ =	shalt  }
0x73: {  	_ =	shalt  }
0x74: {  	_ =	shalt  }
0x75: {  	_ =	shalt  }
0x76: {  	_ =	shalt  }
0x77: {  	_ =	shalt  }
0x78: {  	_ =	shalt  }
0x79: {  	_ =	shalt  }
0x7a: {  	_ =	shalt  }
0x7b: {  	_ =	shalt  }
0x7c: {  	_ =	shalt  }
0x7d: {  	_ =	shalt  }
0x7e: {  	_ =	shalt  }
0x7f: {  	_ =	shalt  }
0x80: {  	_ =	shalt  }
0x81: {  	_ =	shalt  }
0x82: {  	_ =	shalt  }
0x83: {  	_ =	shalt  }
0x84: {  	_ =	shalt  }
0x85: {  	_ =	shalt  }
0x86: {  	_ =	shalt  }
0x87: {  	_ =	shalt  }
.Lfunc_end0:
.L_simem_size_0:
called_computation.3_lowered:
.L_overlay_start_0:
0x88: {  	s2 =	sld [smem:$0x3FD9]  }
0x89: {  	s3 =	sld [smem:$0x3FFE];
	_ =	sdelay $0x1  }
0x8a: {  	s1 =	srdreg.scid  }
0x8b: {  	s0 =	sand.u32 $0x1, s1  }
0x8c: {  	s16 =	sshll.u32 s0, $0xA;
	s2 =	sadd.s32 s3, s2  }
0x8d: {  	s2 =	sadd.s32 s2, s16  }
0x8e: {  	[smem:$0x3FBC] =	sst s2  }
0x8f: {  	_ = 	snop  }
0x90: {  	(tm) =	ssettm $0x1  }
0x91: {  	s17 =	sld [smem:$0x3FFB];
	_ =	sdelay $0x3  }
0x92: {  	_ =	strace s17  }
0x93: {  	s2 =	sld [smem:$0x3FFC];
	_ =	sdelay $0x3  }
0x94: {  	_ =	strace s2  }
0x95: {  	s2 =	sld [smem:$0x3FFD];
	_ =	sdelay $0x3  }
0x96: {  	_ =	strace s2  }
0x97: {  	_ =	strace $0x8FFFFFFF  }
0x98: {  	s18 =	sld [smem:$0x3FDB];
	_ =	sdelay $0x1  }
0x99: {  	s19 =	simm.s32 $_scs_section_size  }
0x9a: {  	s4 =	simm.s32 $_size__tile_overlayer_lowered;
	s5 =	simm.s32 $_tile_overlayer_lowered  }
0x9b: {  	s22 =	simm.s32 $0x1BFF;
	s21 =	sshll.u32 s5, $0x1;
	s2 =	sadd.s32 s19, s18  }
0x9c: {  	s6 =	simm.s32 $0x0;
	s20 =	sshll.u32 s4, $0x1;
	s4 =	sadd.s32 s21, s2  }
0x9d: {  	[timem:s6], [sflag:s22] =	dma.local [hbm:s4], s20  }
0x9e: {  	_ =	swait.ge [sflag:s22], s20  }
0x9f: {  	s3 =	ssub.s32 $0x0, s20;
	[sflag:s22] =	ssyncset.done $0x0  }
0xa0: {  	[sflag:s22] =	ssyncadd.s32 s3;
	_ =	sdelay $0x1  }
0xa1: {  	s23 =	simm.s32 $0x1B8B  }
0xa2: {  	_ =	swait.ge [sflag:s23], $0x1  }
0xa3: {  	[sflag:s23] =	ssyncset.done $0x0  }
0xa4: {  	s25 =	simm.s32 $0x1B8E;
	s24 =	sld [smem:$0x3FFE];
	[sflag:s23] =	ssyncadd.s32 $0xFFFFFFFF  }
0xa5: {  	s26 =	simm.s32 $execute0_lowered;
	[smem:$0x3FD2] =	sst s25  }
0xa6: {  	s4 =	sshll.u32 s26, $0x1;
	_ =	strace $0x8000004F;
	[dreg:$0x1] =	wrdreg $0xFFFFFFFF  }
0xa7: {  	s28 =	simm.s32 $_size_execute0_lowered;
	s2 =	sadd.s32 s2, s4;
	[dreg:$0x0] =	wrdreg $0x0  }
0xa8: {  	s4 =	sshll.u32 s28, $0x1;
	[dreg:$0x2] =	wrdreg s2  }
0xa9: {  	[dreg:$0x3] =	wrdreg s4  }
0xaa: {  	[dreg:$0x4] =	wrdreg $0xC0  }
0xab: {  	_ =	task [dreg:s6], $0x5FFFF  }
0xac: {  	[dreg:$0x1] =	wrdreg $0xFFFFFFFF  }
0xad: {  	[dreg:$0x0] =	wrdreg $0x60  }
0xae: {  	[dreg:$0x2] =	wrdreg s24  }
0xaf: {  	[dreg:$0x3] =	wrdreg $0xA8000  }
0xb0: {  	[dreg:$0x4] =	wrdreg $0x9  }
0xb1: {  	_ =	task.clear_ibuf [dreg:s6], $0x5FFFF;
	_ =	strace $0x9000004F  }
0xb2: {  	s29 =	simm.s32 $0x9;
	_ =	strace $0x80000051  }
0xb3: {  	_ =	swait.ge [sflag:s29], $0x1  }
0xb4: {  	[sflag:s29] =	ssyncadd.s32 $0xFFFFFFFF  }
0xb5: {  	_ =	strace $0x90000051  }
0xb6: {  	_ =	sfence  }
0xb7: {  	s30 =	sld [smem:$0x0];
	_ =	sdelay $0x2  }
0xb8: {  	s31 =	sshll.u32 s1, $0xD;
	s1 =	sshrl.u32 s1, $0x2  }
0xb9: {  	s3 =	sand.u32 $0x4000, s31;
	s1 =	sadd.s32 s1, s30  }
0xba: {  	s0 =	sor.u32 s3, s0;
	s1 =	sshll.u32 s1, $0x11  }
0xbb: {  	s0 =	sor.u32 s1, s0  }
0xbc: {  	s0 =	sadd.s32 $0x8F2B, s0  }
0xbd: {  	[sflag:s0] =	ssyncadd.remote.s32 $0x1  }
0xbe: {  	_ =	sfence.sel $0xFFFF  }
0xbf: {  	[dreg:$0x0] =	wrdreg $0xFFFFFFFF;
	(pc) =	sbr.abs _section_cstart, $3  }
0xc0: {  	[dreg:$0x1] =	wrdreg $0xFFFFFFFF  }
0xc1: {  	_ =	task.clear_ibuf [dreg:s6], $0x2FFFF;
	_ =	strace $0x9FFFFFFF  }
0xc2: {  	(tm) =	ssettm $0x7FFFFFFF  }
0xc3: {  	_ =	shalt  }
tec
execute0_lowered:
.L_overlay_start_1:
0x0: {  	(tag) =	ssettag $0x1  }
0x1: {  	s0 =	rddreg [dreg:$0x0]  }
0x2: {  	s2 =	rddreg [dreg:$0x1]  }
0x3: {  	s1 =	srdreg.scid;
	s16 =	stileid.u32  }
0x4: {  	s3 =	simm.s32 $0x0;
	s17 =	simm.s32 $0x1;
	s18 =	simm.s32 $0x2  }
0x5: {  	s19 =	simm.s32 $0x80;
	s20 =	simm.s32 $0x2800;
	s21 =	simm.s32 $0x6800  }
0x6: {  	s22 =	simm.s32 $0x1480;
	s23 =	simm.s32 $0x3;
	s24 =	simm.s32 $0x100  }
0x7: {  	s25 =	simm.s32 $0x2700;
	s26 =	simm.s32 $0x1380;
	s28 =	simm.s32 $0x2780  }
0x8: {  	s29 =	simm.s32 $0x4;
	s30 =	simm.s32 $0x0;
	s8 =	smul.u32 $0x14000, s16  }
0x9: {  	s1 =	sand.u32 $0x1, s1;
	[smem:$0x7FF] =	sst s3;
	s12 =	smul.u32 $0x3, s16  }
0xa: {  	s4 =	sadd.s32 $0x17E00, s0;
	s5 =	sadd.s32 $0xDE00, s0;
	s13 =	smul.u32 $0x50000, s16  }
0xb: {  	s6 =	sadd.s32 $0x3E00, s0;
	s7 =	smul.u32 $0x140000, s1;
	s9 =	ssub.s32 $0x2, s1  }
0xc: {  	_ =	strace $0x80000050;
	p0 =	seq.s32 s1, $0x0;
	s11 =	sshrl.u32 s9, $0x1  }
0xd: {  	s31 =	sshrl.u32 s13, $0x2;
	s7 =	sadd.s32 s8, s7;
	s14 =	ssub.s32 s9, s11  }
0xe: {  	s8 =	sshrl.u32 s8, $0x3;
	s15 =	sadd.s32 s31, s2;
	s9 =	sshll.u32 s16, $0x6  }
0xf: {  	s10 =	sshrl.u32 s7, $0x3;
	s7 =	sor.u32 $0x30, s16;
	s8 =	sadd.s32 s4, s8  }
0x10: {  	s14 =	smax.u32 s14, $0x1;
	s15 =	sshrl.u32 s15, $0x3;
	s7 =	smov.u32 @p0 s12  }
0x11: {  	s16 =	simm.s32 $0x1400;
	s0 =	sadd.s32 s10, s0;
	s12 =	smul.u32 $0x280, s7  }
0x12: {  	[dreg:$0x3] =	wrdreg s8;
	s10 =	sor.u32 $0x1C02, s9;
	p0 =	sne.s32 s1, $0x0  }
0x13: {  	s13 =	sadd.s32 $0x3FE00, s0;
	s11 =	sadd.s32 s5, s12;
	s12 =	sadd.s32 s6, s12  }
.LBB2_1:
0x14: {  	s0 =	rddreg [dreg:$0x3]  }
0x15: {  	[spmem:s15], [sflag:s10] =	dma.local [hbm:s0], $0x2800  }
0x16: {  	[tilespmem:s3], [sflag:$0x1] =	stream.linear.gather [hbm4b:s11+s3], $0x1400, $0x38;
	[tilespmem:$0x1E800] =	vst v63  }
0x17: {  	_ = 	snop  }
0x18: {  	[tilespmem:s16], [sflag:$0x1] =	stream.linear.gather [hbm4b:s12+s3], $0x1400, $0x38;
	[tilespmem:$0x1E800] =	vst v63  }
0x19: {  	_ =	swait.ge [sflag:s17], $0x1400  }
0x1a: {  	[sflag:s17] =	ssyncset.done $0x0  }
0x1b: {  	[sflag:s17] =	ssyncadd.s32 $0xFFFFEC00  }
0x1c: {  	_ =	swait.ge [sflag:s17], $0x1400  }
0x1d: {  	[sflag:s17] =	ssyncset.done $0x0  }
0x1e: {  	[sflag:s17] =	ssyncadd.s32 $0xFFFFEC00  }
0x1f: {  	_ =	swait.ge [sflag:s18], $0x2800  }
0x20: {  	[sflag:s18] =	ssyncset.done $0x0  }
0x21: {  	[sflag:s18] =	ssyncadd.s32 $0xFFFFD800  }
0x22: {  	s31 =	simm.s32 $0x0;
	[bflag:$0x0] =	sbarrier.arrive $0xFFFF  }
.LBB2_2:
0x23: {  	p1 =	seq.s32 s31, $0x0  }
0x24: {  	s0 =	sadd.s32 @!p1 s7, s31  }
0x25: {  	s0 =	smul.u32 @!p1 $0x280, s0;
	_ =	sdelay $0x1  }
0x26: {  	s8 =	simm.s32 @!p1 $0x0;
	s1 =	sadd.s32 @!p1 s5, s0  }
0x27: {  	[tilespmem:s8], [sflag:$0x1] =	stream.linear.gather @!p1 [hbm4b:s1+s8], $0x1400, $0x38;
	[tilespmem:$0x1E800] =	vst v63  }
0x28: {  	s0 =	sadd.s32 @!p1 s6, s0;
	s1 =	simm.s32 @!p1 $0x1400  }
0x29: {  	[tilespmem:s1], [sflag:$0x1] =	stream.linear.gather @!p1 [hbm4b:s0+s8], $0x1400, $0x38;
	[tilespmem:$0x1E800] =	vst v63  }
0x2a: {  	s0 =	simm.s32 @!p1 $0x1  }
0x2b: {  	_ =	swait.ge @!p1 [sflag:s0], $0x1400  }
0x2c: {  	[sflag:s0] =	ssyncset.done @!p1 $0x0  }
0x2d: {  	[sflag:s0] =	ssyncadd.s32 @!p1 $0xFFFFEC00  }
0x2e: {  	_ =	swait.ge @!p1 [sflag:s0], $0x1400  }
0x2f: {  	[sflag:s0] =	ssyncset.done @!p1 $0x0  }
0x30: {  	[sflag:s0] =	ssyncadd.s32 @!p1 $0xFFFFEC00  }
0x31: {  	[tilespmem:s20], [sflag:$0x2] =	stream.indirect.gather [hbm4b:s4+s19], $0x80, s3, s19, $0xb8;
	[tilespmem:$0x1E800] =	vst v63  }
0x32: {  	_ =	swait.ge [sflag:s18], $0x4000  }
0x33: {  	[sflag:s18] =	ssyncset.done $0x0  }
0x34: {  	[sflag:s18] =	ssyncadd.s32 $0xFFFFC000  }
0x35: {  	[spmem:s2] =	stream.indirect.scatter.add.f32 [tilespmem:s20], [sflag:$0x3], $0x80, s16, s19, $0xb8;
	[tilespmem:$0x1E800] =	vst v63  }
0x36: {  	_ = 	snop  }
0x37: {  	[tilespmem:s21], [sflag:$0x2] =	stream.indirect.gather [hbm4b:s4+s19], $0x80, s19, s19, $0xb8;
	[tilespmem:$0x1E800] =	vst v63  }
0x38: {  	_ =	swait.ge [sflag:s18], $0x4000  }
0x39: {  	[sflag:s18] =	ssyncset.done $0x0  }
0x3a: {  	[sflag:s18] =	ssyncadd.s32 $0xFFFFC000  }
0x3b: {  	[spmem:s2] =	stream.indirect.scatter.add.f32 [tilespmem:s21], [sflag:$0x3], $0x80, s22, s19, $0xb8;
	[tilespmem:$0x1E800] =	vst v63  }
0x3c: {  	_ =	swait.ge [sflag:s23], $0x4000  }
0x3d: {  	[sflag:s23] =	ssyncset.done $0x0  }
0x3e: {  	[sflag:s23] =	ssyncadd.s32 $0xFFFFC000  }
0x3f: {  	[tilespmem:s20], [sflag:$0x2] =	stream.indirect.gather [hbm4b:s4+s19], $0x80, s24, s19, $0xb8;
	[tilespmem:$0x1E800] =	vst v63  }
0x40: {  	_ =	swait.ge [sflag:s18], $0x4000  }
0x41: {  	[sflag:s18] =	ssyncset.done $0x0  }
0x42: {  	s8 =	simm.s32 $0x1500;
	[sflag:s18] =	ssyncadd.s32 $0xFFFFC000  }
0x43: {  	[spmem:s2] =	stream.indirect.scatter.add.f32 [tilespmem:s20], [sflag:$0x3], $0x80, s8, s19, $0xb8;
	[tilespmem:$0x1E800] =	vst v63  }
0x44: {  	_ =	swait.ge [sflag:s23], $0x4000  }
0x45: {  	[sflag:s23] =	ssyncset.done $0x0  }
0x46: {  	s1 =	simm.s32 $0x180;
	[sflag:s23] =	ssyncadd.s32 $0xFFFFC000  }
0x47: {  	[tilespmem:s21], [sflag:$0x2] =	stream.indirect.gather [hbm4b:s4+s19], $0x80, s1, s19, $0xb8;
	[tilespmem:$0x1E800] =	vst v63  }
0x48: {  	_ =	swait.ge [sflag:s18], $0x4000  }
0x49: {  	[sflag:s18] =	ssyncset.done $0x0  }
0x4a: {  	s8 =	simm.s32 $0x1580;
	[sflag:s18] =	ssyncadd.s32 $0xFFFFC000  }
0x4b: {  	[spmem:s2] =	stream.indirect.scatter.add.f32 [tilespmem:s21], [sflag:$0x3], $0x80, s8, s19, $0xb8;
	[tilespmem:$0x1E800] =	vst v63  }
0x4c: {  	_ =	swait.ge [sflag:s23], $0x4000  }
0x4d: {  	[sflag:s23] =	ssyncset.done $0x0  }
0x4e: {  	s0 =	simm.s32 $0xFFFFBC00;
	s1 =	simm.s32 $0x200;
	[sflag:s23] =	ssyncadd.s32 $0xFFFFC000  }
.LBB2_3:
0x4f: {  	[tilespmem:s20], [sflag:$0x2] =	stream.indirect.gather [hbm4b:s4+s19], $0x80, s1, s19, $0xb8;
	[tilespmem:$0x1E800] =	vst v63  }
0x50: {  	s1 =	smov.u32 s0  }
0x51: {  	p1 =	sne.s32 s0, $0xFFFFFC00;
	s0 =	sadd.s32 $0x400, s0;
	_ =	swait.ge [sflag:s18], $0x4000  }
0x52: {  	s1 =	sshra.s32 s1, $0x2;
	[sflag:s18] =	ssyncset.done $0x0  }
0x53: {  	s8 =	sadd.s32 $0x2700, s1;
	[sflag:s18] =	ssyncadd.s32 $0xFFFFC000  }
0x54: {  	[spmem:s2] =	stream.indirect.scatter.add.f32 [tilespmem:s20], [sflag:$0x3], $0x80, s8, s19, $0xb8;
	[tilespmem:$0x1E800] =	vst v63  }
0x55: {  	_ =	swait.ge [sflag:s23], $0x4000  }
0x56: {  	[sflag:s23] =	ssyncset.done $0x0  }
0x57: {  	s8 =	sadd.s32 $0x1380, s1;
	[sflag:s23] =	ssyncadd.s32 $0xFFFFC000  }
0x58: {  	[tilespmem:s21], [sflag:$0x2] =	stream.indirect.gather [hbm4b:s4+s19], $0x80, s8, s19, $0xb8;
	[tilespmem:$0x1E800] =	vst v63  }
0x59: {  	_ =	swait.ge [sflag:s18], $0x4000  }
0x5a: {  	[sflag:s18] =	ssyncset.done $0x0  }
.Ltmp0:
0x5b: {  	s8 =	sadd.s32 $0x2780, s1;
	[sflag:s18] =	ssyncadd.s32 $0xFFFFC000;
	(pc) =	sbr.rel @p1 .LBB2_3-.Ltmp0, $4  }
0x5c: {  	[spmem:s2] =	stream.indirect.scatter.add.f32 [tilespmem:s21], [sflag:$0x3], $0x80, s8, s19, $0xb8;
	[tilespmem:$0x1E800] =	vst v63  }
0x5d: {  	_ =	swait.ge [sflag:s23], $0x4000  }
0x5e: {  	[sflag:s23] =	ssyncset.done $0x0  }
0x5f: {  	s1 =	sadd.s32 $0x1400, s1;
	[sflag:s23] =	ssyncadd.s32 $0xFFFFC000  }
0x60: {  	[tilespmem:s20], [sflag:$0x2] =	stream.indirect.gather [hbm4b:s4+s19], $0x80, s1, s19, $0xb8;
	[tilespmem:$0x1E800] =	vst v63  }
0x61: {  	_ =	swait.ge [sflag:s18], $0x4000  }
0x62: {  	[sflag:s18] =	ssyncset.done $0x0  }
0x63: {  	[sflag:s18] =	ssyncadd.s32 $0xFFFFC000  }
0x64: {  	[spmem:s2] =	stream.indirect.scatter.add.f32 [tilespmem:s20], [sflag:$0x3], $0x80, s25, s19, $0xb8;
	[tilespmem:$0x1E800] =	vst v63  }
0x65: {  	_ =	swait.ge [sflag:s23], $0x4000  }
0x66: {  	[sflag:s23] =	ssyncset.done $0x0  }
0x67: {  	[sflag:s23] =	ssyncadd.s32 $0xFFFFC000  }
0x68: {  	[tilespmem:s21], [sflag:$0x2] =	stream.indirect.gather [hbm4b:s4+s19], $0x80, s26, s19, $0xb8;
	[tilespmem:$0x1E800] =	vst v63  }
0x69: {  	_ =	swait.ge [sflag:s18], $0x4000  }
0x6a: {  	[sflag:s18] =	ssyncset.done $0x0  }
0x6b: {  	p1 =	slt.u32 @!p0 s31, $0x2;
	[sflag:s18] =	ssyncadd.s32 $0xFFFFC000  }
0x6c: {  	[spmem:s2] =	stream.indirect.scatter.add.f32 [tilespmem:s21], [sflag:$0x3], $0x80, s28, s19, $0xb8;
	[tilespmem:$0x1E800] =	vst v63  }
0x6d: {  	p1 =	por p0, !p1;
	_ =	swait.ge [sflag:s23], $0x4000  }
.Ltmp1:
0x6e: {  	[sflag:s23] =	ssyncset.done $0x0;
	(pc) =	sbr.rel @!p1 .LBB2_2-.Ltmp1, $4  }
0x6f: {  	[sflag:s23] =	ssyncadd.s32 $0xFFFFC000  }
0x70: {  	_ =	swait.ge [sflag:s23], $0x4000  }
0x71: {  	[sflag:s23] =	ssyncset.done $0x0  }
0x72: {  	s31 =	sadd.s32 $0x1, s31;
	[sflag:s23] =	ssyncadd.s32 $0xFFFFC000  }
0x73: {  	s30 =	sadd.s32 $0x1, s30  }
0x74: {  	p1 =	sne.s32 s30, s14  }
.Ltmp2:
0x75: {  	[bflag:$0x0] =	sbarrier.arrive $0xFFFF;
	s0 =	sor.u32 $0x1C04, s9;
	(pc) =	sbr.rel @p1 .LBB2_1-.Ltmp2, $4  }
0x76: {  	[hbm:s13], [sflag:s0] =	dma.local [spmem:s15], $0x2800  }
0x77: {  	_ =	swait.ge [sflag:s29], $0x2800  }
0x78: {  	[sflag:s29] =	ssyncset.done $0x0  }
0x79: {  	[sflag:s29] =	ssyncadd.s32 $0xFFFFD800  }
0x7a: {  	_ =	sfence.sel $0x180000  }
0x7b: {  	[bflag:$0x0] =	sbarrier.arrive $0xFFFF  }
0x7c: {  	_ =	strace $0x90000050  }
0x7d: {  	s0 =	stileid.u32;
	[bflag:$0x2] =	sbarrier.arrive $0xFFFF  }
0x7e: {  	p0 =	sne.s32 s0, $0x0;
	s0 =	rddreg [dreg:$0x2]  }
0x7f: {  	s0 =	sadd.s32 @!p0 $0x100000, s0  }
0x80: {  	[sflag:s0] =	ssyncadd.tile.s32 @!p0 $0x1;
	_ =	shalt  }
.Lfunc_end2:
_tile_overlayer_lowered:
.L_overlay_start_2:
0x81: {  	(tag) =	ssettag $0x2  }
0x82: {  	s0 =	rddreg [dreg:$0x0];
	s2 =	stileid.u32  }
0x83: {  	s1 =	rddreg [dreg:$0x1];
	p0 =	sne.s32 s2, $0x0  }
0x84: {  	s3 =	rddreg [dreg:$0x2];
	[bflag:$0x3] =	sbarrier.arrive $0xFFFF;
	s2 =	simm.s32 @!p0 $0x1C04  }
0x85: {  	[timem:s3], [sflag:s2] =	dma.local @!p0 [hbm:s0], s1  }
0x86: {  	s0 =	simm.s32 @!p0 $0x4  }
0x87: {  	_ =	swait.ge @!p0 [sflag:s0], s1  }
0x88: {  	s1 =	ssub.s32 @!p0 $0x0, s1;
	[sflag:s0] =	ssyncset.done @!p0 $0x0  }
0x89: {  	[sflag:s0] =	ssyncadd.s32 @!p0 s1  }
0x8a: {  	[bflag:$0x3] =	sbarrier.arrive $0xFFFF  }
0x8b: {  	_ =	shalt  }

</sc_bundles>
